<compile_context>
chip_gen: v7x
topology: tpu7x:2x2x1
jax: 0.10.2.dev20260603
libtpu: 0.0.44.dev20260713+nightly
codegen_flags: <defaults>
</compile_context>

<pallas_src>
import functools

import jax
import jax.numpy as jnp
from jax import lax
from jax.experimental import pallas as pl
from jax.experimental.pallas import tpu as pltpu
from jax.experimental.pallas import tpu_sc as plsc

N_PAD = 10240
DFEAT = 128
NW = 32
CSZ = 128
NCHUNK = 2560
E_PAD = NCHUNK * CSZ
WCH = NCHUNK // NW
CPP = 40
DEG_CH = NCHUNK // NW
DEG_CPP = 40
TROWS = N_PAD // 16
PBUCK = 128
POOL_W = 16
POOL_ROWS = N_PAD // POOL_W
NUM_G = 64

_MESH = plsc.VectorSubcoreMesh(core_axis_name="c", subcore_axis_name="s")



def _sc_degree(dst3, ones8, zc8):

  @functools.partial(
      pl.kernel,
      out_type=(jax.ShapeDtypeStruct((N_PAD, 8), jnp.float32),
                jax.ShapeDtypeStruct((N_PAD, 8), jnp.float32)),
      mesh=_MESH,
      scratch_types=[
          pltpu.VMEM_SHARED((N_PAD, 8), jnp.float32),
          pltpu.VMEM((DEG_CPP, CSZ), jnp.int32),
          pltpu.VMEM((CSZ, 8), jnp.float32),
      ],
  )
  def k(dst_hbm, ones_hbm, zc_hbm, outa_hbm, outb_hbm, table, dst_v, ones_v):
    c = lax.axis_index("c")
    s = lax.axis_index("s")
    wid = c * 16 + s
    pltpu.sync_copy(zc_hbm, table.at[pl.ds(s * TROWS, TROWS)])
    pltpu.sync_copy(ones_hbm, ones_v)
    plsc.subcore_barrier()

    def body(j, carry):
      pltpu.sync_copy(ones_v, table.at[dst_v.at[j]], add=True)
      return carry

    for ph in range(DEG_CH // DEG_CPP):
      pltpu.sync_copy(dst_hbm.at[pl.ds(wid * DEG_CH + ph * DEG_CPP, DEG_CPP)],
                      dst_v)
      lax.fori_loop(0, DEG_CPP, body, 0)
    plsc.subcore_barrier()

    @pl.when(c == 0)
    def _():
      pltpu.sync_copy(table.at[pl.ds(s * TROWS, TROWS)],
                      outa_hbm.at[pl.ds(s * TROWS, TROWS)])

    @pl.when(c == 1)
    def _():
      pltpu.sync_copy(table.at[pl.ds(s * TROWS, TROWS)],
                      outb_hbm.at[pl.ds(s * TROWS, TROWS)])

  return k(dst3, ones8, zc8)


def _sc_scatter(m, src3, dst3):

  @functools.partial(
      pl.kernel,
      out_type=(jax.ShapeDtypeStruct((N_PAD, DFEAT), jnp.float32),
                jax.ShapeDtypeStruct((N_PAD, DFEAT), jnp.float32)),
      mesh=_MESH,
      scratch_types=[
          pltpu.VMEM_SHARED((N_PAD, DFEAT), jnp.float32),
          pltpu.VMEM((CPP, CSZ), jnp.int32),
          pltpu.VMEM((CPP, CSZ), jnp.int32),
          pltpu.VMEM((CSZ, DFEAT), jnp.float32),
          pltpu.VMEM((CSZ, DFEAT), jnp.float32),
          pltpu.SemaphoreType.DMA,
          pltpu.SemaphoreType.DMA,
      ],
  )
  def k(m_hbm, src_hbm, dst_hbm, outa_hbm, outb_hbm,
        acc, src_v, dst_v, rows0, rows1, sem0, sem1):
    c = lax.axis_index("c")
    s = lax.axis_index("s")
    wid = c * 16 + s

    def zbody(i, carry):
      rows0[i // 8, pl.ds((i % 8) * 16, 16)] = jnp.zeros((16,), jnp.float32)
      return carry

    lax.fori_loop(0, CSZ * 8, zbody, 0)
    for kblk in range(TROWS // CSZ):
      pltpu.sync_copy(rows0, acc.at[pl.ds(s * TROWS + kblk * CSZ, CSZ)])
    plsc.subcore_barrier()

    def body(i, carry):
      j0 = 2 * i
      j1 = j0 + 1
      pltpu.async_copy(m_hbm.at[src_v.at[j1]], rows1, sem1)
      pltpu.make_async_copy(m_hbm.at[src_v.at[j0]], rows0, sem0).wait()
      pltpu.sync_copy(rows0, acc.at[dst_v.at[j0]], add=True)

      @pl.when(j0 + 2 < CPP)
      def _():
        pltpu.async_copy(m_hbm.at[src_v.at[j0 + 2]], rows0, sem0)

      pltpu.make_async_copy(m_hbm.at[src_v.at[j1]], rows1, sem1).wait()
      pltpu.sync_copy(rows1, acc.at[dst_v.at[j1]], add=True)
      return carry

    def phase(ph, carry):
      base = wid * WCH + ph * CPP
      pltpu.sync_copy(src_hbm.at[pl.ds(base, CPP)], src_v)
      pltpu.sync_copy(dst_hbm.at[pl.ds(base, CPP)], dst_v)
      pltpu.async_copy(m_hbm.at[src_v.at[0]], rows0, sem0)
      lax.fori_loop(0, CPP // 2, body, 0)
      return carry

    lax.fori_loop(0, WCH // CPP, phase, 0)
    plsc.subcore_barrier()

    @pl.when(c == 0)
    def _():
      pltpu.sync_copy(acc.at[pl.ds(s * TROWS, TROWS)],
                      outa_hbm.at[pl.ds(s * TROWS, TROWS)])

    @pl.when(c == 1)
    def _():
      pltpu.sync_copy(acc.at[pl.ds(s * TROWS, TROWS)],
                      outb_hbm.at[pl.ds(s * TROWS, TROWS)])

  return k(m, src3, dst3)


def _sc_pool(z8, batch3, zc8):

  @functools.partial(
      pl.kernel,
      out_type=(jax.ShapeDtypeStruct((PBUCK, 8), jnp.float32),
                jax.ShapeDtypeStruct((PBUCK, 8), jnp.float32)),
      mesh=_MESH,
      scratch_types=[
          pltpu.VMEM_SHARED((PBUCK, 8), jnp.float32),
          pltpu.VMEM((POOL_ROWS // CSZ, CSZ), jnp.int32),
          pltpu.VMEM((POOL_ROWS, 8), jnp.float32),
      ],
  )
  def k(z_hbm, b_hbm, zc_hbm, outa_hbm, outb_hbm, table, b_v, z_v):
    c = lax.axis_index("c")
    s = lax.axis_index("s")

    @pl.when(s == 0)
    def _():
      pltpu.sync_copy(zc_hbm.at[pl.ds(0, PBUCK)], table)

    plsc.subcore_barrier()

    @pl.when(s < POOL_W // 2)
    def _():
      pw = c * (POOL_W // 2) + s
      pltpu.sync_copy(z_hbm.at[pl.ds(pw * POOL_ROWS, POOL_ROWS)], z_v)
      pltpu.sync_copy(b_hbm.at[pw], b_v)

      def body(j, carry):
        pltpu.sync_copy(z_v.at[pl.ds(j * CSZ, CSZ)],
                        table.at[b_v.at[j]], add=True)
        return carry

      lax.fori_loop(0, POOL_ROWS // CSZ, body, 0)

    plsc.subcore_barrier()

    @pl.when((s == 0) & (c == 0))
    def _():
      pltpu.sync_copy(table, outa_hbm)

    @pl.when((s == 0) & (c == 1))
    def _():
      pltpu.sync_copy(table, outb_hbm)

  return k(z8, batch3, zc8)



_BLK = 1024


def _tc_matmul(x, w):

  def body(x_ref, w_ref, o_ref):
    o_ref[...] = jnp.dot(x_ref[...], w_ref[...],
                         preferred_element_type=jnp.float32,
                         precision=lax.Precision.HIGHEST)

  return pl.pallas_call(
      body,
      grid=(N_PAD // _BLK,),
      in_specs=[
          pl.BlockSpec((_BLK, DFEAT), lambda i: (i, 0)),
          pl.BlockSpec((DFEAT, DFEAT), lambda i: (0, 0)),
      ],
      out_specs=pl.BlockSpec((_BLK, DFEAT), lambda i: (i, 0)),
      out_shape=jax.ShapeDtypeStruct((N_PAD, DFEAT), jnp.float32),
  )(x, w)


def _tc_scale(p, dga, dgb):

  def body(p_ref, da_ref, db_ref, o_ref):
    dinv = lax.rsqrt(da_ref[:, 0:1] + db_ref[:, 0:1] + 1.0)
    o_ref[...] = dinv * p_ref[...]

  return pl.pallas_call(
      body,
      grid=(N_PAD // _BLK,),
      in_specs=[
          pl.BlockSpec((_BLK, DFEAT), lambda i: (i, 0)),
          pl.BlockSpec((_BLK, 8), lambda i: (i, 0)),
          pl.BlockSpec((_BLK, 8), lambda i: (i, 0)),
      ],
      out_specs=pl.BlockSpec((_BLK, DFEAT), lambda i: (i, 0)),
      out_shape=jax.ShapeDtypeStruct((N_PAD, DFEAT), jnp.float32),
  )(p, dga, dgb)


def _tc_layer2(s1a, s1b, h1, dga, dgb, b1, w2):

  def body(sa_ref, sb_ref, h_ref, da_ref, db_ref, b_ref, w_ref, o_ref):
    dinv = lax.rsqrt(da_ref[:, 0:1] + db_ref[:, 0:1] + 1.0)
    t = dinv * (sa_ref[...] + sb_ref[...] + h_ref[...]) + b_ref[...]
    t = jnp.maximum(t, 0.0)
    o_ref[...] = dinv * jnp.dot(t, w_ref[...],
                                preferred_element_type=jnp.float32,
                                precision=lax.Precision.HIGHEST)

  return pl.pallas_call(
      body,
      grid=(N_PAD // _BLK,),
      in_specs=[
          pl.BlockSpec((_BLK, DFEAT), lambda i: (i, 0)),
          pl.BlockSpec((_BLK, DFEAT), lambda i: (i, 0)),
          pl.BlockSpec((_BLK, DFEAT), lambda i: (i, 0)),
          pl.BlockSpec((_BLK, 8), lambda i: (i, 0)),
          pl.BlockSpec((_BLK, 8), lambda i: (i, 0)),
          pl.BlockSpec((1, DFEAT), lambda i: (0, 0)),
          pl.BlockSpec((DFEAT, DFEAT), lambda i: (0, 0)),
      ],
      out_specs=pl.BlockSpec((_BLK, DFEAT), lambda i: (i, 0)),
      out_shape=jax.ShapeDtypeStruct((N_PAD, DFEAT), jnp.float32),
  )(s1a, s1b, h1, dga, dgb, b1, w2)


def _tc_head(s2a, s2b, h2, dga, dgb, b2, wfc8):

  def body(sa_ref, sb_ref, h_ref, da_ref, db_ref, b_ref, w_ref, o_ref):
    dinv = lax.rsqrt(da_ref[:, 0:1] + db_ref[:, 0:1] + 1.0)
    t = dinv * (sa_ref[...] + sb_ref[...] + h_ref[...]) + b_ref[...]
    z8 = jnp.dot(t, w_ref[...], preferred_element_type=jnp.float32,
                 precision=lax.Precision.HIGHEST)
    lane = lax.broadcasted_iota(jnp.int32, (_BLK, 8), 1)
    o_ref[...] = z8 + (lane == 1).astype(jnp.float32)

  return pl.pallas_call(
      body,
      grid=(N_PAD // _BLK,),
      in_specs=[
          pl.BlockSpec((_BLK, DFEAT), lambda i: (i, 0)),
          pl.BlockSpec((_BLK, DFEAT), lambda i: (i, 0)),
          pl.BlockSpec((_BLK, DFEAT), lambda i: (i, 0)),
          pl.BlockSpec((_BLK, 8), lambda i: (i, 0)),
          pl.BlockSpec((_BLK, 8), lambda i: (i, 0)),
          pl.BlockSpec((1, DFEAT), lambda i: (0, 0)),
          pl.BlockSpec((DFEAT, 8), lambda i: (0, 0)),
      ],
      out_specs=pl.BlockSpec((_BLK, 8), lambda i: (i, 0)),
      out_shape=jax.ShapeDtypeStruct((N_PAD, 8), jnp.float32),
  )(s2a, s2b, h2, dga, dgb, b2, wfc8)



def kernel(x, edge_index, batch, W1, b1, W2, b2, Wfc, bfc):
  n = x.shape[0]
  e = edge_index.shape[1]

  xp = jnp.pad(x.astype(jnp.float32), ((0, N_PAD - n), (0, 0)))
  pad_idx = n + jnp.arange(E_PAD - e, dtype=jnp.int32) % (N_PAD - n)
  src = jnp.concatenate(
      [edge_index[0].astype(jnp.int32), pad_idx]).reshape(NCHUNK, CSZ)
  pad_dst = pad_idx
  dst = jnp.concatenate(
      [edge_index[1].astype(jnp.int32), pad_dst]).reshape(NCHUNK, CSZ)
  batch3 = jnp.concatenate(
      [batch.astype(jnp.int32),
       jnp.full((N_PAD - n,), PBUCK - 1, jnp.int32)]
  ).reshape(POOL_W, POOL_ROWS // CSZ, CSZ)

  ones8 = jnp.concatenate(
      [jnp.ones((CSZ, 1), jnp.float32), jnp.zeros((CSZ, 7), jnp.float32)], 1)
  zc8 = jnp.zeros((TROWS, 8), jnp.float32)

  p1 = _tc_matmul(xp, W1)
  dga, dgb = _sc_degree(dst, ones8, zc8)
  h1 = _tc_scale(p1, dga, dgb)
  s1a, s1b = _sc_scatter(h1, src, dst)
  h2 = _tc_layer2(s1a, s1b, h1, dga, dgb, b1.reshape(1, DFEAT), W2)
  s2a, s2b = _sc_scatter(h2, src, dst)
  wfc8 = jnp.pad(Wfc, ((0, 0), (0, 7)))
  z8 = _tc_head(s2a, s2b, h2, dga, dgb, b2.reshape(1, DFEAT), wfc8)

  pa, pb = _sc_pool(z8, batch3, zc8)
  pool = pa + pb
  sums = pool[:NUM_G, 0]
  cnts = pool[:NUM_G, 1]
  return (sums / jnp.maximum(cnts, 1.0))[:, None] + bfc

# --- scband reference (transcript-rebuilt; emitter-appended) ---
"""Pipeline reference for scband-gnn-17532056502678 (READ-ONLY COPY).

The authoritative reference and input builder live on the scoring server;
editing this copy changes nothing except your own understanding.
"""

import jax, jax.numpy as jnp
import numpy as np

N = 10000
E = 320000
D = 128
H = 128
O = 128
G = 64

def setup_inputs(seed: int = 0) -> dict:
    key = jax.random.key(seed)
    ks = jax.random.split(key, 9)
    x = jax.random.normal(ks[0], (N, D), dtype=jnp.float32)
    edge_index = jax.random.randint(ks[1], (2, E), 0, N, dtype=jnp.int32)
    batch = jnp.sort(jax.random.randint(ks[2], (N,), 0, G, dtype=jnp.int32))
    W1 = jax.random.normal(ks[3], (D, H), dtype=jnp.float32) * (1.0 / np.sqrt(D))
    b1 = jnp.zeros((H,), dtype=jnp.float32)
    W2 = jax.random.normal(ks[4], (H, O), dtype=jnp.float32) * (1.0 / np.sqrt(H))
    b2 = jnp.zeros((O,), dtype=jnp.float32)
    Wfc = jax.random.normal(ks[5], (O, 1), dtype=jnp.float32) * (1.0 / np.sqrt(O))
    bfc = jnp.zeros((1,), dtype=jnp.float32)
    return {"x": x, "edge_index": edge_index, "batch": batch,
            "W1": W1, "b1": b1, "W2": W2, "b2": b2, "Wfc": Wfc, "bfc": bfc}

def _gcn_conv(x, edge_index, W, b):
    n = x.shape[0]
    loop = jnp.arange(n, dtype=edge_index.dtype)
    src = jnp.concatenate([edge_index[0], loop])
    dst = jnp.concatenate([edge_index[1], loop])
    deg = jnp.zeros((n,), dtype=x.dtype).at[dst].add(1.0)
    dinv = jnp.where(deg > 0, jax.lax.rsqrt(jnp.maximum(deg, 1e-12)), 0.0)
    norm = dinv[src] * dinv[dst]
    h = x @ W
    msg = h[src] * norm[:, None]
    out = jnp.zeros((n, W.shape[1]), dtype=x.dtype).at[dst].add(msg)
    return out + b

def _global_mean_pool(x, batch, num_graphs):
    sums = jax.ops.segment_sum(x, batch, num_segments=num_graphs)
    cnts = jax.ops.segment_sum(jnp.ones((x.shape[0],), dtype=x.dtype), batch, num_segments=num_graphs)
    return sums / jnp.maximum(cnts, 1.0)[:, None]

def reference(x, edge_index, batch, W1, b1, W2, b2, Wfc, bfc):
    h = _gcn_conv(x, edge_index, W1, b1)
    h = jax.nn.relu(h)
    # dropout is identity in eval mode (training=False)
    h = _gcn_conv(h, edge_index, W2, b2)
    g = _global_mean_pool(h, batch, G)
    out = g @ Wfc + bfc
    return out

if __name__ == "__main__":
    import jax
    _d = setup_inputs()
    print(jax.jit(kernel)(*tuple(_d.values())))

</pallas_src>

<mosaic_0001>
#map = affine_map<(d0, d1) -> (0, 0)>
module attributes {stable_mosaic.version = 14 : i64} {
  func.func @k(%arg0: i32, %arg1: i32, %arg2: memref<2560x128xi32, #tpu.memory_space<hbm>>, %arg3: memref<128x8xf32, #tpu.memory_space<hbm>>, %arg4: memref<640x8xf32, #tpu.memory_space<hbm>>, %arg5: memref<10240x8xf32, #tpu.memory_space<hbm>>, %arg6: memref<10240x8xf32, #tpu.memory_space<hbm>>, %arg7: memref<10240x8xf32, #tpu.memory_space<vmem_shared>>, %arg8: memref<40x128xi32, #tpu.memory_space<vmem>>, %arg9: memref<128x8xf32, #tpu.memory_space<vmem>>) attributes {dimension_semantics = [#tpu.dimension_semantics<core_parallel>, #tpu.dimension_semantics<subcore_parallel>], iteration_bounds = array<i64: 2, 16>, scalar_prefetch = 0 : i64, scratch_operands = 3 : i64, tpu.core_type = #tpu.core_type<sc_vector_subcore>, window_params = [{transform_indices = #map}, {transform_indices = #map}, {transform_indices = #map}, {transform_indices = #map}, {transform_indices = #map}]} {
    %mul3A = arith.constant 16 : i32
    %mul3A_0 = arith.muli %arg0, %mul3A : i32
    %add3A = arith.addi %mul3A_0, %arg1 : i32
    %mul3A_1 = arith.constant 640 : i32
    %mul3A_2 = arith.muli %arg1, %mul3A_1 : i32
    "tpu.region"() ({
      %run_scoped3A = tpu.sem_alloc : memref<!tpu.dma_semaphore, #tpu.memory_space<semaphore_mem>>
      %dma_start3A = arith.constant 0 : i32
      %dma_start3A_30 = tpu.memref_slice %arg7[%mul3A_2, %dma_start3A] : memref<10240x8xf32, #tpu.memory_space<vmem_shared>> -> memref<640x8xf32, #tpu.memory_space<vmem_shared>>
      tpu.enqueue_dma source(%arg4 : memref<640x8xf32, #tpu.memory_space<hbm>>) target(%dma_start3A_30 : memref<640x8xf32, #tpu.memory_space<vmem_shared>>) target_semaphore(%run_scoped3A : memref<!tpu.dma_semaphore, #tpu.memory_space<semaphore_mem>>)
      %dma_wait3A = arith.constant 0 : i32
      %dma_wait3A_31 = tpu.memref_slice %arg7[%mul3A_2, %dma_wait3A] : memref<10240x8xf32, #tpu.memory_space<vmem_shared>> -> memref<640x8xf32, #tpu.memory_space<vmem_shared>>
      tpu.wait_dma2 semaphore(%run_scoped3A : memref<!tpu.dma_semaphore, #tpu.memory_space<semaphore_mem>>) src(%arg4 : memref<640x8xf32, #tpu.memory_space<hbm>>) dst(%dma_wait3A_31 : memref<640x8xf32, #tpu.memory_space<vmem_shared>>)
      tpu.yield
    }) : () -> ()
    "tpu.region"() ({
      %run_scoped3A = tpu.sem_alloc : memref<!tpu.dma_semaphore, #tpu.memory_space<semaphore_mem>>
      tpu.enqueue_dma source(%arg3 : memref<128x8xf32, #tpu.memory_space<hbm>>) target(%arg9 : memref<128x8xf32, #tpu.memory_space<vmem>>) target_semaphore(%run_scoped3A : memref<!tpu.dma_semaphore, #tpu.memory_space<semaphore_mem>>)
      tpu.wait_dma2 semaphore(%run_scoped3A : memref<!tpu.dma_semaphore, #tpu.memory_space<semaphore_mem>>) src(%arg3 : memref<128x8xf32, #tpu.memory_space<hbm>>) dst(%arg9 : memref<128x8xf32, #tpu.memory_space<vmem>>)
      tpu.yield
    }) : () -> ()
    %barrier3A = arith.constant 0 : index
    tpu.barrier barrier_id(%barrier3A)
    %mul3A_3 = arith.constant 80 : i32
    %mul3A_4 = arith.muli %add3A, %mul3A_3 : i32
    %add3A_5 = arith.constant 0 : i32
    %add3A_6 = arith.addi %mul3A_4, %add3A_5 : i32
    "tpu.region"() ({
      %run_scoped3A = tpu.sem_alloc : memref<!tpu.dma_semaphore, #tpu.memory_space<semaphore_mem>>
      %dma_start3A = arith.constant 0 : i32
      %dma_start3A_30 = tpu.memref_slice %arg2[%add3A_6, %dma_start3A] : memref<2560x128xi32, #tpu.memory_space<hbm>> -> memref<40x128xi32, #tpu.memory_space<hbm>>
      %dma_start3A_31 = arith.constant 0 : i32
      %dma_start3A_32 = tpu.memref_slice %arg2[%add3A_6, %dma_start3A_31] : memref<2560x128xi32, #tpu.memory_space<hbm>> -> memref<40x128xi32, #tpu.memory_space<hbm>>
      tpu.enqueue_dma source(%dma_start3A_32 : memref<40x128xi32, #tpu.memory_space<hbm>>) target(%arg8 : memref<40x128xi32, #tpu.memory_space<vmem>>) target_semaphore(%run_scoped3A : memref<!tpu.dma_semaphore, #tpu.memory_space<semaphore_mem>>)
      %dma_wait3A = arith.constant 0 : i32
      %dma_wait3A_33 = tpu.memref_slice %arg2[%add3A_6, %dma_wait3A] : memref<2560x128xi32, #tpu.memory_space<hbm>> -> memref<40x128xi32, #tpu.memory_space<hbm>>
      %dma_wait3A_34 = arith.constant 0 : i32
      %dma_wait3A_35 = tpu.memref_slice %arg2[%add3A_6, %dma_wait3A_34] : memref<2560x128xi32, #tpu.memory_space<hbm>> -> memref<40x128xi32, #tpu.memory_space<hbm>>
      tpu.wait_dma2 semaphore(%run_scoped3A : memref<!tpu.dma_semaphore, #tpu.memory_space<semaphore_mem>>) src(%dma_wait3A_35 : memref<40x128xi32, #tpu.memory_space<hbm>>) dst(%arg8 : memref<40x128xi32, #tpu.memory_space<vmem>>)
      tpu.yield
    }) : () -> ()
    %scan3A = arith.constant 0 : i32
    %scan3A_7 = arith.constant 0 : i32
    %scan3A_8 = arith.constant 40 : i32
    %scan3A_9 = arith.addi %scan3A_7, %scan3A_8 : i32
    %scan3A_10 = arith.constant 1 : i32
    scf.for %scan3A_30 = %scan3A_7 to %scan3A_9 step %scan3A_10  : i32 {
      "tpu.region"() ({
        %run_scoped3A = tpu.sem_alloc : memref<!tpu.dma_semaphore, #tpu.memory_space<semaphore_mem>>
        %dma_start3A = arith.constant 0 : i32
        %dma_start3A_31 = tpu.memref_slice %arg8[%scan3A_30, %dma_start3A] : memref<40x128xi32, #tpu.memory_space<vmem>> -> memref<1x128xi32, #tpu.memory_space<vmem>>
        %dma_start3A_32 = tpu.memref_squeeze %dma_start3A_31 : memref<1x128xi32, #tpu.memory_space<vmem>> -> memref<128xi32, #tpu.memory_space<vmem>>
        %dma_start3A_33 = arith.constant 0 : i32
        %dma_start3A_34 = arith.constant 0 : i32
        %dma_start3A_35 = tpu.memref_slice %arg7[%dma_start3A_33, %dma_start3A_34] : memref<10240x8xf32, #tpu.memory_space<vmem_shared>> -> memref<10240x8xf32, #tpu.memory_space<vmem_shared>>
        tpu.enqueue_indirect_dma source(%arg9 : memref<128x8xf32, #tpu.memory_space<vmem>>) target(%dma_start3A_35 : memref<10240x8xf32, #tpu.memory_space<vmem_shared>>) offsets(%dma_start3A_32 : memref<128xi32, #tpu.memory_space<vmem>>) semaphore(%run_scoped3A : memref<!tpu.dma_semaphore, #tpu.memory_space<semaphore_mem>>) {add = true}
        %dma_wait3A = arith.constant 0 : i32
        %dma_wait3A_36 = tpu.memref_slice %arg8[%scan3A_30, %dma_wait3A] : memref<40x128xi32, #tpu.memory_space<vmem>> -> memref<1x128xi32, #tpu.memory_space<vmem>>
        %dma_wait3A_37 = tpu.memref_squeeze %dma_wait3A_36 : memref<1x128xi32, #tpu.memory_space<vmem>> -> memref<128xi32, #tpu.memory_space<vmem>>
        %dma_wait3A_38 = arith.constant 0 : i32
        %dma_wait3A_39 = arith.constant 0 : i32
        %dma_wait3A_40 = tpu.memref_slice %arg7[%dma_wait3A_38, %dma_wait3A_39] : memref<10240x8xf32, #tpu.memory_space<vmem_shared>> -> memref<10240x8xf32, #tpu.memory_space<vmem_shared>>
        tpu.wait_indirect_dma semaphore(%run_scoped3A : memref<!tpu.dma_semaphore, #tpu.memory_space<semaphore_mem>>) src(%arg9 : memref<128x8xf32, #tpu.memory_space<vmem>>) dst(%dma_wait3A_40 : memref<10240x8xf32, #tpu.memory_space<vmem_shared>>)
        tpu.yield
      }) : () -> ()
    }
    %scan3A_11 = arith.constant 40 : i32
    %mul3A_12 = arith.constant 80 : i32
    %mul3A_13 = arith.muli %add3A, %mul3A_12 : i32
    %add3A_14 = arith.constant 40 : i32
    %add3A_15 = arith.addi %mul3A_13, %add3A_14 : i32
    "tpu.region"() ({
      %run_scoped3A = tpu.sem_alloc : memref<!tpu.dma_semaphore, #tpu.memory_space<semaphore_mem>>
      %dma_start3A = arith.constant 0 : i32
      %dma_start3A_30 = tpu.memref_slice %arg2[%add3A_15, %dma_start3A] : memref<2560x128xi32, #tpu.memory_space<hbm>> -> memref<40x128xi32, #tpu.memory_space<hbm>>
      %dma_start3A_31 = arith.constant 0 : i32
      %dma_start3A_32 = tpu.memref_slice %arg2[%add3A_15, %dma_start3A_31] : memref<2560x128xi32, #tpu.memory_space<hbm>> -> memref<40x128xi32, #tpu.memory_space<hbm>>
      tpu.enqueue_dma source(%dma_start3A_32 : memref<40x128xi32, #tpu.memory_space<hbm>>) target(%arg8 : memref<40x128xi32, #tpu.memory_space<vmem>>) target_semaphore(%run_scoped3A : memref<!tpu.dma_semaphore, #tpu.memory_space<semaphore_mem>>)
      %dma_wait3A = arith.constant 0 : i32
      %dma_wait3A_33 = tpu.memref_slice %arg2[%add3A_15, %dma_wait3A] : memref<2560x128xi32, #tpu.memory_space<hbm>> -> memref<40x128xi32, #tpu.memory_space<hbm>>
      %dma_wait3A_34 = arith.constant 0 : i32
      %dma_wait3A_35 = tpu.memref_slice %arg2[%add3A_15, %dma_wait3A_34] : memref<2560x128xi32, #tpu.memory_space<hbm>> -> memref<40x128xi32, #tpu.memory_space<hbm>>
      tpu.wait_dma2 semaphore(%run_scoped3A : memref<!tpu.dma_semaphore, #tpu.memory_space<semaphore_mem>>) src(%dma_wait3A_35 : memref<40x128xi32, #tpu.memory_space<hbm>>) dst(%arg8 : memref<40x128xi32, #tpu.memory_space<vmem>>)
      tpu.yield
    }) : () -> ()
    %scan3A_16 = arith.constant 0 : i32
    %scan3A_17 = arith.constant 0 : i32
    %scan3A_18 = arith.constant 40 : i32
    %scan3A_19 = arith.addi %scan3A_17, %scan3A_18 : i32
    %scan3A_20 = arith.constant 1 : i32
    scf.for %scan3A_30 = %scan3A_17 to %scan3A_19 step %scan3A_20  : i32 {
      "tpu.region"() ({
        %run_scoped3A = tpu.sem_alloc : memref<!tpu.dma_semaphore, #tpu.memory_space<semaphore_mem>>
        %dma_start3A = arith.constant 0 : i32
        %dma_start3A_31 = tpu.memref_slice %arg8[%scan3A_30, %dma_start3A] : memref<40x128xi32, #tpu.memory_space<vmem>> -> memref<1x128xi32, #tpu.memory_space<vmem>>
        %dma_start3A_32 = tpu.memref_squeeze %dma_start3A_31 : memref<1x128xi32, #tpu.memory_space<vmem>> -> memref<128xi32, #tpu.memory_space<vmem>>
        %dma_start3A_33 = arith.constant 0 : i32
        %dma_start3A_34 = arith.constant 0 : i32
        %dma_start3A_35 = tpu.memref_slice %arg7[%dma_start3A_33, %dma_start3A_34] : memref<10240x8xf32, #tpu.memory_space<vmem_shared>> -> memref<10240x8xf32, #tpu.memory_space<vmem_shared>>
        tpu.enqueue_indirect_dma source(%arg9 : memref<128x8xf32, #tpu.memory_space<vmem>>) target(%dma_start3A_35 : memref<10240x8xf32, #tpu.memory_space<vmem_shared>>) offsets(%dma_start3A_32 : memref<128xi32, #tpu.memory_space<vmem>>) semaphore(%run_scoped3A : memref<!tpu.dma_semaphore, #tpu.memory_space<semaphore_mem>>) {add = true}
        %dma_wait3A = arith.constant 0 : i32
        %dma_wait3A_36 = tpu.memref_slice %arg8[%scan3A_30, %dma_wait3A] : memref<40x128xi32, #tpu.memory_space<vmem>> -> memref<1x128xi32, #tpu.memory_space<vmem>>
        %dma_wait3A_37 = tpu.memref_squeeze %dma_wait3A_36 : memref<1x128xi32, #tpu.memory_space<vmem>> -> memref<128xi32, #tpu.memory_space<vmem>>
        %dma_wait3A_38 = arith.constant 0 : i32
        %dma_wait3A_39 = arith.constant 0 : i32
        %dma_wait3A_40 = tpu.memref_slice %arg7[%dma_wait3A_38, %dma_wait3A_39] : memref<10240x8xf32, #tpu.memory_space<vmem_shared>> -> memref<10240x8xf32, #tpu.memory_space<vmem_shared>>
        tpu.wait_indirect_dma semaphore(%run_scoped3A : memref<!tpu.dma_semaphore, #tpu.memory_space<semaphore_mem>>) src(%arg9 : memref<128x8xf32, #tpu.memory_space<vmem>>) dst(%dma_wait3A_40 : memref<10240x8xf32, #tpu.memory_space<vmem_shared>>)
        tpu.yield
      }) : () -> ()
    }
    %scan3A_21 = arith.constant 40 : i32
    %barrier3A_22 = arith.constant 0 : index
    tpu.barrier barrier_id(%barrier3A_22)
    %eq3A = arith.constant 0 : i32
    %eq3A_23 = arith.cmpi eq, %arg0, %eq3A : i32
    %convert_element_type3A = arith.extui %eq3A_23 : i1 to i32
    %cond3A = arith.constant 0 : i32
    %cond3A_24 = arith.cmpi ne, %convert_element_type3A, %cond3A : i32
    scf.if %cond3A_24 {
      %mul3A_30 = arith.constant 640 : i32
      %mul3A_31 = arith.muli %arg1, %mul3A_30 : i32
      %mul3A_32 = arith.constant 640 : i32
      %mul3A_33 = arith.muli %arg1, %mul3A_32 : i32
      "tpu.region"() ({
        %run_scoped3A = tpu.sem_alloc : memref<!tpu.dma_semaphore, #tpu.memory_space<semaphore_mem>>
        %dma_start3A = arith.constant 0 : i32
        %dma_start3A_34 = tpu.memref_slice %arg5[%mul3A_33, %dma_start3A] : memref<10240x8xf32, #tpu.memory_space<hbm>> -> memref<640x8xf32, #tpu.memory_space<hbm>>
        %dma_start3A_35 = arith.constant 0 : i32
        %dma_start3A_36 = tpu.memref_slice %arg7[%mul3A_31, %dma_start3A_35] : memref<10240x8xf32, #tpu.memory_space<vmem_shared>> -> memref<640x8xf32, #tpu.memory_space<vmem_shared>>
        tpu.enqueue_dma source(%dma_start3A_36 : memref<640x8xf32, #tpu.memory_space<vmem_shared>>) target(%dma_start3A_34 : memref<640x8xf32, #tpu.memory_space<hbm>>) target_semaphore(%run_scoped3A : memref<!tpu.dma_semaphore, #tpu.memory_space<semaphore_mem>>)
        %dma_wait3A = arith.constant 0 : i32
        %dma_wait3A_37 = tpu.memref_slice %arg5[%mul3A_33, %dma_wait3A] : memref<10240x8xf32, #tpu.memory_space<hbm>> -> memref<640x8xf32, #tpu.memory_space<hbm>>
        %dma_wait3A_38 = arith.constant 0 : i32
        %dma_wait3A_39 = tpu.memref_slice %arg7[%mul3A_31, %dma_wait3A_38] : memref<10240x8xf32, #tpu.memory_space<vmem_shared>> -> memref<640x8xf32, #tpu.memory_space<vmem_shared>>
        tpu.wait_dma2 semaphore(%run_scoped3A : memref<!tpu.dma_semaphore, #tpu.memory_space<semaphore_mem>>) src(%dma_wait3A_39 : memref<640x8xf32, #tpu.memory_space<vmem_shared>>) dst(%dma_wait3A_37 : memref<640x8xf32, #tpu.memory_space<hbm>>)
        tpu.yield
      }) : () -> ()
    } else {
    }
    %eq3A_25 = arith.constant 1 : i32
    %eq3A_26 = arith.cmpi eq, %arg0, %eq3A_25 : i32
    %convert_element_type3A_27 = arith.extui %eq3A_26 : i1 to i32
    %cond3A_28 = arith.constant 0 : i32
    %cond3A_29 = arith.cmpi ne, %convert_element_type3A_27, %cond3A_28 : i32
    scf.if %cond3A_29 {
      %mul3A_30 = arith.constant 640 : i32
      %mul3A_31 = arith.muli %arg1, %mul3A_30 : i32
      %mul3A_32 = arith.constant 640 : i32
      %mul3A_33 = arith.muli %arg1, %mul3A_32 : i32
      "tpu.region"() ({
        %run_scoped3A = tpu.sem_alloc : memref<!tpu.dma_semaphore, #tpu.memory_space<semaphore_mem>>
        %dma_start3A = arith.constant 0 : i32
        %dma_start3A_34 = tpu.memref_slice %arg6[%mul3A_33, %dma_start3A] : memref<10240x8xf32, #tpu.memory_space<hbm>> -> memref<640x8xf32, #tpu.memory_space<hbm>>
        %dma_start3A_35 = arith.constant 0 : i32
        %dma_start3A_36 = tpu.memref_slice %arg7[%mul3A_31, %dma_start3A_35] : memref<10240x8xf32, #tpu.memory_space<vmem_shared>> -> memref<640x8xf32, #tpu.memory_space<vmem_shared>>
        tpu.enqueue_dma source(%dma_start3A_36 : memref<640x8xf32, #tpu.memory_space<vmem_shared>>) target(%dma_start3A_34 : memref<640x8xf32, #tpu.memory_space<hbm>>) target_semaphore(%run_scoped3A : memref<!tpu.dma_semaphore, #tpu.memory_space<semaphore_mem>>)
        %dma_wait3A = arith.constant 0 : i32
        %dma_wait3A_37 = tpu.memref_slice %arg6[%mul3A_33, %dma_wait3A] : memref<10240x8xf32, #tpu.memory_space<hbm>> -> memref<640x8xf32, #tpu.memory_space<hbm>>
        %dma_wait3A_38 = arith.constant 0 : i32
        %dma_wait3A_39 = tpu.memref_slice %arg7[%mul3A_31, %dma_wait3A_38] : memref<10240x8xf32, #tpu.memory_space<vmem_shared>> -> memref<640x8xf32, #tpu.memory_space<vmem_shared>>
        tpu.wait_dma2 semaphore(%run_scoped3A : memref<!tpu.dma_semaphore, #tpu.memory_space<semaphore_mem>>) src(%dma_wait3A_39 : memref<640x8xf32, #tpu.memory_space<vmem_shared>>) dst(%dma_wait3A_37 : memref<640x8xf32, #tpu.memory_space<hbm>>)
        tpu.yield
      }) : () -> ()
    } else {
    }
    return
  }
}

#map = affine_map<(d0, d1) -> (0, 0)>
#map1 = affine_map<(d0, d1) -> (0, 0, 0)>
module attributes {stable_mosaic.version = 14 : i64} {
  func.func @k(%arg0: i32, %arg1: i32, %arg2: memref<10240x8xf32, #tpu.memory_space<hbm>>, %arg3: memref<16x5x128xi32, #tpu.memory_space<hbm>>, %arg4: memref<640x8xf32, #tpu.memory_space<hbm>>, %arg5: memref<128x8xf32, #tpu.memory_space<hbm>>, %arg6: memref<128x8xf32, #tpu.memory_space<hbm>>, %arg7: memref<128x8xf32, #tpu.memory_space<vmem_shared>>, %arg8: memref<5x128xi32, #tpu.memory_space<vmem>>, %arg9: memref<640x8xf32, #tpu.memory_space<vmem>>) attributes {dimension_semantics = [#tpu.dimension_semantics<core_parallel>, #tpu.dimension_semantics<subcore_parallel>], iteration_bounds = array<i64: 2, 16>, scalar_prefetch = 0 : i64, scratch_operands = 3 : i64, tpu.core_type = #tpu.core_type<sc_vector_subcore>, window_params = [{transform_indices = #map}, {transform_indices = #map1}, {transform_indices = #map}, {transform_indices = #map}, {transform_indices = #map}]} {
    %eq3A = arith.constant 0 : i32
    %eq3A_0 = arith.cmpi eq, %arg1, %eq3A : i32
    %convert_element_type3A = arith.extui %eq3A_0 : i1 to i32
    %cond3A = arith.constant 0 : i32
    %cond3A_1 = arith.cmpi ne, %convert_element_type3A, %cond3A : i32
    scf.if %cond3A_1 {
      "tpu.region"() ({
        %run_scoped3A = tpu.sem_alloc : memref<!tpu.dma_semaphore, #tpu.memory_space<semaphore_mem>>
        %dma_start3A = arith.constant 0 : i32
        %dma_start3A_22 = arith.constant 0 : i32
        %dma_start3A_23 = tpu.memref_slice %arg4[%dma_start3A, %dma_start3A_22] : memref<640x8xf32, #tpu.memory_space<hbm>> -> memref<128x8xf32, #tpu.memory_space<hbm>>
        tpu.enqueue_dma source(%dma_start3A_23 : memref<128x8xf32, #tpu.memory_space<hbm>>) target(%arg7 : memref<128x8xf32, #tpu.memory_space<vmem_shared>>) target_semaphore(%run_scoped3A : memref<!tpu.dma_semaphore, #tpu.memory_space<semaphore_mem>>)
        %dma_wait3A = arith.constant 0 : i32
        %dma_wait3A_24 = arith.constant 0 : i32
        %dma_wait3A_25 = tpu.memref_slice %arg4[%dma_wait3A, %dma_wait3A_24] : memref<640x8xf32, #tpu.memory_space<hbm>> -> memref<128x8xf32, #tpu.memory_space<hbm>>
        tpu.wait_dma2 semaphore(%run_scoped3A : memref<!tpu.dma_semaphore, #tpu.memory_space<semaphore_mem>>) src(%dma_wait3A_25 : memref<128x8xf32, #tpu.memory_space<hbm>>) dst(%arg7 : memref<128x8xf32, #tpu.memory_space<vmem_shared>>)
        tpu.yield
      }) : () -> ()
    } else {
    }
    %barrier3A = arith.constant 0 : index
    tpu.barrier barrier_id(%barrier3A)
    %lt3A = arith.constant 8 : i32
    %lt3A_2 = arith.cmpi slt, %arg1, %lt3A : i32
    %convert_element_type3A_3 = arith.extui %lt3A_2 : i1 to i32
    %cond3A_4 = arith.constant 0 : i32
    %cond3A_5 = arith.cmpi ne, %convert_element_type3A_3, %cond3A_4 : i32
    scf.if %cond3A_5 {
      %mul3A = arith.constant 8 : i32
      %mul3A_22 = arith.muli %arg0, %mul3A : i32
      %add3A = arith.addi %mul3A_22, %arg1 : i32
      %mul3A_23 = arith.constant 640 : i32
      %mul3A_24 = arith.muli %add3A, %mul3A_23 : i32
      "tpu.region"() ({
        %run_scoped3A = tpu.sem_alloc : memref<!tpu.dma_semaphore, #tpu.memory_space<semaphore_mem>>
        %dma_start3A = arith.constant 0 : i32
        %dma_start3A_30 = tpu.memref_slice %arg2[%mul3A_24, %dma_start3A] : memref<10240x8xf32, #tpu.memory_space<hbm>> -> memref<640x8xf32, #tpu.memory_space<hbm>>
        %dma_start3A_31 = arith.constant 0 : i32
        %dma_start3A_32 = tpu.memref_slice %arg2[%mul3A_24, %dma_start3A_31] : memref<10240x8xf32, #tpu.memory_space<hbm>> -> memref<640x8xf32, #tpu.memory_space<hbm>>
        tpu.enqueue_dma source(%dma_start3A_32 : memref<640x8xf32, #tpu.memory_space<hbm>>) target(%arg9 : memref<640x8xf32, #tpu.memory_space<vmem>>) target_semaphore(%run_scoped3A : memref<!tpu.dma_semaphore, #tpu.memory_space<semaphore_mem>>)
        %dma_wait3A = arith.constant 0 : i32
        %dma_wait3A_33 = tpu.memref_slice %arg2[%mul3A_24, %dma_wait3A] : memref<10240x8xf32, #tpu.memory_space<hbm>> -> memref<640x8xf32, #tpu.memory_space<hbm>>
        %dma_wait3A_34 = arith.constant 0 : i32
        %dma_wait3A_35 = tpu.memref_slice %arg2[%mul3A_24, %dma_wait3A_34] : memref<10240x8xf32, #tpu.memory_space<hbm>> -> memref<640x8xf32, #tpu.memory_space<hbm>>
        tpu.wait_dma2 semaphore(%run_scoped3A : memref<!tpu.dma_semaphore, #tpu.memory_space<semaphore_mem>>) src(%dma_wait3A_35 : memref<640x8xf32, #tpu.memory_space<hbm>>) dst(%arg9 : memref<640x8xf32, #tpu.memory_space<vmem>>)
        tpu.yield
      }) : () -> ()
      "tpu.region"() ({
        %run_scoped3A = tpu.sem_alloc : memref<!tpu.dma_semaphore, #tpu.memory_space<semaphore_mem>>
        %dma_start3A = arith.constant 0 : i32
        %dma_start3A_30 = arith.constant 0 : i32
        %dma_start3A_31 = tpu.memref_slice %arg3[%add3A, %dma_start3A, %dma_start3A_30] : memref<16x5x128xi32, #tpu.memory_space<hbm>> -> memref<1x5x128xi32, #tpu.memory_space<hbm>>
        %dma_start3A_32 = tpu.memref_squeeze %dma_start3A_31 : memref<1x5x128xi32, #tpu.memory_space<hbm>> -> memref<5x128xi32, #tpu.memory_space<hbm>>
        %dma_start3A_33 = arith.constant 0 : i32
        %dma_start3A_34 = arith.constant 0 : i32
        %dma_start3A_35 = tpu.memref_slice %arg3[%add3A, %dma_start3A_33, %dma_start3A_34] : memref<16x5x128xi32, #tpu.memory_space<hbm>> -> memref<1x5x128xi32, #tpu.memory_space<hbm>>
        %dma_start3A_36 = tpu.memref_squeeze %dma_start3A_35 : memref<1x5x128xi32, #tpu.memory_space<hbm>> -> memref<5x128xi32, #tpu.memory_space<hbm>>
        tpu.enqueue_dma source(%dma_start3A_36 : memref<5x128xi32, #tpu.memory_space<hbm>>) target(%arg8 : memref<5x128xi32, #tpu.memory_space<vmem>>) target_semaphore(%run_scoped3A : memref<!tpu.dma_semaphore, #tpu.memory_space<semaphore_mem>>)
        %dma_wait3A = arith.constant 0 : i32
        %dma_wait3A_37 = arith.constant 0 : i32
        %dma_wait3A_38 = tpu.memref_slice %arg3[%add3A, %dma_wait3A, %dma_wait3A_37] : memref<16x5x128xi32, #tpu.memory_space<hbm>> -> memref<1x5x128xi32, #tpu.memory_space<hbm>>
        %dma_wait3A_39 = tpu.memref_squeeze %dma_wait3A_38 : memref<1x5x128xi32, #tpu.memory_space<hbm>> -> memref<5x128xi32, #tpu.memory_space<hbm>>
        %dma_wait3A_40 = arith.constant 0 : i32
        %dma_wait3A_41 = arith.constant 0 : i32
        %dma_wait3A_42 = tpu.memref_slice %arg3[%add3A, %dma_wait3A_40, %dma_wait3A_41] : memref<16x5x128xi32, #tpu.memory_space<hbm>> -> memref<1x5x128xi32, #tpu.memory_space<hbm>>
        %dma_wait3A_43 = tpu.memref_squeeze %dma_wait3A_42 : memref<1x5x128xi32, #tpu.memory_space<hbm>> -> memref<5x128xi32, #tpu.memory_space<hbm>>
        tpu.wait_dma2 semaphore(%run_scoped3A : memref<!tpu.dma_semaphore, #tpu.memory_space<semaphore_mem>>) src(%dma_wait3A_43 : memref<5x128xi32, #tpu.memory_space<hbm>>) dst(%arg8 : memref<5x128xi32, #tpu.memory_space<vmem>>)
        tpu.yield
      }) : () -> ()
      %scan3A = arith.constant 0 : i32
      %scan3A_25 = arith.constant 0 : i32
      %scan3A_26 = arith.constant 5 : i32
      %scan3A_27 = arith.addi %scan3A_25, %scan3A_26 : i32
      %scan3A_28 = arith.constant 1 : i32
      scf.for %scan3A_30 = %scan3A_25 to %scan3A_27 step %scan3A_28  : i32 {
        %mul3A_31 = arith.constant 128 : i32
        %mul3A_32 = arith.muli %scan3A_30, %mul3A_31 : i32
        "tpu.region"() ({
          %run_scoped3A = tpu.sem_alloc : memref<!tpu.dma_semaphore, #tpu.memory_space<semaphore_mem>>
          %dma_start3A = arith.constant 0 : i32
          %dma_start3A_33 = tpu.memref_slice %arg9[%mul3A_32, %dma_start3A] : memref<640x8xf32, #tpu.memory_space<vmem>> -> memref<128x8xf32, #tpu.memory_space<vmem>>
          %dma_start3A_34 = arith.constant 0 : i32
          %dma_start3A_35 = tpu.memref_slice %arg8[%scan3A_30, %dma_start3A_34] : memref<5x128xi32, #tpu.memory_space<vmem>> -> memref<1x128xi32, #tpu.memory_space<vmem>>
          %dma_start3A_36 = tpu.memref_squeeze %dma_start3A_35 : memref<1x128xi32, #tpu.memory_space<vmem>> -> memref<128xi32, #tpu.memory_space<vmem>>
          %dma_start3A_37 = arith.constant 0 : i32
          %dma_start3A_38 = arith.constant 0 : i32
          %dma_start3A_39 = tpu.memref_slice %arg7[%dma_start3A_37, %dma_start3A_38] : memref<128x8xf32, #tpu.memory_space<vmem_shared>> -> memref<128x8xf32, #tpu.memory_space<vmem_shared>>
          tpu.enqueue_indirect_dma source(%dma_start3A_33 : memref<128x8xf32, #tpu.memory_space<vmem>>) target(%dma_start3A_39 : memref<128x8xf32, #tpu.memory_space<vmem_shared>>) offsets(%dma_start3A_36 : memref<128xi32, #tpu.memory_space<vmem>>) semaphore(%run_scoped3A : memref<!tpu.dma_semaphore, #tpu.memory_space<semaphore_mem>>) {add = true}
          %dma_wait3A = arith.constant 0 : i32
          %dma_wait3A_40 = tpu.memref_slice %arg9[%mul3A_32, %dma_wait3A] : memref<640x8xf32, #tpu.memory_space<vmem>> -> memref<128x8xf32, #tpu.memory_space<vmem>>
          %dma_wait3A_41 = arith.constant 0 : i32
          %dma_wait3A_42 = tpu.memref_slice %arg8[%scan3A_30, %dma_wait3A_41] : memref<5x128xi32, #tpu.memory_space<vmem>> -> memref<1x128xi32, #tpu.memory_space<vmem>>
          %dma_wait3A_43 = tpu.memref_squeeze %dma_wait3A_42 : memref<1x128xi32, #tpu.memory_space<vmem>> -> memref<128xi32, #tpu.memory_space<vmem>>
          %dma_wait3A_44 = arith.constant 0 : i32
          %dma_wait3A_45 = arith.constant 0 : i32
          %dma_wait3A_46 = tpu.memref_slice %arg7[%dma_wait3A_44, %dma_wait3A_45] : memref<128x8xf32, #tpu.memory_space<vmem_shared>> -> memref<128x8xf32, #tpu.memory_space<vmem_shared>>
          tpu.wait_indirect_dma semaphore(%run_scoped3A : memref<!tpu.dma_semaphore, #tpu.memory_space<semaphore_mem>>) src(%dma_wait3A_40 : memref<128x8xf32, #tpu.memory_space<vmem>>) dst(%dma_wait3A_46 : memref<128x8xf32, #tpu.memory_space<vmem_shared>>)
          tpu.yield
        }) : () -> ()
      }
      %scan3A_29 = arith.constant 5 : i32
    } else {
    }
    %barrier3A_6 = arith.constant 0 : index
    tpu.barrier barrier_id(%barrier3A_6)
    %eq3A_7 = arith.constant 0 : i32
    %eq3A_8 = arith.cmpi eq, %arg1, %eq3A_7 : i32
    %eq3A_9 = arith.constant 0 : i32
    %eq3A_10 = arith.cmpi eq, %arg0, %eq3A_9 : i32
    %and3A = arith.andi %eq3A_8, %eq3A_10 : i1
    %convert_element_type3A_11 = arith.extui %and3A : i1 to i32
    %cond3A_12 = arith.constant 0 : i32
    %cond3A_13 = arith.cmpi ne, %convert_element_type3A_11, %cond3A_12 : i32
    scf.if %cond3A_13 {
      "tpu.region"() ({
        %run_scoped3A = tpu.sem_alloc : memref<!tpu.dma_semaphore, #tpu.memory_space<semaphore_mem>>
        tpu.enqueue_dma source(%arg7 : memref<128x8xf32, #tpu.memory_space<vmem_shared>>) target(%arg5 : memref<128x8xf32, #tpu.memory_space<hbm>>) target_semaphore(%run_scoped3A : memref<!tpu.dma_semaphore, #tpu.memory_space<semaphore_mem>>)
        tpu.wait_dma2 semaphore(%run_scoped3A : memref<!tpu.dma_semaphore, #tpu.memory_space<semaphore_mem>>) src(%arg7 : memref<128x8xf32, #tpu.memory_space<vmem_shared>>) dst(%arg5 : memref<128x8xf32, #tpu.memory_space<hbm>>)
        tpu.yield
      }) : () -> ()
    } else {
    }
    %eq3A_14 = arith.constant 0 : i32
    %eq3A_15 = arith.cmpi eq, %arg1, %eq3A_14 : i32
    %eq3A_16 = arith.constant 1 : i32
    %eq3A_17 = arith.cmpi eq, %arg0, %eq3A_16 : i32
    %and3A_18 = arith.andi %eq3A_15, %eq3A_17 : i1
    %convert_element_type3A_19 = arith.extui %and3A_18 : i1 to i32
    %cond3A_20 = arith.constant 0 : i32
    %cond3A_21 = arith.cmpi ne, %convert_element_type3A_19, %cond3A_20 : i32
    scf.if %cond3A_21 {
      "tpu.region"() ({
        %run_scoped3A = tpu.sem_alloc : memref<!tpu.dma_semaphore, #tpu.memory_space<semaphore_mem>>
        tpu.enqueue_dma source(%arg7 : memref<128x8xf32, #tpu.memory_space<vmem_shared>>) target(%arg6 : memref<128x8xf32, #tpu.memory_space<hbm>>) target_semaphore(%run_scoped3A : memref<!tpu.dma_semaphore, #tpu.memory_space<semaphore_mem>>)
        tpu.wait_dma2 semaphore(%run_scoped3A : memref<!tpu.dma_semaphore, #tpu.memory_space<semaphore_mem>>) src(%arg7 : memref<128x8xf32, #tpu.memory_space<vmem_shared>>) dst(%arg6 : memref<128x8xf32, #tpu.memory_space<hbm>>)
        tpu.yield
      }) : () -> ()
    } else {
    }
    return
  }
}

#map = affine_map<(d0, d1) -> (0, 0)>
module attributes {stable_mosaic.version = 14 : i64} {
  func.func @k(%arg0: i32, %arg1: i32, %arg2: memref<10240x128xf32, #tpu.memory_space<hbm>>, %arg3: memref<2560x128xi32, #tpu.memory_space<hbm>>, %arg4: memref<2560x128xi32, #tpu.memory_space<hbm>>, %arg5: memref<10240x128xf32, #tpu.memory_space<hbm>>, %arg6: memref<10240x128xf32, #tpu.memory_space<hbm>>, %arg7: memref<10240x128xf32, #tpu.memory_space<vmem_shared>>, %arg8: memref<40x128xi32, #tpu.memory_space<vmem>>, %arg9: memref<40x128xi32, #tpu.memory_space<vmem>>, %arg10: memref<128x128xf32, #tpu.memory_space<vmem>>, %arg11: memref<128x128xf32, #tpu.memory_space<vmem>>, %arg12: memref<!tpu.dma_semaphore, #tpu.memory_space<semaphore_mem>>, %arg13: memref<!tpu.dma_semaphore, #tpu.memory_space<semaphore_mem>>) attributes {dimension_semantics = [#tpu.dimension_semantics<core_parallel>, #tpu.dimension_semantics<subcore_parallel>], iteration_bounds = array<i64: 2, 16>, scalar_prefetch = 0 : i64, scratch_operands = 7 : i64, tpu.core_type = #tpu.core_type<sc_vector_subcore>, window_params = [{transform_indices = #map}, {transform_indices = #map}, {transform_indices = #map}, {transform_indices = #map}, {transform_indices = #map}]} {
    %mul3A = arith.constant 16 : i32
    %mul3A_0 = arith.muli %arg0, %mul3A : i32
    %add3A = arith.addi %mul3A_0, %arg1 : i32
    %scan3A = arith.constant 0 : i32
    %scan3A_1 = arith.constant 0 : i32
    %scan3A_2 = arith.constant 1024 : i32
    %scan3A_3 = arith.addi %scan3A_1, %scan3A_2 : i32
    %scan3A_4 = arith.constant 1 : i32
    scf.for %scan3A_40 = %scan3A_1 to %scan3A_3 step %scan3A_4  : i32 {
      %broadcast_in_dim3A = arith.constant 0.000000e+00 : f32
      %broadcast_in_dim3A_41 = vector.broadcast %broadcast_in_dim3A : f32 to vector<16xf32>
      %jit3A = arith.constant 8 : i32
      %div3A = arith.divsi %scan3A_40, %jit3A : i32
      %sign3A = arith.constant 0 : i32
      %sign3A_42 = arith.cmpi sgt, %scan3A_40, %sign3A : i32
      %sign3A_43 = arith.extui %sign3A_42 : i1 to i32
      %sign3A_44 = arith.constant 0 : i32
      %sign3A_45 = arith.cmpi slt, %scan3A_40, %sign3A_44 : i32
      %sign3A_46 = arith.extui %sign3A_45 : i1 to i32
      %sign3A_47 = arith.subi %sign3A_43, %sign3A_46 : i32
      %sign3A_48 = arith.constant 0 : i32
      %sign3A_49 = arith.cmpi sgt, %jit3A, %sign3A_48 : i32
      %sign3A_50 = arith.extui %sign3A_49 : i1 to i32
      %sign3A_51 = arith.constant 0 : i32
      %sign3A_52 = arith.cmpi slt, %jit3A, %sign3A_51 : i32
      %sign3A_53 = arith.extui %sign3A_52 : i1 to i32
      %sign3A_54 = arith.subi %sign3A_50, %sign3A_53 : i32
      %ne3A = arith.cmpi ne, %sign3A_47, %sign3A_54 : i32
      %rem3A = arith.remsi %scan3A_40, %jit3A : i32
      %ne3A_55 = arith.constant 0 : i32
      %ne3A_56 = arith.cmpi ne, %rem3A, %ne3A_55 : i32
      %and3A = arith.andi %ne3A, %ne3A_56 : i1
      %sub3A = arith.constant 1 : i32
      %sub3A_57 = arith.subi %div3A, %sub3A : i32
      %select_n3A = arith.select %and3A, %sub3A_57, %div3A : i32
      %jit3A_58 = arith.constant 8 : i32
      %eq3A_59 = arith.constant 0 : i32
      %eq3A_60 = arith.cmpi eq, %jit3A_58, %eq3A_59 : i32
      %jit3A_61 = arith.constant 1 : i32
      %select_n3A_62 = arith.select %eq3A_60, %jit3A_61, %jit3A_58 : i32
      %rem3A_63 = arith.remsi %scan3A_40, %select_n3A_62 : i32
      %ne3A_64 = arith.constant 0 : i32
      %ne3A_65 = arith.cmpi ne, %rem3A_63, %ne3A_64 : i32
      %lt3A = arith.constant 0 : i32
      %lt3A_66 = arith.cmpi slt, %rem3A_63, %lt3A : i32
      %lt3A_67 = arith.constant 0 : i32
      %lt3A_68 = arith.cmpi slt, %select_n3A_62, %lt3A_67 : i32
      %ne3A_69 = arith.xori %lt3A_66, %lt3A_68 : i1
      %and3A_70 = arith.andi %ne3A_69, %ne3A_65 : i1
      %add3A_71 = arith.addi %rem3A_63, %select_n3A_62 : i32
      %select_n3A_72 = arith.select %and3A_70, %add3A_71, %rem3A_63 : i32
      %mul3A_73 = arith.constant 16 : i32
      %mul3A_74 = arith.muli %select_n3A_72, %mul3A_73 : i32
      %swap3A = arith.index_cast %select_n3A : i32 to index
      %swap3A_75 = arith.index_cast %mul3A_74 : i32 to index
      %swap3A_76 = tpu.vector_load %arg10[%swap3A, %swap3A_75] {strides = array<i32>} : memref<128x128xf32, #tpu.memory_space<vmem>>, vector<1x16xf32>,
      %swap3A_77 = vector.shape_cast %swap3A_76 : vector<1x16xf32> to vector<16xf32>
      %swap3A_78 = vector.shape_cast %broadcast_in_dim3A_41 : vector<16xf32> to vector<1x16xf32>
      tpu.vector_store %arg10[%swap3A, %swap3A_75], %swap3A_78 {strides = array<i32>} : memref<128x128xf32, #tpu.memory_space<vmem>>, vector<1x16xf32>,
    }
    %scan3A_5 = arith.constant 1024 : i32
    %mul3A_6 = arith.constant 640 : i32
    %mul3A_7 = arith.muli %arg1, %mul3A_6 : i32
    %add3A_8 = arith.constant 0 : i32
    %add3A_9 = arith.addi %mul3A_7, %add3A_8 : i32
    "tpu.region"() ({
      %run_scoped3A = tpu.sem_alloc : memref<!tpu.dma_semaphore, #tpu.memory_space<semaphore_mem>>
      %dma_start3A = arith.constant 0 : i32
      %dma_start3A_40 = tpu.memref_slice %arg7[%add3A_9, %dma_start3A] : memref<10240x128xf32, #tpu.memory_space<vmem_shared>> -> memref<128x128xf32, #tpu.memory_space<vmem_shared>>
      %dma_start3A_41 = arith.constant 0 : i32
      %dma_start3A_42 = tpu.memref_slice %arg7[%add3A_9, %dma_start3A_41] : memref<10240x128xf32, #tpu.memory_space<vmem_shared>> -> memref<128x128xf32, #tpu.memory_space<vmem_shared>>
      tpu.enqueue_dma source(%arg10 : memref<128x128xf32, #tpu.memory_space<vmem>>) target(%dma_start3A_42 : memref<128x128xf32, #tpu.memory_space<vmem_shared>>) target_semaphore(%run_scoped3A : memref<!tpu.dma_semaphore, #tpu.memory_space<semaphore_mem>>)
      %dma_wait3A = arith.constant 0 : i32
      %dma_wait3A_43 = tpu.memref_slice %arg7[%add3A_9, %dma_wait3A] : memref<10240x128xf32, #tpu.memory_space<vmem_shared>> -> memref<128x128xf32, #tpu.memory_space<vmem_shared>>
      %dma_wait3A_44 = arith.constant 0 : i32
      %dma_wait3A_45 = tpu.memref_slice %arg7[%add3A_9, %dma_wait3A_44] : memref<10240x128xf32, #tpu.memory_space<vmem_shared>> -> memref<128x128xf32, #tpu.memory_space<vmem_shared>>
      tpu.wait_dma2 semaphore(%run_scoped3A : memref<!tpu.dma_semaphore, #tpu.memory_space<semaphore_mem>>) src(%arg10 : memref<128x128xf32, #tpu.memory_space<vmem>>) dst(%dma_wait3A_45 : memref<128x128xf32, #tpu.memory_space<vmem_shared>>)
      tpu.yield
    }) : () -> ()
    %mul3A_10 = arith.constant 640 : i32
    %mul3A_11 = arith.muli %arg1, %mul3A_10 : i32
    %add3A_12 = arith.constant 128 : i32
    %add3A_13 = arith.addi %mul3A_11, %add3A_12 : i32
    "tpu.region"() ({
      %run_scoped3A = tpu.sem_alloc : memref<!tpu.dma_semaphore, #tpu.memory_space<semaphore_mem>>
      %dma_start3A = arith.constant 0 : i32
      %dma_start3A_40 = tpu.memref_slice %arg7[%add3A_13, %dma_start3A] : memref<10240x128xf32, #tpu.memory_space<vmem_shared>> -> memref<128x128xf32, #tpu.memory_space<vmem_shared>>
      %dma_start3A_41 = arith.constant 0 : i32
      %dma_start3A_42 = tpu.memref_slice %arg7[%add3A_13, %dma_start3A_41] : memref<10240x128xf32, #tpu.memory_space<vmem_shared>> -> memref<128x128xf32, #tpu.memory_space<vmem_shared>>
      tpu.enqueue_dma source(%arg10 : memref<128x128xf32, #tpu.memory_space<vmem>>) target(%dma_start3A_42 : memref<128x128xf32, #tpu.memory_space<vmem_shared>>) target_semaphore(%run_scoped3A : memref<!tpu.dma_semaphore, #tpu.memory_space<semaphore_mem>>)
      %dma_wait3A = arith.constant 0 : i32
      %dma_wait3A_43 = tpu.memref_slice %arg7[%add3A_13, %dma_wait3A] : memref<10240x128xf32, #tpu.memory_space<vmem_shared>> -> memref<128x128xf32, #tpu.memory_space<vmem_shared>>
      %dma_wait3A_44 = arith.constant 0 : i32
      %dma_wait3A_45 = tpu.memref_slice %arg7[%add3A_13, %dma_wait3A_44] : memref<10240x128xf32, #tpu.memory_space<vmem_shared>> -> memref<128x128xf32, #tpu.memory_space<vmem_shared>>
      tpu.wait_dma2 semaphore(%run_scoped3A : memref<!tpu.dma_semaphore, #tpu.memory_space<semaphore_mem>>) src(%arg10 : memref<128x128xf32, #tpu.memory_space<vmem>>) dst(%dma_wait3A_45 : memref<128x128xf32, #tpu.memory_space<vmem_shared>>)
      tpu.yield
    }) : () -> ()
    %mul3A_14 = arith.constant 640 : i32
    %mul3A_15 = arith.muli %arg1, %mul3A_14 : i32
    %add3A_16 = arith.constant 256 : i32
    %add3A_17 = arith.addi %mul3A_15, %add3A_16 : i32
    "tpu.region"() ({
      %run_scoped3A = tpu.sem_alloc : memref<!tpu.dma_semaphore, #tpu.memory_space<semaphore_mem>>
      %dma_start3A = arith.constant 0 : i32
      %dma_start3A_40 = tpu.memref_slice %arg7[%add3A_17, %dma_start3A] : memref<10240x128xf32, #tpu.memory_space<vmem_shared>> -> memref<128x128xf32, #tpu.memory_space<vmem_shared>>
      %dma_start3A_41 = arith.constant 0 : i32
      %dma_start3A_42 = tpu.memref_slice %arg7[%add3A_17, %dma_start3A_41] : memref<10240x128xf32, #tpu.memory_space<vmem_shared>> -> memref<128x128xf32, #tpu.memory_space<vmem_shared>>
      tpu.enqueue_dma source(%arg10 : memref<128x128xf32, #tpu.memory_space<vmem>>) target(%dma_start3A_42 : memref<128x128xf32, #tpu.memory_space<vmem_shared>>) target_semaphore(%run_scoped3A : memref<!tpu.dma_semaphore, #tpu.memory_space<semaphore_mem>>)
      %dma_wait3A = arith.constant 0 : i32
      %dma_wait3A_43 = tpu.memref_slice %arg7[%add3A_17, %dma_wait3A] : memref<10240x128xf32, #tpu.memory_space<vmem_shared>> -> memref<128x128xf32, #tpu.memory_space<vmem_shared>>
      %dma_wait3A_44 = arith.constant 0 : i32
      %dma_wait3A_45 = tpu.memref_slice %arg7[%add3A_17, %dma_wait3A_44] : memref<10240x128xf32, #tpu.memory_space<vmem_shared>> -> memref<128x128xf32, #tpu.memory_space<vmem_shared>>
      tpu.wait_dma2 semaphore(%run_scoped3A : memref<!tpu.dma_semaphore, #tpu.memory_space<semaphore_mem>>) src(%arg10 : memref<128x128xf32, #tpu.memory_space<vmem>>) dst(%dma_wait3A_45 : memref<128x128xf32, #tpu.memory_space<vmem_shared>>)
      tpu.yield
    }) : () -> ()
    %mul3A_18 = arith.constant 640 : i32
    %mul3A_19 = arith.muli %arg1, %mul3A_18 : i32
    %add3A_20 = arith.constant 384 : i32
    %add3A_21 = arith.addi %mul3A_19, %add3A_20 : i32
    "tpu.region"() ({
      %run_scoped3A = tpu.sem_alloc : memref<!tpu.dma_semaphore, #tpu.memory_space<semaphore_mem>>
      %dma_start3A = arith.constant 0 : i32
      %dma_start3A_40 = tpu.memref_slice %arg7[%add3A_21, %dma_start3A] : memref<10240x128xf32, #tpu.memory_space<vmem_shared>> -> memref<128x128xf32, #tpu.memory_space<vmem_shared>>
      %dma_start3A_41 = arith.constant 0 : i32
      %dma_start3A_42 = tpu.memref_slice %arg7[%add3A_21, %dma_start3A_41] : memref<10240x128xf32, #tpu.memory_space<vmem_shared>> -> memref<128x128xf32, #tpu.memory_space<vmem_shared>>
      tpu.enqueue_dma source(%arg10 : memref<128x128xf32, #tpu.memory_space<vmem>>) target(%dma_start3A_42 : memref<128x128xf32, #tpu.memory_space<vmem_shared>>) target_semaphore(%run_scoped3A : memref<!tpu.dma_semaphore, #tpu.memory_space<semaphore_mem>>)
      %dma_wait3A = arith.constant 0 : i32
      %dma_wait3A_43 = tpu.memref_slice %arg7[%add3A_21, %dma_wait3A] : memref<10240x128xf32, #tpu.memory_space<vmem_shared>> -> memref<128x128xf32, #tpu.memory_space<vmem_shared>>
      %dma_wait3A_44 = arith.constant 0 : i32
      %dma_wait3A_45 = tpu.memref_slice %arg7[%add3A_21, %dma_wait3A_44] : memref<10240x128xf32, #tpu.memory_space<vmem_shared>> -> memref<128x128xf32, #tpu.memory_space<vmem_shared>>
      tpu.wait_dma2 semaphore(%run_scoped3A : memref<!tpu.dma_semaphore, #tpu.memory_space<semaphore_mem>>) src(%arg10 : memref<128x128xf32, #tpu.memory_space<vmem>>) dst(%dma_wait3A_45 : memref<128x128xf32, #tpu.memory_space<vmem_shared>>)
      tpu.yield
    }) : () -> ()
    %mul3A_22 = arith.constant 640 : i32
    %mul3A_23 = arith.muli %arg1, %mul3A_22 : i32
    %add3A_24 = arith.constant 512 : i32
    %add3A_25 = arith.addi %mul3A_23, %add3A_24 : i32
    "tpu.region"() ({
      %run_scoped3A = tpu.sem_alloc : memref<!tpu.dma_semaphore, #tpu.memory_space<semaphore_mem>>
      %dma_start3A = arith.constant 0 : i32
      %dma_start3A_40 = tpu.memref_slice %arg7[%add3A_25, %dma_start3A] : memref<10240x128xf32, #tpu.memory_space<vmem_shared>> -> memref<128x128xf32, #tpu.memory_space<vmem_shared>>
      %dma_start3A_41 = arith.constant 0 : i32
      %dma_start3A_42 = tpu.memref_slice %arg7[%add3A_25, %dma_start3A_41] : memref<10240x128xf32, #tpu.memory_space<vmem_shared>> -> memref<128x128xf32, #tpu.memory_space<vmem_shared>>
      tpu.enqueue_dma source(%arg10 : memref<128x128xf32, #tpu.memory_space<vmem>>) target(%dma_start3A_42 : memref<128x128xf32, #tpu.memory_space<vmem_shared>>) target_semaphore(%run_scoped3A : memref<!tpu.dma_semaphore, #tpu.memory_space<semaphore_mem>>)
      %dma_wait3A = arith.constant 0 : i32
      %dma_wait3A_43 = tpu.memref_slice %arg7[%add3A_25, %dma_wait3A] : memref<10240x128xf32, #tpu.memory_space<vmem_shared>> -> memref<128x128xf32, #tpu.memory_space<vmem_shared>>
      %dma_wait3A_44 = arith.constant 0 : i32
      %dma_wait3A_45 = tpu.memref_slice %arg7[%add3A_25, %dma_wait3A_44] : memref<10240x128xf32, #tpu.memory_space<vmem_shared>> -> memref<128x128xf32, #tpu.memory_space<vmem_shared>>
      tpu.wait_dma2 semaphore(%run_scoped3A : memref<!tpu.dma_semaphore, #tpu.memory_space<semaphore_mem>>) src(%arg10 : memref<128x128xf32, #tpu.memory_space<vmem>>) dst(%dma_wait3A_45 : memref<128x128xf32, #tpu.memory_space<vmem_shared>>)
      tpu.yield
    }) : () -> ()
    %barrier3A = arith.constant 0 : index
    tpu.barrier barrier_id(%barrier3A)
    %scan3A_26 = arith.constant 0 : i32
    %scan3A_27 = arith.constant 0 : i32
    %scan3A_28 = arith.constant 2 : i32
    %scan3A_29 = arith.addi %scan3A_27, %scan3A_28 : i32
    %scan3A_30 = arith.constant 1 : i32
    scf.for %scan3A_40 = %scan3A_27 to %scan3A_29 step %scan3A_30  : i32 {
      %mul3A_41 = arith.constant 80 : i32
      %mul3A_42 = arith.muli %add3A, %mul3A_41 : i32
      %mul3A_43 = arith.constant 40 : i32
      %mul3A_44 = arith.muli %scan3A_40, %mul3A_43 : i32
      %add3A_45 = arith.addi %mul3A_42, %mul3A_44 : i32
      "tpu.region"() ({
        %run_scoped3A = tpu.sem_alloc : memref<!tpu.dma_semaphore, #tpu.memory_space<semaphore_mem>>
        %dma_start3A_58 = arith.constant 0 : i32
        %dma_start3A_59 = tpu.memref_slice %arg3[%add3A_45, %dma_start3A_58] : memref<2560x128xi32, #tpu.memory_space<hbm>> -> memref<40x128xi32, #tpu.memory_space<hbm>>
        %dma_start3A_60 = arith.constant 0 : i32
        %dma_start3A_61 = tpu.memref_slice %arg3[%add3A_45, %dma_start3A_60] : memref<2560x128xi32, #tpu.memory_space<hbm>> -> memref<40x128xi32, #tpu.memory_space<hbm>>
        tpu.enqueue_dma source(%dma_start3A_61 : memref<40x128xi32, #tpu.memory_space<hbm>>) target(%arg8 : memref<40x128xi32, #tpu.memory_space<vmem>>) target_semaphore(%run_scoped3A : memref<!tpu.dma_semaphore, #tpu.memory_space<semaphore_mem>>)
        %dma_wait3A = arith.constant 0 : i32
        %dma_wait3A_62 = tpu.memref_slice %arg3[%add3A_45, %dma_wait3A] : memref<2560x128xi32, #tpu.memory_space<hbm>> -> memref<40x128xi32, #tpu.memory_space<hbm>>
        %dma_wait3A_63 = arith.constant 0 : i32
        %dma_wait3A_64 = tpu.memref_slice %arg3[%add3A_45, %dma_wait3A_63] : memref<2560x128xi32, #tpu.memory_space<hbm>> -> memref<40x128xi32, #tpu.memory_space<hbm>>
        tpu.wait_dma2 semaphore(%run_scoped3A : memref<!tpu.dma_semaphore, #tpu.memory_space<semaphore_mem>>) src(%dma_wait3A_64 : memref<40x128xi32, #tpu.memory_space<hbm>>) dst(%arg8 : memref<40x128xi32, #tpu.memory_space<vmem>>)
        tpu.yield
      }) : () -> ()
      "tpu.region"() ({
        %run_scoped3A = tpu.sem_alloc : memref<!tpu.dma_semaphore, #tpu.memory_space<semaphore_mem>>
        %dma_start3A_58 = arith.constant 0 : i32
        %dma_start3A_59 = tpu.memref_slice %arg4[%add3A_45, %dma_start3A_58] : memref<2560x128xi32, #tpu.memory_space<hbm>> -> memref<40x128xi32, #tpu.memory_space<hbm>>
        %dma_start3A_60 = arith.constant 0 : i32
        %dma_start3A_61 = tpu.memref_slice %arg4[%add3A_45, %dma_start3A_60] : memref<2560x128xi32, #tpu.memory_space<hbm>> -> memref<40x128xi32, #tpu.memory_space<hbm>>
        tpu.enqueue_dma source(%dma_start3A_61 : memref<40x128xi32, #tpu.memory_space<hbm>>) target(%arg9 : memref<40x128xi32, #tpu.memory_space<vmem>>) target_semaphore(%run_scoped3A : memref<!tpu.dma_semaphore, #tpu.memory_space<semaphore_mem>>)
        %dma_wait3A = arith.constant 0 : i32
        %dma_wait3A_62 = tpu.memref_slice %arg4[%add3A_45, %dma_wait3A] : memref<2560x128xi32, #tpu.memory_space<hbm>> -> memref<40x128xi32, #tpu.memory_space<hbm>>
        %dma_wait3A_63 = arith.constant 0 : i32
        %dma_wait3A_64 = tpu.memref_slice %arg4[%add3A_45, %dma_wait3A_63] : memref<2560x128xi32, #tpu.memory_space<hbm>> -> memref<40x128xi32, #tpu.memory_space<hbm>>
        tpu.wait_dma2 semaphore(%run_scoped3A : memref<!tpu.dma_semaphore, #tpu.memory_space<semaphore_mem>>) src(%dma_wait3A_64 : memref<40x128xi32, #tpu.memory_space<hbm>>) dst(%arg9 : memref<40x128xi32, #tpu.memory_space<vmem>>)
        tpu.yield
      }) : () -> ()
      %dma_start3A = arith.constant 0 : i32
      %dma_start3A_46 = arith.constant 0 : i32
      %dma_start3A_47 = tpu.memref_slice %arg8[%dma_start3A, %dma_start3A_46] : memref<40x128xi32, #tpu.memory_space<vmem>> -> memref<1x128xi32, #tpu.memory_space<vmem>>
      %dma_start3A_48 = tpu.memref_squeeze %dma_start3A_47 : memref<1x128xi32, #tpu.memory_space<vmem>> -> memref<128xi32, #tpu.memory_space<vmem>>
      %dma_start3A_49 = arith.constant 0 : i32
      %dma_start3A_50 = arith.constant 0 : i32
      %dma_start3A_51 = tpu.memref_slice %arg2[%dma_start3A_49, %dma_start3A_50] : memref<10240x128xf32, #tpu.memory_space<hbm>> -> memref<10240x128xf32, #tpu.memory_space<hbm>>
      tpu.enqueue_indirect_dma source(%dma_start3A_51 : memref<10240x128xf32, #tpu.memory_space<hbm>>) target(%arg10 : memref<128x128xf32, #tpu.memory_space<vmem>>) offsets(%dma_start3A_48 : memref<128xi32, #tpu.memory_space<vmem>>) semaphore(%arg12 : memref<!tpu.dma_semaphore, #tpu.memory_space<semaphore_mem>>)
      %scan3A_52 = arith.constant 0 : i32
      %scan3A_53 = arith.constant 0 : i32
      %scan3A_54 = arith.constant 20 : i32
      %scan3A_55 = arith.addi %scan3A_53, %scan3A_54 : i32
      %scan3A_56 = arith.constant 1 : i32
      scf.for %scan3A_58 = %scan3A_53 to %scan3A_55 step %scan3A_56  : i32 {
        %mul3A_59 = arith.constant 2 : i32
        %mul3A_60 = arith.muli %mul3A_59, %scan3A_58 : i32
        %add3A_61 = arith.constant 1 : i32
        %add3A_62 = arith.addi %mul3A_60, %add3A_61 : i32
        %dma_start3A_63 = arith.constant 0 : i32
        %dma_start3A_64 = tpu.memref_slice %arg8[%add3A_62, %dma_start3A_63] : memref<40x128xi32, #tpu.memory_space<vmem>> -> memref<1x128xi32, #tpu.memory_space<vmem>>
        %dma_start3A_65 = tpu.memref_squeeze %dma_start3A_64 : memref<1x128xi32, #tpu.memory_space<vmem>> -> memref<128xi32, #tpu.memory_space<vmem>>
        %dma_start3A_66 = arith.constant 0 : i32
        %dma_start3A_67 = arith.constant 0 : i32
        %dma_start3A_68 = tpu.memref_slice %arg2[%dma_start3A_66, %dma_start3A_67] : memref<10240x128xf32, #tpu.memory_space<hbm>> -> memref<10240x128xf32, #tpu.memory_space<hbm>>
        tpu.enqueue_indirect_dma source(%dma_start3A_68 : memref<10240x128xf32, #tpu.memory_space<hbm>>) target(%arg11 : memref<128x128xf32, #tpu.memory_space<vmem>>) offsets(%dma_start3A_65 : memref<128xi32, #tpu.memory_space<vmem>>) semaphore(%arg13 : memref<!tpu.dma_semaphore, #tpu.memory_space<semaphore_mem>>)
        %dma_wait3A = arith.constant 0 : i32
        %dma_wait3A_69 = tpu.memref_slice %arg8[%mul3A_60, %dma_wait3A] : memref<40x128xi32, #tpu.memory_space<vmem>> -> memref<1x128xi32, #tpu.memory_space<vmem>>
        %dma_wait3A_70 = tpu.memref_squeeze %dma_wait3A_69 : memref<1x128xi32, #tpu.memory_space<vmem>> -> memref<128xi32, #tpu.memory_space<vmem>>
        %dma_wait3A_71 = arith.constant 0 : i32
        %dma_wait3A_72 = arith.constant 0 : i32
        %dma_wait3A_73 = tpu.memref_slice %arg2[%dma_wait3A_71, %dma_wait3A_72] : memref<10240x128xf32, #tpu.memory_space<hbm>> -> memref<10240x128xf32, #tpu.memory_space<hbm>>
        tpu.wait_indirect_dma semaphore(%arg12 : memref<!tpu.dma_semaphore, #tpu.memory_space<semaphore_mem>>) src(%dma_wait3A_73 : memref<10240x128xf32, #tpu.memory_space<hbm>>) dst(%arg10 : memref<128x128xf32, #tpu.memory_space<vmem>>)
        "tpu.region"() ({
          %run_scoped3A = tpu.sem_alloc : memref<!tpu.dma_semaphore, #tpu.memory_space<semaphore_mem>>
          %dma_start3A_86 = arith.constant 0 : i32
          %dma_start3A_87 = tpu.memref_slice %arg9[%mul3A_60, %dma_start3A_86] : memref<40x128xi32, #tpu.memory_space<vmem>> -> memref<1x128xi32, #tpu.memory_space<vmem>>
          %dma_start3A_88 = tpu.memref_squeeze %dma_start3A_87 : memref<1x128xi32, #tpu.memory_space<vmem>> -> memref<128xi32, #tpu.memory_space<vmem>>
          %dma_start3A_89 = arith.constant 0 : i32
          %dma_start3A_90 = arith.constant 0 : i32
          %dma_start3A_91 = tpu.memref_slice %arg7[%dma_start3A_89, %dma_start3A_90] : memref<10240x128xf32, #tpu.memory_space<vmem_shared>> -> memref<10240x128xf32, #tpu.memory_space<vmem_shared>>
          tpu.enqueue_indirect_dma source(%arg10 : memref<128x128xf32, #tpu.memory_space<vmem>>) target(%dma_start3A_91 : memref<10240x128xf32, #tpu.memory_space<vmem_shared>>) offsets(%dma_start3A_88 : memref<128xi32, #tpu.memory_space<vmem>>) semaphore(%run_scoped3A : memref<!tpu.dma_semaphore, #tpu.memory_space<semaphore_mem>>) {add = true}
          %dma_wait3A_92 = arith.constant 0 : i32
          %dma_wait3A_93 = tpu.memref_slice %arg9[%mul3A_60, %dma_wait3A_92] : memref<40x128xi32, #tpu.memory_space<vmem>> -> memref<1x128xi32, #tpu.memory_space<vmem>>
          %dma_wait3A_94 = tpu.memref_squeeze %dma_wait3A_93 : memref<1x128xi32, #tpu.memory_space<vmem>> -> memref<128xi32, #tpu.memory_space<vmem>>
          %dma_wait3A_95 = arith.constant 0 : i32
          %dma_wait3A_96 = arith.constant 0 : i32
          %dma_wait3A_97 = tpu.memref_slice %arg7[%dma_wait3A_95, %dma_wait3A_96] : memref<10240x128xf32, #tpu.memory_space<vmem_shared>> -> memref<10240x128xf32, #tpu.memory_space<vmem_shared>>
          tpu.wait_indirect_dma semaphore(%run_scoped3A : memref<!tpu.dma_semaphore, #tpu.memory_space<semaphore_mem>>) src(%arg10 : memref<128x128xf32, #tpu.memory_space<vmem>>) dst(%dma_wait3A_97 : memref<10240x128xf32, #tpu.memory_space<vmem_shared>>)
          tpu.yield
        }) : () -> ()
        %add3A_74 = arith.constant 2 : i32
        %add3A_75 = arith.addi %mul3A_60, %add3A_74 : i32
        %lt3A = arith.constant 40 : i32
        %lt3A_76 = arith.cmpi slt, %add3A_75, %lt3A : i32
        %convert_element_type3A_77 = arith.extui %lt3A_76 : i1 to i32
        %cond3A_78 = arith.constant 0 : i32
        %cond3A_79 = arith.cmpi ne, %convert_element_type3A_77, %cond3A_78 : i32
        scf.if %cond3A_79 {
          %add3A_86 = arith.constant 2 : i32
          %add3A_87 = arith.addi %mul3A_60, %add3A_86 : i32
          %dma_start3A_88 = arith.constant 0 : i32
          %dma_start3A_89 = tpu.memref_slice %arg8[%add3A_87, %dma_start3A_88] : memref<40x128xi32, #tpu.memory_space<vmem>> -> memref<1x128xi32, #tpu.memory_space<vmem>>
          %dma_start3A_90 = tpu.memref_squeeze %dma_start3A_89 : memref<1x128xi32, #tpu.memory_space<vmem>> -> memref<128xi32, #tpu.memory_space<vmem>>
          %dma_start3A_91 = arith.constant 0 : i32
          %dma_start3A_92 = arith.constant 0 : i32
          %dma_start3A_93 = tpu.memref_slice %arg2[%dma_start3A_91, %dma_start3A_92] : memref<10240x128xf32, #tpu.memory_space<hbm>> -> memref<10240x128xf32, #tpu.memory_space<hbm>>
          tpu.enqueue_indirect_dma source(%dma_start3A_93 : memref<10240x128xf32, #tpu.memory_space<hbm>>) target(%arg10 : memref<128x128xf32, #tpu.memory_space<vmem>>) offsets(%dma_start3A_90 : memref<128xi32, #tpu.memory_space<vmem>>) semaphore(%arg12 : memref<!tpu.dma_semaphore, #tpu.memory_space<semaphore_mem>>)
        } else {
        }
        %dma_wait3A_80 = arith.constant 0 : i32
        %dma_wait3A_81 = tpu.memref_slice %arg8[%add3A_62, %dma_wait3A_80] : memref<40x128xi32, #tpu.memory_space<vmem>> -> memref<1x128xi32, #tpu.memory_space<vmem>>
        %dma_wait3A_82 = tpu.memref_squeeze %dma_wait3A_81 : memref<1x128xi32, #tpu.memory_space<vmem>> -> memref<128xi32, #tpu.memory_space<vmem>>
        %dma_wait3A_83 = arith.constant 0 : i32
        %dma_wait3A_84 = arith.constant 0 : i32
        %dma_wait3A_85 = tpu.memref_slice %arg2[%dma_wait3A_83, %dma_wait3A_84] : memref<10240x128xf32, #tpu.memory_space<hbm>> -> memref<10240x128xf32, #tpu.memory_space<hbm>>
        tpu.wait_indirect_dma semaphore(%arg13 : memref<!tpu.dma_semaphore, #tpu.memory_space<semaphore_mem>>) src(%dma_wait3A_85 : memref<10240x128xf32, #tpu.memory_space<hbm>>) dst(%arg11 : memref<128x128xf32, #tpu.memory_space<vmem>>)
        "tpu.region"() ({
          %run_scoped3A = tpu.sem_alloc : memref<!tpu.dma_semaphore, #tpu.memory_space<semaphore_mem>>
          %dma_start3A_86 = arith.constant 0 : i32
          %dma_start3A_87 = tpu.memref_slice %arg9[%add3A_62, %dma_start3A_86] : memref<40x128xi32, #tpu.memory_space<vmem>> -> memref<1x128xi32, #tpu.memory_space<vmem>>
          %dma_start3A_88 = tpu.memref_squeeze %dma_start3A_87 : memref<1x128xi32, #tpu.memory_space<vmem>> -> memref<128xi32, #tpu.memory_space<vmem>>
          %dma_start3A_89 = arith.constant 0 : i32
          %dma_start3A_90 = arith.constant 0 : i32
          %dma_start3A_91 = tpu.memref_slice %arg7[%dma_start3A_89, %dma_start3A_90] : memref<10240x128xf32, #tpu.memory_space<vmem_shared>> -> memref<10240x128xf32, #tpu.memory_space<vmem_shared>>
          tpu.enqueue_indirect_dma source(%arg11 : memref<128x128xf32, #tpu.memory_space<vmem>>) target(%dma_start3A_91 : memref<10240x128xf32, #tpu.memory_space<vmem_shared>>) offsets(%dma_start3A_88 : memref<128xi32, #tpu.memory_space<vmem>>) semaphore(%run_scoped3A : memref<!tpu.dma_semaphore, #tpu.memory_space<semaphore_mem>>) {add = true}
          %dma_wait3A_92 = arith.constant 0 : i32
          %dma_wait3A_93 = tpu.memref_slice %arg9[%add3A_62, %dma_wait3A_92] : memref<40x128xi32, #tpu.memory_space<vmem>> -> memref<1x128xi32, #tpu.memory_space<vmem>>
          %dma_wait3A_94 = tpu.memref_squeeze %dma_wait3A_93 : memref<1x128xi32, #tpu.memory_space<vmem>> -> memref<128xi32, #tpu.memory_space<vmem>>
          %dma_wait3A_95 = arith.constant 0 : i32
          %dma_wait3A_96 = arith.constant 0 : i32
          %dma_wait3A_97 = tpu.memref_slice %arg7[%dma_wait3A_95, %dma_wait3A_96] : memref<10240x128xf32, #tpu.memory_space<vmem_shared>> -> memref<10240x128xf32, #tpu.memory_space<vmem_shared>>
          tpu.wait_indirect_dma semaphore(%run_scoped3A : memref<!tpu.dma_semaphore, #tpu.memory_space<semaphore_mem>>) src(%arg11 : memref<128x128xf32, #tpu.memory_space<vmem>>) dst(%dma_wait3A_97 : memref<10240x128xf32, #tpu.memory_space<vmem_shared>>)
          tpu.yield
        }) : () -> ()
      }
      %scan3A_57 = arith.constant 20 : i32
    }
    %scan3A_31 = arith.constant 2 : i32
    %barrier3A_32 = arith.constant 0 : index
    tpu.barrier barrier_id(%barrier3A_32)
    %eq3A = arith.constant 0 : i32
    %eq3A_33 = arith.cmpi eq, %arg0, %eq3A : i32
    %convert_element_type3A = arith.extui %eq3A_33 : i1 to i32
    %cond3A = arith.constant 0 : i32
    %cond3A_34 = arith.cmpi ne, %convert_element_type3A, %cond3A : i32
    scf.if %cond3A_34 {
      %mul3A_40 = arith.constant 640 : i32
      %mul3A_41 = arith.muli %arg1, %mul3A_40 : i32
      %mul3A_42 = arith.constant 640 : i32
      %mul3A_43 = arith.muli %arg1, %mul3A_42 : i32
      "tpu.region"() ({
        %run_scoped3A = tpu.sem_alloc : memref<!tpu.dma_semaphore, #tpu.memory_space<semaphore_mem>>
        %dma_start3A = arith.constant 0 : i32
        %dma_start3A_44 = tpu.memref_slice %arg5[%mul3A_43, %dma_start3A] : memref<10240x128xf32, #tpu.memory_space<hbm>> -> memref<640x128xf32, #tpu.memory_space<hbm>>
        %dma_start3A_45 = arith.constant 0 : i32
        %dma_start3A_46 = tpu.memref_slice %arg7[%mul3A_41, %dma_start3A_45] : memref<10240x128xf32, #tpu.memory_space<vmem_shared>> -> memref<640x128xf32, #tpu.memory_space<vmem_shared>>
        tpu.enqueue_dma source(%dma_start3A_46 : memref<640x128xf32, #tpu.memory_space<vmem_shared>>) target(%dma_start3A_44 : memref<640x128xf32, #tpu.memory_space<hbm>>) target_semaphore(%run_scoped3A : memref<!tpu.dma_semaphore, #tpu.memory_space<semaphore_mem>>)
        %dma_wait3A = arith.constant 0 : i32
        %dma_wait3A_47 = tpu.memref_slice %arg5[%mul3A_43, %dma_wait3A] : memref<10240x128xf32, #tpu.memory_space<hbm>> -> memref<640x128xf32, #tpu.memory_space<hbm>>
        %dma_wait3A_48 = arith.constant 0 : i32
        %dma_wait3A_49 = tpu.memref_slice %arg7[%mul3A_41, %dma_wait3A_48] : memref<10240x128xf32, #tpu.memory_space<vmem_shared>> -> memref<640x128xf32, #tpu.memory_space<vmem_shared>>
        tpu.wait_dma2 semaphore(%run_scoped3A : memref<!tpu.dma_semaphore, #tpu.memory_space<semaphore_mem>>) src(%dma_wait3A_49 : memref<640x128xf32, #tpu.memory_space<vmem_shared>>) dst(%dma_wait3A_47 : memref<640x128xf32, #tpu.memory_space<hbm>>)
        tpu.yield
      }) : () -> ()
    } else {
    }
    %eq3A_35 = arith.constant 1 : i32
    %eq3A_36 = arith.cmpi eq, %arg0, %eq3A_35 : i32
    %convert_element_type3A_37 = arith.extui %eq3A_36 : i1 to i32
    %cond3A_38 = arith.constant 0 : i32
    %cond3A_39 = arith.cmpi ne, %convert_element_type3A_37, %cond3A_38 : i32
    scf.if %cond3A_39 {
      %mul3A_40 = arith.constant 640 : i32
      %mul3A_41 = arith.muli %arg1, %mul3A_40 : i32
      %mul3A_42 = arith.constant 640 : i32
      %mul3A_43 = arith.muli %arg1, %mul3A_42 : i32
      "tpu.region"() ({
        %run_scoped3A = tpu.sem_alloc : memref<!tpu.dma_semaphore, #tpu.memory_space<semaphore_mem>>
        %dma_start3A = arith.constant 0 : i32
        %dma_start3A_44 = tpu.memref_slice %arg6[%mul3A_43, %dma_start3A] : memref<10240x128xf32, #tpu.memory_space<hbm>> -> memref<640x128xf32, #tpu.memory_space<hbm>>
        %dma_start3A_45 = arith.constant 0 : i32
        %dma_start3A_46 = tpu.memref_slice %arg7[%mul3A_41, %dma_start3A_45] : memref<10240x128xf32, #tpu.memory_space<vmem_shared>> -> memref<640x128xf32, #tpu.memory_space<vmem_shared>>
        tpu.enqueue_dma source(%dma_start3A_46 : memref<640x128xf32, #tpu.memory_space<vmem_shared>>) target(%dma_start3A_44 : memref<640x128xf32, #tpu.memory_space<hbm>>) target_semaphore(%run_scoped3A : memref<!tpu.dma_semaphore, #tpu.memory_space<semaphore_mem>>)
        %dma_wait3A = arith.constant 0 : i32
        %dma_wait3A_47 = tpu.memref_slice %arg6[%mul3A_43, %dma_wait3A] : memref<10240x128xf32, #tpu.memory_space<hbm>> -> memref<640x128xf32, #tpu.memory_space<hbm>>
        %dma_wait3A_48 = arith.constant 0 : i32
        %dma_wait3A_49 = tpu.memref_slice %arg7[%mul3A_41, %dma_wait3A_48] : memref<10240x128xf32, #tpu.memory_space<vmem_shared>> -> memref<640x128xf32, #tpu.memory_space<vmem_shared>>
        tpu.wait_dma2 semaphore(%run_scoped3A : memref<!tpu.dma_semaphore, #tpu.memory_space<semaphore_mem>>) src(%dma_wait3A_49 : memref<640x128xf32, #tpu.memory_space<vmem_shared>>) dst(%dma_wait3A_47 : memref<640x128xf32, #tpu.memory_space<hbm>>)
        tpu.yield
      }) : () -> ()
    } else {
    }
    return
  }
}

#map = affine_map<(d0, d1) -> (0, 0)>
module attributes {stable_mosaic.version = 14 : i64} {
  func.func @k(%arg0: i32, %arg1: i32, %arg2: memref<10240x128xf32, #tpu.memory_space<hbm>>, %arg3: memref<2560x128xi32, #tpu.memory_space<hbm>>, %arg4: memref<2560x128xi32, #tpu.memory_space<hbm>>, %arg5: memref<10240x128xf32, #tpu.memory_space<hbm>>, %arg6: memref<10240x128xf32, #tpu.memory_space<hbm>>, %arg7: memref<10240x128xf32, #tpu.memory_space<vmem_shared>>, %arg8: memref<40x128xi32, #tpu.memory_space<vmem>>, %arg9: memref<40x128xi32, #tpu.memory_space<vmem>>, %arg10: memref<128x128xf32, #tpu.memory_space<vmem>>, %arg11: memref<128x128xf32, #tpu.memory_space<vmem>>, %arg12: memref<!tpu.dma_semaphore, #tpu.memory_space<semaphore_mem>>, %arg13: memref<!tpu.dma_semaphore, #tpu.memory_space<semaphore_mem>>) attributes {dimension_semantics = [#tpu.dimension_semantics<core_parallel>, #tpu.dimension_semantics<subcore_parallel>], iteration_bounds = array<i64: 2, 16>, scalar_prefetch = 0 : i64, scratch_operands = 7 : i64, tpu.core_type = #tpu.core_type<sc_vector_subcore>, window_params = [{transform_indices = #map}, {transform_indices = #map}, {transform_indices = #map}, {transform_indices = #map}, {transform_indices = #map}]} {
    %mul3A = arith.constant 16 : i32
    %mul3A_0 = arith.muli %arg0, %mul3A : i32
    %add3A = arith.addi %mul3A_0, %arg1 : i32
    %scan3A = arith.constant 0 : i32
    %scan3A_1 = arith.constant 0 : i32
    %scan3A_2 = arith.constant 1024 : i32
    %scan3A_3 = arith.addi %scan3A_1, %scan3A_2 : i32
    %scan3A_4 = arith.constant 1 : i32
    scf.for %scan3A_40 = %scan3A_1 to %scan3A_3 step %scan3A_4  : i32 {
      %broadcast_in_dim3A = arith.constant 0.000000e+00 : f32
      %broadcast_in_dim3A_41 = vector.broadcast %broadcast_in_dim3A : f32 to vector<16xf32>
      %jit3A = arith.constant 8 : i32
      %div3A = arith.divsi %scan3A_40, %jit3A : i32
      %sign3A = arith.constant 0 : i32
      %sign3A_42 = arith.cmpi sgt, %scan3A_40, %sign3A : i32
      %sign3A_43 = arith.extui %sign3A_42 : i1 to i32
      %sign3A_44 = arith.constant 0 : i32
      %sign3A_45 = arith.cmpi slt, %scan3A_40, %sign3A_44 : i32
      %sign3A_46 = arith.extui %sign3A_45 : i1 to i32
      %sign3A_47 = arith.subi %sign3A_43, %sign3A_46 : i32
      %sign3A_48 = arith.constant 0 : i32
      %sign3A_49 = arith.cmpi sgt, %jit3A, %sign3A_48 : i32
      %sign3A_50 = arith.extui %sign3A_49 : i1 to i32
      %sign3A_51 = arith.constant 0 : i32
      %sign3A_52 = arith.cmpi slt, %jit3A, %sign3A_51 : i32
      %sign3A_53 = arith.extui %sign3A_52 : i1 to i32
      %sign3A_54 = arith.subi %sign3A_50, %sign3A_53 : i32
      %ne3A = arith.cmpi ne, %sign3A_47, %sign3A_54 : i32
      %rem3A = arith.remsi %scan3A_40, %jit3A : i32
      %ne3A_55 = arith.constant 0 : i32
      %ne3A_56 = arith.cmpi ne, %rem3A, %ne3A_55 : i32
      %and3A = arith.andi %ne3A, %ne3A_56 : i1
      %sub3A = arith.constant 1 : i32
      %sub3A_57 = arith.subi %div3A, %sub3A : i32
      %select_n3A = arith.select %and3A, %sub3A_57, %div3A : i32
      %jit3A_58 = arith.constant 8 : i32
      %eq3A_59 = arith.constant 0 : i32
      %eq3A_60 = arith.cmpi eq, %jit3A_58, %eq3A_59 : i32
      %jit3A_61 = arith.constant 1 : i32
      %select_n3A_62 = arith.select %eq3A_60, %jit3A_61, %jit3A_58 : i32
      %rem3A_63 = arith.remsi %scan3A_40, %select_n3A_62 : i32
      %ne3A_64 = arith.constant 0 : i32
      %ne3A_65 = arith.cmpi ne, %rem3A_63, %ne3A_64 : i32
      %lt3A = arith.constant 0 : i32
      %lt3A_66 = arith.cmpi slt, %rem3A_63, %lt3A : i32
      %lt3A_67 = arith.constant 0 : i32
      %lt3A_68 = arith.cmpi slt, %select_n3A_62, %lt3A_67 : i32
      %ne3A_69 = arith.xori %lt3A_66, %lt3A_68 : i1
      %and3A_70 = arith.andi %ne3A_69, %ne3A_65 : i1
      %add3A_71 = arith.addi %rem3A_63, %select_n3A_62 : i32
      %select_n3A_72 = arith.select %and3A_70, %add3A_71, %rem3A_63 : i32
      %mul3A_73 = arith.constant 16 : i32
      %mul3A_74 = arith.muli %select_n3A_72, %mul3A_73 : i32
      %swap3A = arith.index_cast %select_n3A : i32 to index
      %swap3A_75 = arith.index_cast %mul3A_74 : i32 to index
      %swap3A_76 = tpu.vector_load %arg10[%swap3A, %swap3A_75] {strides = array<i32>} : memref<128x128xf32, #tpu.memory_space<vmem>>, vector<1x16xf32>,
      %swap3A_77 = vector.shape_cast %swap3A_76 : vector<1x16xf32> to vector<16xf32>
      %swap3A_78 = vector.shape_cast %broadcast_in_dim3A_41 : vector<16xf32> to vector<1x16xf32>
      tpu.vector_store %arg10[%swap3A, %swap3A_75], %swap3A_78 {strides = array<i32>} : memref<128x128xf32, #tpu.memory_space<vmem>>, vector<1x16xf32>,
    }
    %scan3A_5 = arith.constant 1024 : i32
    %mul3A_6 = arith.constant 640 : i32
    %mul3A_7 = arith.muli %arg1, %mul3A_6 : i32
    %add3A_8 = arith.constant 0 : i32
    %add3A_9 = arith.addi %mul3A_7, %add3A_8 : i32
    "tpu.region"() ({
      %run_scoped3A = tpu.sem_alloc : memref<!tpu.dma_semaphore, #tpu.memory_space<semaphore_mem>>
      %dma_start3A = arith.constant 0 : i32
      %dma_start3A_40 = tpu.memref_slice %arg7[%add3A_9, %dma_start3A] : memref<10240x128xf32, #tpu.memory_space<vmem_shared>> -> memref<128x128xf32, #tpu.memory_space<vmem_shared>>
      %dma_start3A_41 = arith.constant 0 : i32
      %dma_start3A_42 = tpu.memref_slice %arg7[%add3A_9, %dma_start3A_41] : memref<10240x128xf32, #tpu.memory_space<vmem_shared>> -> memref<128x128xf32, #tpu.memory_space<vmem_shared>>
      tpu.enqueue_dma source(%arg10 : memref<128x128xf32, #tpu.memory_space<vmem>>) target(%dma_start3A_42 : memref<128x128xf32, #tpu.memory_space<vmem_shared>>) target_semaphore(%run_scoped3A : memref<!tpu.dma_semaphore, #tpu.memory_space<semaphore_mem>>)
      %dma_wait3A = arith.constant 0 : i32
      %dma_wait3A_43 = tpu.memref_slice %arg7[%add3A_9, %dma_wait3A] : memref<10240x128xf32, #tpu.memory_space<vmem_shared>> -> memref<128x128xf32, #tpu.memory_space<vmem_shared>>
      %dma_wait3A_44 = arith.constant 0 : i32
      %dma_wait3A_45 = tpu.memref_slice %arg7[%add3A_9, %dma_wait3A_44] : memref<10240x128xf32, #tpu.memory_space<vmem_shared>> -> memref<128x128xf32, #tpu.memory_space<vmem_shared>>
      tpu.wait_dma2 semaphore(%run_scoped3A : memref<!tpu.dma_semaphore, #tpu.memory_space<semaphore_mem>>) src(%arg10 : memref<128x128xf32, #tpu.memory_space<vmem>>) dst(%dma_wait3A_45 : memref<128x128xf32, #tpu.memory_space<vmem_shared>>)
      tpu.yield
    }) : () -> ()
    %mul3A_10 = arith.constant 640 : i32
    %mul3A_11 = arith.muli %arg1, %mul3A_10 : i32
    %add3A_12 = arith.constant 128 : i32
    %add3A_13 = arith.addi %mul3A_11, %add3A_12 : i32
    "tpu.region"() ({
      %run_scoped3A = tpu.sem_alloc : memref<!tpu.dma_semaphore, #tpu.memory_space<semaphore_mem>>
      %dma_start3A = arith.constant 0 : i32
      %dma_start3A_40 = tpu.memref_slice %arg7[%add3A_13, %dma_start3A] : memref<10240x128xf32, #tpu.memory_space<vmem_shared>> -> memref<128x128xf32, #tpu.memory_space<vmem_shared>>
      %dma_start3A_41 = arith.constant 0 : i32
      %dma_start3A_42 = tpu.memref_slice %arg7[%add3A_13, %dma_start3A_41] : memref<10240x128xf32, #tpu.memory_space<vmem_shared>> -> memref<128x128xf32, #tpu.memory_space<vmem_shared>>
      tpu.enqueue_dma source(%arg10 : memref<128x128xf32, #tpu.memory_space<vmem>>) target(%dma_start3A_42 : memref<128x128xf32, #tpu.memory_space<vmem_shared>>) target_semaphore(%run_scoped3A : memref<!tpu.dma_semaphore, #tpu.memory_space<semaphore_mem>>)
      %dma_wait3A = arith.constant 0 : i32
      %dma_wait3A_43 = tpu.memref_slice %arg7[%add3A_13, %dma_wait3A] : memref<10240x128xf32, #tpu.memory_space<vmem_shared>> -> memref<128x128xf32, #tpu.memory_space<vmem_shared>>
      %dma_wait3A_44 = arith.constant 0 : i32
      %dma_wait3A_45 = tpu.memref_slice %arg7[%add3A_13, %dma_wait3A_44] : memref<10240x128xf32, #tpu.memory_space<vmem_shared>> -> memref<128x128xf32, #tpu.memory_space<vmem_shared>>
      tpu.wait_dma2 semaphore(%run_scoped3A : memref<!tpu.dma_semaphore, #tpu.memory_space<semaphore_mem>>) src(%arg10 : memref<128x128xf32, #tpu.memory_space<vmem>>) dst(%dma_wait3A_45 : memref<128x128xf32, #tpu.memory_space<vmem_shared>>)
      tpu.yield
    }) : () -> ()
    %mul3A_14 = arith.constant 640 : i32
    %mul3A_15 = arith.muli %arg1, %mul3A_14 : i32
    %add3A_16 = arith.constant 256 : i32
    %add3A_17 = arith.addi %mul3A_15, %add3A_16 : i32
    "tpu.region"() ({
      %run_scoped3A = tpu.sem_alloc : memref<!tpu.dma_semaphore, #tpu.memory_space<semaphore_mem>>
      %dma_start3A = arith.constant 0 : i32
      %dma_start3A_40 = tpu.memref_slice %arg7[%add3A_17, %dma_start3A] : memref<10240x128xf32, #tpu.memory_space<vmem_shared>> -> memref<128x128xf32, #tpu.memory_space<vmem_shared>>
      %dma_start3A_41 = arith.constant 0 : i32
      %dma_start3A_42 = tpu.memref_slice %arg7[%add3A_17, %dma_start3A_41] : memref<10240x128xf32, #tpu.memory_space<vmem_shared>> -> memref<128x128xf32, #tpu.memory_space<vmem_shared>>
      tpu.enqueue_dma source(%arg10 : memref<128x128xf32, #tpu.memory_space<vmem>>) target(%dma_start3A_42 : memref<128x128xf32, #tpu.memory_space<vmem_shared>>) target_semaphore(%run_scoped3A : memref<!tpu.dma_semaphore, #tpu.memory_space<semaphore_mem>>)
      %dma_wait3A = arith.constant 0 : i32
      %dma_wait3A_43 = tpu.memref_slice %arg7[%add3A_17, %dma_wait3A] : memref<10240x128xf32, #tpu.memory_space<vmem_shared>> -> memref<128x128xf32, #tpu.memory_space<vmem_shared>>
      %dma_wait3A_44 = arith.constant 0 : i32
      %dma_wait3A_45 = tpu.memref_slice %arg7[%add3A_17, %dma_wait3A_44] : memref<10240x128xf32, #tpu.memory_space<vmem_shared>> -> memref<128x128xf32, #tpu.memory_space<vmem_shared>>
      tpu.wait_dma2 semaphore(%run_scoped3A : memref<!tpu.dma_semaphore, #tpu.memory_space<semaphore_mem>>) src(%arg10 : memref<128x128xf32, #tpu.memory_space<vmem>>) dst(%dma_wait3A_45 : memref<128x128xf32, #tpu.memory_space<vmem_shared>>)
      tpu.yield
    }) : () -> ()
    %mul3A_18 = arith.constant 640 : i32
    %mul3A_19 = arith.muli %arg1, %mul3A_18 : i32
    %add3A_20 = arith.constant 384 : i32
    %add3A_21 = arith.addi %mul3A_19, %add3A_20 : i32
    "tpu.region"() ({
      %run_scoped3A = tpu.sem_alloc : memref<!tpu.dma_semaphore, #tpu.memory_space<semaphore_mem>>
      %dma_start3A = arith.constant 0 : i32
      %dma_start3A_40 = tpu.memref_slice %arg7[%add3A_21, %dma_start3A] : memref<10240x128xf32, #tpu.memory_space<vmem_shared>> -> memref<128x128xf32, #tpu.memory_space<vmem_shared>>
      %dma_start3A_41 = arith.constant 0 : i32
      %dma_start3A_42 = tpu.memref_slice %arg7[%add3A_21, %dma_start3A_41] : memref<10240x128xf32, #tpu.memory_space<vmem_shared>> -> memref<128x128xf32, #tpu.memory_space<vmem_shared>>
      tpu.enqueue_dma source(%arg10 : memref<128x128xf32, #tpu.memory_space<vmem>>) target(%dma_start3A_42 : memref<128x128xf32, #tpu.memory_space<vmem_shared>>) target_semaphore(%run_scoped3A : memref<!tpu.dma_semaphore, #tpu.memory_space<semaphore_mem>>)
      %dma_wait3A = arith.constant 0 : i32
      %dma_wait3A_43 = tpu.memref_slice %arg7[%add3A_21, %dma_wait3A] : memref<10240x128xf32, #tpu.memory_space<vmem_shared>> -> memref<128x128xf32, #tpu.memory_space<vmem_shared>>
      %dma_wait3A_44 = arith.constant 0 : i32
      %dma_wait3A_45 = tpu.memref_slice %arg7[%add3A_21, %dma_wait3A_44] : memref<10240x128xf32, #tpu.memory_space<vmem_shared>> -> memref<128x128xf32, #tpu.memory_space<vmem_shared>>
      tpu.wait_dma2 semaphore(%run_scoped3A : memref<!tpu.dma_semaphore, #tpu.memory_space<semaphore_mem>>) src(%arg10 : memref<128x128xf32, #tpu.memory_space<vmem>>) dst(%dma_wait3A_45 : memref<128x128xf32, #tpu.memory_space<vmem_shared>>)
      tpu.yield
    }) : () -> ()
    %mul3A_22 = arith.constant 640 : i32
    %mul3A_23 = arith.muli %arg1, %mul3A_22 : i32
    %add3A_24 = arith.constant 512 : i32
    %add3A_25 = arith.addi %mul3A_23, %add3A_24 : i32
    "tpu.region"() ({
      %run_scoped3A = tpu.sem_alloc : memref<!tpu.dma_semaphore, #tpu.memory_space<semaphore_mem>>
      %dma_start3A = arith.constant 0 : i32
      %dma_start3A_40 = tpu.memref_slice %arg7[%add3A_25, %dma_start3A] : memref<10240x128xf32, #tpu.memory_space<vmem_shared>> -> memref<128x128xf32, #tpu.memory_space<vmem_shared>>
      %dma_start3A_41 = arith.constant 0 : i32
      %dma_start3A_42 = tpu.memref_slice %arg7[%add3A_25, %dma_start3A_41] : memref<10240x128xf32, #tpu.memory_space<vmem_shared>> -> memref<128x128xf32, #tpu.memory_space<vmem_shared>>
      tpu.enqueue_dma source(%arg10 : memref<128x128xf32, #tpu.memory_space<vmem>>) target(%dma_start3A_42 : memref<128x128xf32, #tpu.memory_space<vmem_shared>>) target_semaphore(%run_scoped3A : memref<!tpu.dma_semaphore, #tpu.memory_space<semaphore_mem>>)
      %dma_wait3A = arith.constant 0 : i32
      %dma_wait3A_43 = tpu.memref_slice %arg7[%add3A_25, %dma_wait3A] : memref<10240x128xf32, #tpu.memory_space<vmem_shared>> -> memref<128x128xf32, #tpu.memory_space<vmem_shared>>
      %dma_wait3A_44 = arith.constant 0 : i32
      %dma_wait3A_45 = tpu.memref_slice %arg7[%add3A_25, %dma_wait3A_44] : memref<10240x128xf32, #tpu.memory_space<vmem_shared>> -> memref<128x128xf32, #tpu.memory_space<vmem_shared>>
      tpu.wait_dma2 semaphore(%run_scoped3A : memref<!tpu.dma_semaphore, #tpu.memory_space<semaphore_mem>>) src(%arg10 : memref<128x128xf32, #tpu.memory_space<vmem>>) dst(%dma_wait3A_45 : memref<128x128xf32, #tpu.memory_space<vmem_shared>>)
      tpu.yield
    }) : () -> ()
    %barrier3A = arith.constant 0 : index
    tpu.barrier barrier_id(%barrier3A)
    %scan3A_26 = arith.constant 0 : i32
    %scan3A_27 = arith.constant 0 : i32
    %scan3A_28 = arith.constant 2 : i32
    %scan3A_29 = arith.addi %scan3A_27, %scan3A_28 : i32
    %scan3A_30 = arith.constant 1 : i32
    scf.for %scan3A_40 = %scan3A_27 to %scan3A_29 step %scan3A_30  : i32 {
      %mul3A_41 = arith.constant 80 : i32
      %mul3A_42 = arith.muli %add3A, %mul3A_41 : i32
      %mul3A_43 = arith.constant 40 : i32
      %mul3A_44 = arith.muli %scan3A_40, %mul3A_43 : i32
      %add3A_45 = arith.addi %mul3A_42, %mul3A_44 : i32
      "tpu.region"() ({
        %run_scoped3A = tpu.sem_alloc : memref<!tpu.dma_semaphore, #tpu.memory_space<semaphore_mem>>
        %dma_start3A_58 = arith.constant 0 : i32
        %dma_start3A_59 = tpu.memref_slice %arg3[%add3A_45, %dma_start3A_58] : memref<2560x128xi32, #tpu.memory_space<hbm>> -> memref<40x128xi32, #tpu.memory_space<hbm>>
        %dma_start3A_60 = arith.constant 0 : i32
        %dma_start3A_61 = tpu.memref_slice %arg3[%add3A_45, %dma_start3A_60] : memref<2560x128xi32, #tpu.memory_space<hbm>> -> memref<40x128xi32, #tpu.memory_space<hbm>>
        tpu.enqueue_dma source(%dma_start3A_61 : memref<40x128xi32, #tpu.memory_space<hbm>>) target(%arg8 : memref<40x128xi32, #tpu.memory_space<vmem>>) target_semaphore(%run_scoped3A : memref<!tpu.dma_semaphore, #tpu.memory_space<semaphore_mem>>)
        %dma_wait3A = arith.constant 0 : i32
        %dma_wait3A_62 = tpu.memref_slice %arg3[%add3A_45, %dma_wait3A] : memref<2560x128xi32, #tpu.memory_space<hbm>> -> memref<40x128xi32, #tpu.memory_space<hbm>>
        %dma_wait3A_63 = arith.constant 0 : i32
        %dma_wait3A_64 = tpu.memref_slice %arg3[%add3A_45, %dma_wait3A_63] : memref<2560x128xi32, #tpu.memory_space<hbm>> -> memref<40x128xi32, #tpu.memory_space<hbm>>
        tpu.wait_dma2 semaphore(%run_scoped3A : memref<!tpu.dma_semaphore, #tpu.memory_space<semaphore_mem>>) src(%dma_wait3A_64 : memref<40x128xi32, #tpu.memory_space<hbm>>) dst(%arg8 : memref<40x128xi32, #tpu.memory_space<vmem>>)
        tpu.yield
      }) : () -> ()
      "tpu.region"() ({
        %run_scoped3A = tpu.sem_alloc : memref<!tpu.dma_semaphore, #tpu.memory_space<semaphore_mem>>
        %dma_start3A_58 = arith.constant 0 : i32
        %dma_start3A_59 = tpu.memref_slice %arg4[%add3A_45, %dma_start3A_58] : memref<2560x128xi32, #tpu.memory_space<hbm>> -> memref<40x128xi32, #tpu.memory_space<hbm>>
        %dma_start3A_60 = arith.constant 0 : i32
        %dma_start3A_61 = tpu.memref_slice %arg4[%add3A_45, %dma_start3A_60] : memref<2560x128xi32, #tpu.memory_space<hbm>> -> memref<40x128xi32, #tpu.memory_space<hbm>>
        tpu.enqueue_dma source(%dma_start3A_61 : memref<40x128xi32, #tpu.memory_space<hbm>>) target(%arg9 : memref<40x128xi32, #tpu.memory_space<vmem>>) target_semaphore(%run_scoped3A : memref<!tpu.dma_semaphore, #tpu.memory_space<semaphore_mem>>)
        %dma_wait3A = arith.constant 0 : i32
        %dma_wait3A_62 = tpu.memref_slice %arg4[%add3A_45, %dma_wait3A] : memref<2560x128xi32, #tpu.memory_space<hbm>> -> memref<40x128xi32, #tpu.memory_space<hbm>>
        %dma_wait3A_63 = arith.constant 0 : i32
        %dma_wait3A_64 = tpu.memref_slice %arg4[%add3A_45, %dma_wait3A_63] : memref<2560x128xi32, #tpu.memory_space<hbm>> -> memref<40x128xi32, #tpu.memory_space<hbm>>
        tpu.wait_dma2 semaphore(%run_scoped3A : memref<!tpu.dma_semaphore, #tpu.memory_space<semaphore_mem>>) src(%dma_wait3A_64 : memref<40x128xi32, #tpu.memory_space<hbm>>) dst(%arg9 : memref<40x128xi32, #tpu.memory_space<vmem>>)
        tpu.yield
      }) : () -> ()
      %dma_start3A = arith.constant 0 : i32
      %dma_start3A_46 = arith.constant 0 : i32
      %dma_start3A_47 = tpu.memref_slice %arg8[%dma_start3A, %dma_start3A_46] : memref<40x128xi32, #tpu.memory_space<vmem>> -> memref<1x128xi32, #tpu.memory_space<vmem>>
      %dma_start3A_48 = tpu.memref_squeeze %dma_start3A_47 : memref<1x128xi32, #tpu.memory_space<vmem>> -> memref<128xi32, #tpu.memory_space<vmem>>
      %dma_start3A_49 = arith.constant 0 : i32
      %dma_start3A_50 = arith.constant 0 : i32
      %dma_start3A_51 = tpu.memref_slice %arg2[%dma_start3A_49, %dma_start3A_50] : memref<10240x128xf32, #tpu.memory_space<hbm>> -> memref<10240x128xf32, #tpu.memory_space<hbm>>
      tpu.enqueue_indirect_dma source(%dma_start3A_51 : memref<10240x128xf32, #tpu.memory_space<hbm>>) target(%arg10 : memref<128x128xf32, #tpu.memory_space<vmem>>) offsets(%dma_start3A_48 : memref<128xi32, #tpu.memory_space<vmem>>) semaphore(%arg12 : memref<!tpu.dma_semaphore, #tpu.memory_space<semaphore_mem>>)
      %scan3A_52 = arith.constant 0 : i32
      %scan3A_53 = arith.constant 0 : i32
      %scan3A_54 = arith.constant 20 : i32
      %scan3A_55 = arith.addi %scan3A_53, %scan3A_54 : i32
      %scan3A_56 = arith.constant 1 : i32
      scf.for %scan3A_58 = %scan3A_53 to %scan3A_55 step %scan3A_56  : i32 {
        %mul3A_59 = arith.constant 2 : i32
        %mul3A_60 = arith.muli %mul3A_59, %scan3A_58 : i32
        %add3A_61 = arith.constant 1 : i32
        %add3A_62 = arith.addi %mul3A_60, %add3A_61 : i32
        %dma_start3A_63 = arith.constant 0 : i32
        %dma_start3A_64 = tpu.memref_slice %arg8[%add3A_62, %dma_start3A_63] : memref<40x128xi32, #tpu.memory_space<vmem>> -> memref<1x128xi32, #tpu.memory_space<vmem>>
        %dma_start3A_65 = tpu.memref_squeeze %dma_start3A_64 : memref<1x128xi32, #tpu.memory_space<vmem>> -> memref<128xi32, #tpu.memory_space<vmem>>
        %dma_start3A_66 = arith.constant 0 : i32
        %dma_start3A_67 = arith.constant 0 : i32
        %dma_start3A_68 = tpu.memref_slice %arg2[%dma_start3A_66, %dma_start3A_67] : memref<10240x128xf32, #tpu.memory_space<hbm>> -> memref<10240x128xf32, #tpu.memory_space<hbm>>
        tpu.enqueue_indirect_dma source(%dma_start3A_68 : memref<10240x128xf32, #tpu.memory_space<hbm>>) target(%arg11 : memref<128x128xf32, #tpu.memory_space<vmem>>) offsets(%dma_start3A_65 : memref<128xi32, #tpu.memory_space<vmem>>) semaphore(%arg13 : memref<!tpu.dma_semaphore, #tpu.memory_space<semaphore_mem>>)
        %dma_wait3A = arith.constant 0 : i32
        %dma_wait3A_69 = tpu.memref_slice %arg8[%mul3A_60, %dma_wait3A] : memref<40x128xi32, #tpu.memory_space<vmem>> -> memref<1x128xi32, #tpu.memory_space<vmem>>
        %dma_wait3A_70 = tpu.memref_squeeze %dma_wait3A_69 : memref<1x128xi32, #tpu.memory_space<vmem>> -> memref<128xi32, #tpu.memory_space<vmem>>
        %dma_wait3A_71 = arith.constant 0 : i32
        %dma_wait3A_72 = arith.constant 0 : i32
        %dma_wait3A_73 = tpu.memref_slice %arg2[%dma_wait3A_71, %dma_wait3A_72] : memref<10240x128xf32, #tpu.memory_space<hbm>> -> memref<10240x128xf32, #tpu.memory_space<hbm>>
        tpu.wait_indirect_dma semaphore(%arg12 : memref<!tpu.dma_semaphore, #tpu.memory_space<semaphore_mem>>) src(%dma_wait3A_73 : memref<10240x128xf32, #tpu.memory_space<hbm>>) dst(%arg10 : memref<128x128xf32, #tpu.memory_space<vmem>>)
        "tpu.region"() ({
          %run_scoped3A = tpu.sem_alloc : memref<!tpu.dma_semaphore, #tpu.memory_space<semaphore_mem>>
          %dma_start3A_86 = arith.constant 0 : i32
          %dma_start3A_87 = tpu.memref_slice %arg9[%mul3A_60, %dma_start3A_86] : memref<40x128xi32, #tpu.memory_space<vmem>> -> memref<1x128xi32, #tpu.memory_space<vmem>>
          %dma_start3A_88 = tpu.memref_squeeze %dma_start3A_87 : memref<1x128xi32, #tpu.memory_space<vmem>> -> memref<128xi32, #tpu.memory_space<vmem>>
          %dma_start3A_89 = arith.constant 0 : i32
          %dma_start3A_90 = arith.constant 0 : i32
          %dma_start3A_91 = tpu.memref_slice %arg7[%dma_start3A_89, %dma_start3A_90] : memref<10240x128xf32, #tpu.memory_space<vmem_shared>> -> memref<10240x128xf32, #tpu.memory_space<vmem_shared>>
          tpu.enqueue_indirect_dma source(%arg10 : memref<128x128xf32, #tpu.memory_space<vmem>>) target(%dma_start3A_91 : memref<10240x128xf32, #tpu.memory_space<vmem_shared>>) offsets(%dma_start3A_88 : memref<128xi32, #tpu.memory_space<vmem>>) semaphore(%run_scoped3A : memref<!tpu.dma_semaphore, #tpu.memory_space<semaphore_mem>>) {add = true}
          %dma_wait3A_92 = arith.constant 0 : i32
          %dma_wait3A_93 = tpu.memref_slice %arg9[%mul3A_60, %dma_wait3A_92] : memref<40x128xi32, #tpu.memory_space<vmem>> -> memref<1x128xi32, #tpu.memory_space<vmem>>
          %dma_wait3A_94 = tpu.memref_squeeze %dma_wait3A_93 : memref<1x128xi32, #tpu.memory_space<vmem>> -> memref<128xi32, #tpu.memory_space<vmem>>
          %dma_wait3A_95 = arith.constant 0 : i32
          %dma_wait3A_96 = arith.constant 0 : i32
          %dma_wait3A_97 = tpu.memref_slice %arg7[%dma_wait3A_95, %dma_wait3A_96] : memref<10240x128xf32, #tpu.memory_space<vmem_shared>> -> memref<10240x128xf32, #tpu.memory_space<vmem_shared>>
          tpu.wait_indirect_dma semaphore(%run_scoped3A : memref<!tpu.dma_semaphore, #tpu.memory_space<semaphore_mem>>) src(%arg10 : memref<128x128xf32, #tpu.memory_space<vmem>>) dst(%dma_wait3A_97 : memref<10240x128xf32, #tpu.memory_space<vmem_shared>>)
          tpu.yield
        }) : () -> ()
        %add3A_74 = arith.constant 2 : i32
        %add3A_75 = arith.addi %mul3A_60, %add3A_74 : i32
        %lt3A = arith.constant 40 : i32
        %lt3A_76 = arith.cmpi slt, %add3A_75, %lt3A : i32
        %convert_element_type3A_77 = arith.extui %lt3A_76 : i1 to i32
        %cond3A_78 = arith.constant 0 : i32
        %cond3A_79 = arith.cmpi ne, %convert_element_type3A_77, %cond3A_78 : i32
        scf.if %cond3A_79 {
          %add3A_86 = arith.constant 2 : i32
          %add3A_87 = arith.addi %mul3A_60, %add3A_86 : i32
          %dma_start3A_88 = arith.constant 0 : i32
          %dma_start3A_89 = tpu.memref_slice %arg8[%add3A_87, %dma_start3A_88] : memref<40x128xi32, #tpu.memory_space<vmem>> -> memref<1x128xi32, #tpu.memory_space<vmem>>
          %dma_start3A_90 = tpu.memref_squeeze %dma_start3A_89 : memref<1x128xi32, #tpu.memory_space<vmem>> -> memref<128xi32, #tpu.memory_space<vmem>>
          %dma_start3A_91 = arith.constant 0 : i32
          %dma_start3A_92 = arith.constant 0 : i32
          %dma_start3A_93 = tpu.memref_slice %arg2[%dma_start3A_91, %dma_start3A_92] : memref<10240x128xf32, #tpu.memory_space<hbm>> -> memref<10240x128xf32, #tpu.memory_space<hbm>>
          tpu.enqueue_indirect_dma source(%dma_start3A_93 : memref<10240x128xf32, #tpu.memory_space<hbm>>) target(%arg10 : memref<128x128xf32, #tpu.memory_space<vmem>>) offsets(%dma_start3A_90 : memref<128xi32, #tpu.memory_space<vmem>>) semaphore(%arg12 : memref<!tpu.dma_semaphore, #tpu.memory_space<semaphore_mem>>)
        } else {
        }
        %dma_wait3A_80 = arith.constant 0 : i32
        %dma_wait3A_81 = tpu.memref_slice %arg8[%add3A_62, %dma_wait3A_80] : memref<40x128xi32, #tpu.memory_space<vmem>> -> memref<1x128xi32, #tpu.memory_space<vmem>>
        %dma_wait3A_82 = tpu.memref_squeeze %dma_wait3A_81 : memref<1x128xi32, #tpu.memory_space<vmem>> -> memref<128xi32, #tpu.memory_space<vmem>>
        %dma_wait3A_83 = arith.constant 0 : i32
        %dma_wait3A_84 = arith.constant 0 : i32
        %dma_wait3A_85 = tpu.memref_slice %arg2[%dma_wait3A_83, %dma_wait3A_84] : memref<10240x128xf32, #tpu.memory_space<hbm>> -> memref<10240x128xf32, #tpu.memory_space<hbm>>
        tpu.wait_indirect_dma semaphore(%arg13 : memref<!tpu.dma_semaphore, #tpu.memory_space<semaphore_mem>>) src(%dma_wait3A_85 : memref<10240x128xf32, #tpu.memory_space<hbm>>) dst(%arg11 : memref<128x128xf32, #tpu.memory_space<vmem>>)
        "tpu.region"() ({
          %run_scoped3A = tpu.sem_alloc : memref<!tpu.dma_semaphore, #tpu.memory_space<semaphore_mem>>
          %dma_start3A_86 = arith.constant 0 : i32
          %dma_start3A_87 = tpu.memref_slice %arg9[%add3A_62, %dma_start3A_86] : memref<40x128xi32, #tpu.memory_space<vmem>> -> memref<1x128xi32, #tpu.memory_space<vmem>>
          %dma_start3A_88 = tpu.memref_squeeze %dma_start3A_87 : memref<1x128xi32, #tpu.memory_space<vmem>> -> memref<128xi32, #tpu.memory_space<vmem>>
          %dma_start3A_89 = arith.constant 0 : i32
          %dma_start3A_90 = arith.constant 0 : i32
          %dma_start3A_91 = tpu.memref_slice %arg7[%dma_start3A_89, %dma_start3A_90] : memref<10240x128xf32, #tpu.memory_space<vmem_shared>> -> memref<10240x128xf32, #tpu.memory_space<vmem_shared>>
          tpu.enqueue_indirect_dma source(%arg11 : memref<128x128xf32, #tpu.memory_space<vmem>>) target(%dma_start3A_91 : memref<10240x128xf32, #tpu.memory_space<vmem_shared>>) offsets(%dma_start3A_88 : memref<128xi32, #tpu.memory_space<vmem>>) semaphore(%run_scoped3A : memref<!tpu.dma_semaphore, #tpu.memory_space<semaphore_mem>>) {add = true}
          %dma_wait3A_92 = arith.constant 0 : i32
          %dma_wait3A_93 = tpu.memref_slice %arg9[%add3A_62, %dma_wait3A_92] : memref<40x128xi32, #tpu.memory_space<vmem>> -> memref<1x128xi32, #tpu.memory_space<vmem>>
          %dma_wait3A_94 = tpu.memref_squeeze %dma_wait3A_93 : memref<1x128xi32, #tpu.memory_space<vmem>> -> memref<128xi32, #tpu.memory_space<vmem>>
          %dma_wait3A_95 = arith.constant 0 : i32
          %dma_wait3A_96 = arith.constant 0 : i32
          %dma_wait3A_97 = tpu.memref_slice %arg7[%dma_wait3A_95, %dma_wait3A_96] : memref<10240x128xf32, #tpu.memory_space<vmem_shared>> -> memref<10240x128xf32, #tpu.memory_space<vmem_shared>>
          tpu.wait_indirect_dma semaphore(%run_scoped3A : memref<!tpu.dma_semaphore, #tpu.memory_space<semaphore_mem>>) src(%arg11 : memref<128x128xf32, #tpu.memory_space<vmem>>) dst(%dma_wait3A_97 : memref<10240x128xf32, #tpu.memory_space<vmem_shared>>)
          tpu.yield
        }) : () -> ()
      }
      %scan3A_57 = arith.constant 20 : i32
    }
    %scan3A_31 = arith.constant 2 : i32
    %barrier3A_32 = arith.constant 0 : index
    tpu.barrier barrier_id(%barrier3A_32)
    %eq3A = arith.constant 0 : i32
    %eq3A_33 = arith.cmpi eq, %arg0, %eq3A : i32
    %convert_element_type3A = arith.extui %eq3A_33 : i1 to i32
    %cond3A = arith.constant 0 : i32
    %cond3A_34 = arith.cmpi ne, %convert_element_type3A, %cond3A : i32
    scf.if %cond3A_34 {
      %mul3A_40 = arith.constant 640 : i32
      %mul3A_41 = arith.muli %arg1, %mul3A_40 : i32
      %mul3A_42 = arith.constant 640 : i32
      %mul3A_43 = arith.muli %arg1, %mul3A_42 : i32
      "tpu.region"() ({
        %run_scoped3A = tpu.sem_alloc : memref<!tpu.dma_semaphore, #tpu.memory_space<semaphore_mem>>
        %dma_start3A = arith.constant 0 : i32
        %dma_start3A_44 = tpu.memref_slice %arg5[%mul3A_43, %dma_start3A] : memref<10240x128xf32, #tpu.memory_space<hbm>> -> memref<640x128xf32, #tpu.memory_space<hbm>>
        %dma_start3A_45 = arith.constant 0 : i32
        %dma_start3A_46 = tpu.memref_slice %arg7[%mul3A_41, %dma_start3A_45] : memref<10240x128xf32, #tpu.memory_space<vmem_shared>> -> memref<640x128xf32, #tpu.memory_space<vmem_shared>>
        tpu.enqueue_dma source(%dma_start3A_46 : memref<640x128xf32, #tpu.memory_space<vmem_shared>>) target(%dma_start3A_44 : memref<640x128xf32, #tpu.memory_space<hbm>>) target_semaphore(%run_scoped3A : memref<!tpu.dma_semaphore, #tpu.memory_space<semaphore_mem>>)
        %dma_wait3A = arith.constant 0 : i32
        %dma_wait3A_47 = tpu.memref_slice %arg5[%mul3A_43, %dma_wait3A] : memref<10240x128xf32, #tpu.memory_space<hbm>> -> memref<640x128xf32, #tpu.memory_space<hbm>>
        %dma_wait3A_48 = arith.constant 0 : i32
        %dma_wait3A_49 = tpu.memref_slice %arg7[%mul3A_41, %dma_wait3A_48] : memref<10240x128xf32, #tpu.memory_space<vmem_shared>> -> memref<640x128xf32, #tpu.memory_space<vmem_shared>>
        tpu.wait_dma2 semaphore(%run_scoped3A : memref<!tpu.dma_semaphore, #tpu.memory_space<semaphore_mem>>) src(%dma_wait3A_49 : memref<640x128xf32, #tpu.memory_space<vmem_shared>>) dst(%dma_wait3A_47 : memref<640x128xf32, #tpu.memory_space<hbm>>)
        tpu.yield
      }) : () -> ()
    } else {
    }
    %eq3A_35 = arith.constant 1 : i32
    %eq3A_36 = arith.cmpi eq, %arg0, %eq3A_35 : i32
    %convert_element_type3A_37 = arith.extui %eq3A_36 : i1 to i32
    %cond3A_38 = arith.constant 0 : i32
    %cond3A_39 = arith.cmpi ne, %convert_element_type3A_37, %cond3A_38 : i32
    scf.if %cond3A_39 {
      %mul3A_40 = arith.constant 640 : i32
      %mul3A_41 = arith.muli %arg1, %mul3A_40 : i32
      %mul3A_42 = arith.constant 640 : i32
      %mul3A_43 = arith.muli %arg1, %mul3A_42 : i32
      "tpu.region"() ({
        %run_scoped3A = tpu.sem_alloc : memref<!tpu.dma_semaphore, #tpu.memory_space<semaphore_mem>>
        %dma_start3A = arith.constant 0 : i32
        %dma_start3A_44 = tpu.memref_slice %arg6[%mul3A_43, %dma_start3A] : memref<10240x128xf32, #tpu.memory_space<hbm>> -> memref<640x128xf32, #tpu.memory_space<hbm>>
        %dma_start3A_45 = arith.constant 0 : i32
        %dma_start3A_46 = tpu.memref_slice %arg7[%mul3A_41, %dma_start3A_45] : memref<10240x128xf32, #tpu.memory_space<vmem_shared>> -> memref<640x128xf32, #tpu.memory_space<vmem_shared>>
        tpu.enqueue_dma source(%dma_start3A_46 : memref<640x128xf32, #tpu.memory_space<vmem_shared>>) target(%dma_start3A_44 : memref<640x128xf32, #tpu.memory_space<hbm>>) target_semaphore(%run_scoped3A : memref<!tpu.dma_semaphore, #tpu.memory_space<semaphore_mem>>)
        %dma_wait3A = arith.constant 0 : i32
        %dma_wait3A_47 = tpu.memref_slice %arg6[%mul3A_43, %dma_wait3A] : memref<10240x128xf32, #tpu.memory_space<hbm>> -> memref<640x128xf32, #tpu.memory_space<hbm>>
        %dma_wait3A_48 = arith.constant 0 : i32
        %dma_wait3A_49 = tpu.memref_slice %arg7[%mul3A_41, %dma_wait3A_48] : memref<10240x128xf32, #tpu.memory_space<vmem_shared>> -> memref<640x128xf32, #tpu.memory_space<vmem_shared>>
        tpu.wait_dma2 semaphore(%run_scoped3A : memref<!tpu.dma_semaphore, #tpu.memory_space<semaphore_mem>>) src(%dma_wait3A_49 : memref<640x128xf32, #tpu.memory_space<vmem_shared>>) dst(%dma_wait3A_47 : memref<640x128xf32, #tpu.memory_space<hbm>>)
        tpu.yield
      }) : () -> ()
    } else {
    }
    return
  }
}

module attributes {stable_mosaic.version = 14 : i64} {
  func.func @body(%arg0: i32, %arg1: memref<1024x128xf32, #tpu.memory_space<vmem>>, %arg2: memref<128x128xf32, #tpu.memory_space<vmem>>, %arg3: memref<1024x128xf32, #tpu.memory_space<vmem>>) attributes {dimension_semantics = [#tpu.dimension_semantics<arbitrary>], iteration_bounds = array<i64: 10>, scalar_prefetch = 0 : i64, scratch_operands = 0 : i64, tpu.core_type = #tpu.core_type<tc>, window_params = [{transform_indices = @transform_0, window_bounds = array<i64: 1024, 128>}, {pipeline_mode = #tpu.pipeline_mode<synchronous>, transform_indices = @transform_1, window_bounds = array<i64: 128, 128>}, {transform_indices = @transform_2, window_bounds = array<i64: 1024, 128>}]} {
    %get3A = arith.constant 0 : index
    %get3A_0 = arith.constant 0 : index
    %get3A_1 = vector.load %arg1[%get3A, %get3A_0] : memref<1024x128xf32, #tpu.memory_space<vmem>>, vector<1024x128xf32>
    %get3A_2 = arith.constant 0 : index
    %get3A_3 = arith.constant 0 : index
    %get3A_4 = vector.load %arg2[%get3A_2, %get3A_3] : memref<128x128xf32, #tpu.memory_space<vmem>>, vector<128x128xf32>
    %dot_general3A = arith.constant dense<0.000000e+00> : vector<1024x128xf32>
    %dot_general3A_5 = tpu.matmul %get3A_1, %get3A_4, %dot_general3A {dimension_numbers = #tpu.dot_dimension_numbers<[1], [0], [0], [1], [0, 0, 1, 1], [], []>, precision = #tpu.contract_precision<fp32>, transpose_lhs_hint = false} : vector<1024x128xf32>, vector<128x128xf32>, vector<1024x128xf32> -> vector<1024x128xf32>
    %swap3A = arith.constant 0 : index
    %swap3A_6 = arith.constant 0 : index
    %swap3A_7 = vector.load %arg3[%swap3A, %swap3A_6] : memref<1024x128xf32, #tpu.memory_space<vmem>>, vector<1024x128xf32>
    tpu.vector_store %arg3[%swap3A, %swap3A_6], %dot_general3A_5 {strides = array<i32>} : memref<1024x128xf32, #tpu.memory_space<vmem>>, vector<1024x128xf32>,
    return
  }
  func.func @transform_0(%arg0: i32) -> (i32, i32) {
    %c0_i32 = arith.constant 0 : i32
    %c0_i32_0 = arith.constant 0 : i32
    return %arg0, %c0_i32 : i32, i32
  }
  func.func @transform_1(%arg0: i32) -> (i32, i32) {
    %c0_i32 = arith.constant 0 : i32
    %c0_i32_0 = arith.constant 0 : i32
    %c0_i32_1 = arith.constant 0 : i32
    return %c0_i32, %c0_i32_0 : i32, i32
  }
  func.func @transform_2(%arg0: i32) -> (i32, i32) {
    %c0_i32 = arith.constant 0 : i32
    %c0_i32_0 = arith.constant 0 : i32
    return %arg0, %c0_i32 : i32, i32
  }
}

module attributes {stable_mosaic.version = 14 : i64} {
  func.func @body(%arg0: i32, %arg1: memref<1024x128xf32, #tpu.memory_space<vmem>>, %arg2: memref<1024x8xf32, #tpu.memory_space<vmem>>, %arg3: memref<1024x8xf32, #tpu.memory_space<vmem>>, %arg4: memref<1024x128xf32, #tpu.memory_space<vmem>>) attributes {dimension_semantics = [#tpu.dimension_semantics<arbitrary>], iteration_bounds = array<i64: 10>, scalar_prefetch = 0 : i64, scratch_operands = 0 : i64, tpu.core_type = #tpu.core_type<tc>, window_params = [{transform_indices = @transform_0, window_bounds = array<i64: 1024, 128>}, {transform_indices = @transform_1, window_bounds = array<i64: 1024, 8>}, {transform_indices = @transform_2, window_bounds = array<i64: 1024, 8>}, {transform_indices = @transform_3, window_bounds = array<i64: 1024, 128>}]} {
    %get3A = arith.constant 0 : index
    %get3A_0 = arith.constant 0 : index
    %get3A_1 = vector.load %arg2[%get3A, %get3A_0] : memref<1024x8xf32, #tpu.memory_space<vmem>>, vector<1024x1xf32>
    %get3A_2 = arith.constant 0 : index
    %get3A_3 = arith.constant 0 : index
    %get3A_4 = vector.load %arg3[%get3A_2, %get3A_3] : memref<1024x8xf32, #tpu.memory_space<vmem>>, vector<1024x1xf32>
    %add3A = arith.addf %get3A_1, %get3A_4 : vector<1024x1xf32>
    %add3A_5 = arith.constant 1.000000e+00 : f32
    %add3A_6 = vector.broadcast %add3A_5 : f32 to vector<1024x1xf32>
    %add3A_7 = arith.addf %add3A, %add3A_6 : vector<1024x1xf32>
    %rsqrt3A = math.rsqrt %add3A_7 : vector<1024x1xf32>
    %get3A_8 = arith.constant 0 : index
    %get3A_9 = arith.constant 0 : index
    %get3A_10 = vector.load %arg1[%get3A_8, %get3A_9] : memref<1024x128xf32, #tpu.memory_space<vmem>>, vector<1024x128xf32>
    %mul3A = vector.broadcast %rsqrt3A : vector<1024x1xf32> to vector<1024x128xf32>
    %mul3A_11 = arith.mulf %mul3A, %get3A_10 : vector<1024x128xf32>
    %swap3A = arith.constant 0 : index
    %swap3A_12 = arith.constant 0 : index
    %swap3A_13 = vector.load %arg4[%swap3A, %swap3A_12] : memref<1024x128xf32, #tpu.memory_space<vmem>>, vector<1024x128xf32>
    tpu.vector_store %arg4[%swap3A, %swap3A_12], %mul3A_11 {strides = array<i32>} : memref<1024x128xf32, #tpu.memory_space<vmem>>, vector<1024x128xf32>,
    return
  }
  func.func @transform_0(%arg0: i32) -> (i32, i32) {
    %c0_i32 = arith.constant 0 : i32
    %c0_i32_0 = arith.constant 0 : i32
    return %arg0, %c0_i32 : i32, i32
  }
  func.func @transform_1(%arg0: i32) -> (i32, i32) {
    %c0_i32 = arith.constant 0 : i32
    %c0_i32_0 = arith.constant 0 : i32
    return %arg0, %c0_i32 : i32, i32
  }
  func.func @transform_2(%arg0: i32) -> (i32, i32) {
    %c0_i32 = arith.constant 0 : i32
    %c0_i32_0 = arith.constant 0 : i32
    return %arg0, %c0_i32 : i32, i32
  }
  func.func @transform_3(%arg0: i32) -> (i32, i32) {
    %c0_i32 = arith.constant 0 : i32
    %c0_i32_0 = arith.constant 0 : i32
    return %arg0, %c0_i32 : i32, i32
  }
}

module attributes {stable_mosaic.version = 14 : i64} {
  func.func @body(%arg0: i32, %arg1: memref<1024x128xf32, #tpu.memory_space<vmem>>, %arg2: memref<1024x128xf32, #tpu.memory_space<vmem>>, %arg3: memref<1024x128xf32, #tpu.memory_space<vmem>>, %arg4: memref<1024x8xf32, #tpu.memory_space<vmem>>, %arg5: memref<1024x8xf32, #tpu.memory_space<vmem>>, %arg6: memref<1x128xf32, #tpu.memory_space<vmem>>, %arg7: memref<128x128xf32, #tpu.memory_space<vmem>>, %arg8: memref<1024x128xf32, #tpu.memory_space<vmem>>) attributes {dimension_semantics = [#tpu.dimension_semantics<arbitrary>], iteration_bounds = array<i64: 10>, scalar_prefetch = 0 : i64, scratch_operands = 0 : i64, tpu.core_type = #tpu.core_type<tc>, window_params = [{transform_indices = @transform_0, window_bounds = array<i64: 1024, 128>}, {transform_indices = @transform_1, window_bounds = array<i64: 1024, 128>}, {transform_indices = @transform_2, window_bounds = array<i64: 1024, 128>}, {transform_indices = @transform_3, window_bounds = array<i64: 1024, 8>}, {transform_indices = @transform_4, window_bounds = array<i64: 1024, 8>}, {pipeline_mode = #tpu.pipeline_mode<synchronous>, transform_indices = @transform_5, window_bounds = array<i64: 1, 128>}, {pipeline_mode = #tpu.pipeline_mode<synchronous>, transform_indices = @transform_6, window_bounds = array<i64: 128, 128>}, {transform_indices = @transform_7, window_bounds = array<i64: 1024, 128>}]} {
    %get3A = arith.constant 0 : index
    %get3A_0 = arith.constant 0 : index
    %get3A_1 = vector.load %arg4[%get3A, %get3A_0] : memref<1024x8xf32, #tpu.memory_space<vmem>>, vector<1024x1xf32>
    %get3A_2 = arith.constant 0 : index
    %get3A_3 = arith.constant 0 : index
    %get3A_4 = vector.load %arg5[%get3A_2, %get3A_3] : memref<1024x8xf32, #tpu.memory_space<vmem>>, vector<1024x1xf32>
    %add3A = arith.addf %get3A_1, %get3A_4 : vector<1024x1xf32>
    %add3A_5 = arith.constant 1.000000e+00 : f32
    %add3A_6 = vector.broadcast %add3A_5 : f32 to vector<1024x1xf32>
    %add3A_7 = arith.addf %add3A, %add3A_6 : vector<1024x1xf32>
    %rsqrt3A = math.rsqrt %add3A_7 : vector<1024x1xf32>
    %get3A_8 = arith.constant 0 : index
    %get3A_9 = arith.constant 0 : index
    %get3A_10 = vector.load %arg1[%get3A_8, %get3A_9] : memref<1024x128xf32, #tpu.memory_space<vmem>>, vector<1024x128xf32>
    %get3A_11 = arith.constant 0 : index
    %get3A_12 = arith.constant 0 : index
    %get3A_13 = vector.load %arg2[%get3A_11, %get3A_12] : memref<1024x128xf32, #tpu.memory_space<vmem>>, vector<1024x128xf32>
    %add3A_14 = arith.addf %get3A_10, %get3A_13 : vector<1024x128xf32>
    %get3A_15 = arith.constant 0 : index
    %get3A_16 = arith.constant 0 : index
    %get3A_17 = vector.load %arg3[%get3A_15, %get3A_16] : memref<1024x128xf32, #tpu.memory_space<vmem>>, vector<1024x128xf32>
    %add3A_18 = arith.addf %add3A_14, %get3A_17 : vector<1024x128xf32>
    %mul3A = vector.broadcast %rsqrt3A : vector<1024x1xf32> to vector<1024x128xf32>
    %mul3A_19 = arith.mulf %mul3A, %add3A_18 : vector<1024x128xf32>
    %get3A_20 = arith.constant 0 : index
    %get3A_21 = arith.constant 0 : index
    %get3A_22 = vector.load %arg6[%get3A_20, %get3A_21] : memref<1x128xf32, #tpu.memory_space<vmem>>, vector<1x128xf32>
    %add3A_23 = vector.broadcast %get3A_22 : vector<1x128xf32> to vector<1024x128xf32>
    %add3A_24 = arith.addf %mul3A_19, %add3A_23 : vector<1024x128xf32>
    %max3A = arith.constant 0.000000e+00 : f32
    %max3A_25 = vector.broadcast %max3A : f32 to vector<1024x128xf32>
    %max3A_26 = arith.maximumf %add3A_24, %max3A_25 : vector<1024x128xf32>
    %get3A_27 = arith.constant 0 : index
    %get3A_28 = arith.constant 0 : index
    %get3A_29 = vector.load %arg7[%get3A_27, %get3A_28] : memref<128x128xf32, #tpu.memory_space<vmem>>, vector<128x128xf32>
    %dot_general3A = arith.constant dense<0.000000e+00> : vector<1024x128xf32>
    %dot_general3A_30 = tpu.matmul %max3A_26, %get3A_29, %dot_general3A {dimension_numbers = #tpu.dot_dimension_numbers<[1], [0], [0], [1], [0, 0, 1, 1], [], []>, precision = #tpu.contract_precision<fp32>, transpose_lhs_hint = false} : vector<1024x128xf32>, vector<128x128xf32>, vector<1024x128xf32> -> vector<1024x128xf32>
    %mul3A_31 = vector.broadcast %rsqrt3A : vector<1024x1xf32> to vector<1024x128xf32>
    %mul3A_32 = arith.mulf %mul3A_31, %dot_general3A_30 : vector<1024x128xf32>
    %swap3A = arith.constant 0 : index
    %swap3A_33 = arith.constant 0 : index
    %swap3A_34 = vector.load %arg8[%swap3A, %swap3A_33] : memref<1024x128xf32, #tpu.memory_space<vmem>>, vector<1024x128xf32>
    tpu.vector_store %arg8[%swap3A, %swap3A_33], %mul3A_32 {strides = array<i32>} : memref<1024x128xf32, #tpu.memory_space<vmem>>, vector<1024x128xf32>,
    return
  }
  func.func @transform_0(%arg0: i32) -> (i32, i32) {
    %c0_i32 = arith.constant 0 : i32
    %c0_i32_0 = arith.constant 0 : i32
    return %arg0, %c0_i32 : i32, i32
  }
  func.func @transform_1(%arg0: i32) -> (i32, i32) {
    %c0_i32 = arith.constant 0 : i32
    %c0_i32_0 = arith.constant 0 : i32
    return %arg0, %c0_i32 : i32, i32
  }
  func.func @transform_2(%arg0: i32) -> (i32, i32) {
    %c0_i32 = arith.constant 0 : i32
    %c0_i32_0 = arith.constant 0 : i32
    return %arg0, %c0_i32 : i32, i32
  }
  func.func @transform_3(%arg0: i32) -> (i32, i32) {
    %c0_i32 = arith.constant 0 : i32
    %c0_i32_0 = arith.constant 0 : i32
    return %arg0, %c0_i32 : i32, i32
  }
  func.func @transform_4(%arg0: i32) -> (i32, i32) {
    %c0_i32 = arith.constant 0 : i32
    %c0_i32_0 = arith.constant 0 : i32
    return %arg0, %c0_i32 : i32, i32
  }
  func.func @transform_5(%arg0: i32) -> (i32, i32) {
    %c0_i32 = arith.constant 0 : i32
    %c0_i32_0 = arith.constant 0 : i32
    %c0_i32_1 = arith.constant 0 : i32
    return %c0_i32, %c0_i32_0 : i32, i32
  }
  func.func @transform_6(%arg0: i32) -> (i32, i32) {
    %c0_i32 = arith.constant 0 : i32
    %c0_i32_0 = arith.constant 0 : i32
    %c0_i32_1 = arith.constant 0 : i32
    return %c0_i32, %c0_i32_0 : i32, i32
  }
  func.func @transform_7(%arg0: i32) -> (i32, i32) {
    %c0_i32 = arith.constant 0 : i32
    %c0_i32_0 = arith.constant 0 : i32
    return %arg0, %c0_i32 : i32, i32
  }
}

module attributes {stable_mosaic.version = 14 : i64} {
  func.func @body(%arg0: i32, %arg1: memref<1024x128xf32, #tpu.memory_space<vmem>>, %arg2: memref<1024x128xf32, #tpu.memory_space<vmem>>, %arg3: memref<1024x128xf32, #tpu.memory_space<vmem>>, %arg4: memref<1024x8xf32, #tpu.memory_space<vmem>>, %arg5: memref<1024x8xf32, #tpu.memory_space<vmem>>, %arg6: memref<1x128xf32, #tpu.memory_space<vmem>>, %arg7: memref<128x8xf32, #tpu.memory_space<vmem>>, %arg8: memref<1024x8xf32, #tpu.memory_space<vmem>>) attributes {dimension_semantics = [#tpu.dimension_semantics<arbitrary>], iteration_bounds = array<i64: 10>, scalar_prefetch = 0 : i64, scratch_operands = 0 : i64, tpu.core_type = #tpu.core_type<tc>, window_params = [{transform_indices = @transform_0, window_bounds = array<i64: 1024, 128>}, {transform_indices = @transform_1, window_bounds = array<i64: 1024, 128>}, {transform_indices = @transform_2, window_bounds = array<i64: 1024, 128>}, {transform_indices = @transform_3, window_bounds = array<i64: 1024, 8>}, {transform_indices = @transform_4, window_bounds = array<i64: 1024, 8>}, {pipeline_mode = #tpu.pipeline_mode<synchronous>, transform_indices = @transform_5, window_bounds = array<i64: 1, 128>}, {pipeline_mode = #tpu.pipeline_mode<synchronous>, transform_indices = @transform_6, window_bounds = array<i64: 128, 8>}, {transform_indices = @transform_7, window_bounds = array<i64: 1024, 8>}]} {
    %get3A = arith.constant 0 : index
    %get3A_0 = arith.constant 0 : index
    %get3A_1 = vector.load %arg4[%get3A, %get3A_0] : memref<1024x8xf32, #tpu.memory_space<vmem>>, vector<1024x1xf32>
    %get3A_2 = arith.constant 0 : index
    %get3A_3 = arith.constant 0 : index
    %get3A_4 = vector.load %arg5[%get3A_2, %get3A_3] : memref<1024x8xf32, #tpu.memory_space<vmem>>, vector<1024x1xf32>
    %add3A = arith.addf %get3A_1, %get3A_4 : vector<1024x1xf32>
    %add3A_5 = arith.constant 1.000000e+00 : f32
    %add3A_6 = vector.broadcast %add3A_5 : f32 to vector<1024x1xf32>
    %add3A_7 = arith.addf %add3A, %add3A_6 : vector<1024x1xf32>
    %rsqrt3A = math.rsqrt %add3A_7 : vector<1024x1xf32>
    %get3A_8 = arith.constant 0 : index
    %get3A_9 = arith.constant 0 : index
    %get3A_10 = vector.load %arg1[%get3A_8, %get3A_9] : memref<1024x128xf32, #tpu.memory_space<vmem>>, vector<1024x128xf32>
    %get3A_11 = arith.constant 0 : index
    %get3A_12 = arith.constant 0 : index
    %get3A_13 = vector.load %arg2[%get3A_11, %get3A_12] : memref<1024x128xf32, #tpu.memory_space<vmem>>, vector<1024x128xf32>
    %add3A_14 = arith.addf %get3A_10, %get3A_13 : vector<1024x128xf32>
    %get3A_15 = arith.constant 0 : index
    %get3A_16 = arith.constant 0 : index
    %get3A_17 = vector.load %arg3[%get3A_15, %get3A_16] : memref<1024x128xf32, #tpu.memory_space<vmem>>, vector<1024x128xf32>
    %add3A_18 = arith.addf %add3A_14, %get3A_17 : vector<1024x128xf32>
    %mul3A = vector.broadcast %rsqrt3A : vector<1024x1xf32> to vector<1024x128xf32>
    %mul3A_19 = arith.mulf %mul3A, %add3A_18 : vector<1024x128xf32>
    %get3A_20 = arith.constant 0 : index
    %get3A_21 = arith.constant 0 : index
    %get3A_22 = vector.load %arg6[%get3A_20, %get3A_21] : memref<1x128xf32, #tpu.memory_space<vmem>>, vector<1x128xf32>
    %add3A_23 = vector.broadcast %get3A_22 : vector<1x128xf32> to vector<1024x128xf32>
    %add3A_24 = arith.addf %mul3A_19, %add3A_23 : vector<1024x128xf32>
    %get3A_25 = arith.constant 0 : index
    %get3A_26 = arith.constant 0 : index
    %get3A_27 = vector.load %arg7[%get3A_25, %get3A_26] : memref<128x8xf32, #tpu.memory_space<vmem>>, vector<128x8xf32>
    %dot_general3A = arith.constant dense<0.000000e+00> : vector<1024x8xf32>
    %dot_general3A_28 = tpu.matmul %add3A_24, %get3A_27, %dot_general3A {dimension_numbers = #tpu.dot_dimension_numbers<[1], [0], [0], [1], [0, 0, 1, 1], [], []>, precision = #tpu.contract_precision<fp32>, transpose_lhs_hint = false} : vector<1024x128xf32>, vector<128x8xf32>, vector<1024x8xf32> -> vector<1024x8xf32>
    %iota3A = tpu.iota {dimensions = array<i32: 1>} : vector<1024x8xi32>
    %eq3A = arith.constant 1 : i32
    %eq3A_29 = vector.broadcast %eq3A : i32 to vector<1024x8xi32>
    %eq3A_30 = arith.cmpi eq, %iota3A, %eq3A_29 : vector<1024x8xi32>
    %convert_element_type3A = arith.extui %eq3A_30 : vector<1024x8xi1> to vector<1024x8xi32>
    %convert_element_type3A_31 = arith.sitofp %convert_element_type3A : vector<1024x8xi32> to vector<1024x8xf32>
    %add3A_32 = arith.addf %dot_general3A_28, %convert_element_type3A_31 : vector<1024x8xf32>
    %swap3A = arith.constant 0 : index
    %swap3A_33 = arith.constant 0 : index
    %swap3A_34 = vector.load %arg8[%swap3A, %swap3A_33] : memref<1024x8xf32, #tpu.memory_space<vmem>>, vector<1024x8xf32>
    tpu.vector_store %arg8[%swap3A, %swap3A_33], %add3A_32 {strides = array<i32>} : memref<1024x8xf32, #tpu.memory_space<vmem>>, vector<1024x8xf32>,
    return
  }
  func.func @transform_0(%arg0: i32) -> (i32, i32) {
    %c0_i32 = arith.constant 0 : i32
    %c0_i32_0 = arith.constant 0 : i32
    return %arg0, %c0_i32 : i32, i32
  }
  func.func @transform_1(%arg0: i32) -> (i32, i32) {
    %c0_i32 = arith.constant 0 : i32
    %c0_i32_0 = arith.constant 0 : i32
    return %arg0, %c0_i32 : i32, i32
  }
  func.func @transform_2(%arg0: i32) -> (i32, i32) {
    %c0_i32 = arith.constant 0 : i32
    %c0_i32_0 = arith.constant 0 : i32
    return %arg0, %c0_i32 : i32, i32
  }
  func.func @transform_3(%arg0: i32) -> (i32, i32) {
    %c0_i32 = arith.constant 0 : i32
    %c0_i32_0 = arith.constant 0 : i32
    return %arg0, %c0_i32 : i32, i32
  }
  func.func @transform_4(%arg0: i32) -> (i32, i32) {
    %c0_i32 = arith.constant 0 : i32
    %c0_i32_0 = arith.constant 0 : i32
    return %arg0, %c0_i32 : i32, i32
  }
  func.func @transform_5(%arg0: i32) -> (i32, i32) {
    %c0_i32 = arith.constant 0 : i32
    %c0_i32_0 = arith.constant 0 : i32
    %c0_i32_1 = arith.constant 0 : i32
    return %c0_i32, %c0_i32_0 : i32, i32
  }
  func.func @transform_6(%arg0: i32) -> (i32, i32) {
    %c0_i32 = arith.constant 0 : i32
    %c0_i32_0 = arith.constant 0 : i32
    %c0_i32_1 = arith.constant 0 : i32
    return %c0_i32, %c0_i32_0 : i32, i32
  }
  func.func @transform_7(%arg0: i32) -> (i32, i32) {
    %c0_i32 = arith.constant 0 : i32
    %c0_i32_0 = arith.constant 0 : i32
    return %arg0, %c0_i32 : i32, i32
  }
}

</mosaic_0001>

<sc_bundles>
// kernel: kernel.10.cloned.1.call-start
scs
__scs_entry_jumppad:
0x0: {  	(pc) =	sbr.rel $0x88, $3  }
0x1: {  	(tag) =	ssettag $0x0;
	lr =	simm.s32 $0x1  }
0x2: {  	[smem:$0x3F98] =	sst lr;
	_ =	strace $0xD0000000  }
0x3: {  	_ = 	snop  }
0x4: {  	_ = 	snop  }
0x5: {  	_ = 	snop  }
0x6: {  	_ = 	snop  }
0x7: {  	_ = 	snop  }
__scs_overlays_trampoline_lowered:
0x8: {  	[smem:$0x3FA7] =	sst s0  }
0x9: {  	[smem:$0x3FA8] =	sst s1  }
0xa: {  	[smem:$0x3FA9] =	sst s2  }
0xb: {  	[smem:$0x3FAA] =	sst s3  }
0xc: {  	[smem:$0x3FAB] =	sst s4  }
0xd: {  	[smem:$0x3FAC] =	sst s5  }
0xe: {  	[smem:$0x3FAD] =	sst s6  }
0xf: {  	[smem:$0x3FAE] =	sst s7  }
0x10: {  	[smem:$0x3FAF] =	sst s8  }
0x11: {  	[smem:$0x3FB0] =	sst s9;
	s0 =	simm.s32 @!p0 $0x0  }
0x12: {  	s1 =	sld [smem:$0x3F96];
	s0 =	simm.s32 @p0 $0x1  }
0x13: {  	[smem:$0x3FB1] =	sst s0;
	s0 =	simm.s32 @!p1 $0x0  }
0x14: {  	s2 =	sld [smem:$0x3F95];
	s0 =	simm.s32 @p1 $0x1  }
0x15: {  	[smem:$0x3FB2] =	sst s0;
	s0 =	simm.s32 @!p2 $0x0  }
0x16: {  	s3 =	sld [smem:$0x3FDB];
	s0 =	simm.s32 @p2 $0x1  }
0x17: {  	s4 =	simm.s32 $0x1BF5;
	[smem:$0x3FB4] =	sst s0  }
0x18: {  	s0 =	sld [smem:$0x3F97];
	_ =	swait.ge [sflag:s4], $0x0  }
0x19: {  	s7 =	sld [smem:$0x3F98]  }
0x1a: {  	s8 =	sadd.s32 $0xFFFFE003, lr  }
0x1b: {  	s9 =	sadd.s32 $0xFFFFFEF7, lr;
	s5 =	simm.s32 $0xFFFFFFFF;
	p2 =	slt.u32 s8, $0xFFFFF086  }
0x1c: {  	p1 =	slt.u32 s9, $0xF7A;
	s5 =	simm.s32 @!p2 $0x0  }
0x1d: {  	s5 =	simm.s32 @p1 $0x1;
	p0 =	seq.s32 s7, s2  }
0x1e: {  	s7 =	smul.u32 @!p0 $0xF7A, s2;
	p2 =	seq.s32 @!p0 s5, $0x0  }
0x1f: {  	s9 =	smul.u32 $0xF7A, s1;
	s8 =	simm.s32 @!p0 $0x1BF5;
	p2 =	por !p2, p0  }
0x20: {  	[sflag:s8] =	ssyncset.s32 @!p0 $0xFFFFF086;
	s6 =	sadd.s32 @!p0 s3, s7;
	s7 =	simm.s32 @!p0 $0x108  }
0x21: {  	s3 =	sadd.s32 s3, s9;
	s6 =	sadd.s32 @!p0 $0x88, s6;
	s7 =	simm.s32 @p2 $0x1082  }
0x22: {  	[simem:s7], [sflag:s8] =	dma.local @!p0 [hbm:s6], $0xF7A  }
0x23: {  	s9 =	sor.u32 $0xD0000000, s2;
	s6 =	simm.s32 $0x108;
	_ =	swait.ge @!p0 [sflag:s8], $0x0  }
0x24: {  	s3 =	sadd.s32 $0x88, s3;
	s6 =	simm.s32 @!p1 $0x1082;
	[sflag:s4] =	ssyncset.s32 $0xFFFFF086  }
0x25: {  	[simem:s6], [sflag:s4] =	dma.local [hbm:s3], $0xF7A  }
0x26: {  	[smem:$0x3F98] =	sst s1;
	(tag) =	ssettag s2;
	_ =	strace s9  }
0x27: {  	s1 =	sld [smem:$0x3FA8]  }
0x28: {  	s2 =	sld [smem:$0x3FA9]  }
0x29: {  	s4 =	sld [smem:$0x3FAB]  }
0x2a: {  	p0 =	seq.s32 s5, $0x0;
	s5 =	sld [smem:$0x3FAC]  }
0x2b: {  	s6 =	sld [smem:$0x3FAD]  }
0x2c: {  	s7 =	sld [smem:$0x3FAE]  }
0x2d: {  	s3 =	simm.s32 $0x108;
	s8 =	sld [smem:$0x3FAF]  }
0x2e: {  	s3 =	simm.s32 @!p0 $0x1082;
	s9 =	sld [smem:$0x3FB0]  }
0x2f: {  	lr =	sadd.s32 s0, s3;
	s0 =	sld [smem:$0x3FA7]  }
0x30: {  	s3 =	sld [smem:$0x3FAA]  }
0x31: {  	[smem:$0x3FB3] =	sst s10  }
0x32: {  	s10 =	sld [smem:$0x3FB1];
	_ =	sdelay $0x3  }
0x33: {  	p0 =	seq.s32 s10, $0x1;
	s10 =	sld [smem:$0x3FB3];
	_ =	sdelay $0x3  }
0x34: {  	[smem:$0x3FB3] =	sst s10  }
0x35: {  	s10 =	sld [smem:$0x3FB2];
	_ =	sdelay $0x3  }
0x36: {  	p1 =	seq.s32 s10, $0x1;
	s10 =	sld [smem:$0x3FB3];
	_ =	sdelay $0x3  }
0x37: {  	[smem:$0x3FB3] =	sst s10  }
0x38: {  	s10 =	sld [smem:$0x3FB4]  }
0x39: {  	_ = 	snop;
	(pc) =	sbr.ind lr, $3  }
0x3a: {  	_ = 	snop  }
0x3b: {  	_ = 	snop  }
0x3c: {  	p2 =	seq.s32 s10, $0x1;
	s10 =	sld [smem:$0x3FB3]  }
0x3d: {  	_ =	shalt  }
0x3e: {  	_ =	shalt  }
0x3f: {  	_ =	shalt  }
0x40: {  	_ =	shalt  }
0x41: {  	_ =	shalt  }
0x42: {  	_ =	shalt  }
0x43: {  	_ =	shalt  }
0x44: {  	_ =	shalt  }
0x45: {  	_ =	shalt  }
0x46: {  	_ =	shalt  }
0x47: {  	_ =	shalt  }
0x48: {  	_ =	shalt  }
0x49: {  	_ =	shalt  }
0x4a: {  	_ =	shalt  }
0x4b: {  	_ =	shalt  }
0x4c: {  	_ =	shalt  }
0x4d: {  	_ =	shalt  }
0x4e: {  	_ =	shalt  }
0x4f: {  	_ =	shalt  }
0x50: {  	_ =	shalt  }
0x51: {  	_ =	shalt  }
0x52: {  	_ =	shalt  }
0x53: {  	_ =	shalt  }
0x54: {  	_ =	shalt  }
0x55: {  	_ =	shalt  }
0x56: {  	_ =	shalt  }
0x57: {  	_ =	shalt  }
0x58: {  	_ =	shalt  }
0x59: {  	_ =	shalt  }
0x5a: {  	_ =	shalt  }
0x5b: {  	_ =	shalt  }
0x5c: {  	_ =	shalt  }
0x5d: {  	_ =	shalt  }
0x5e: {  	_ =	shalt  }
0x5f: {  	_ =	shalt  }
0x60: {  	_ =	shalt  }
0x61: {  	_ =	shalt  }
0x62: {  	_ =	shalt  }
0x63: {  	_ =	shalt  }
0x64: {  	_ =	shalt  }
0x65: {  	_ =	shalt  }
0x66: {  	_ =	shalt  }
0x67: {  	_ =	shalt  }
0x68: {  	_ =	shalt  }
0x69: {  	_ =	shalt  }
0x6a: {  	_ =	shalt  }
0x6b: {  	_ =	shalt  }
0x6c: {  	_ =	shalt  }
0x6d: {  	_ =	shalt  }
0x6e: {  	_ =	shalt  }
0x6f: {  	_ =	shalt  }
0x70: {  	_ =	shalt  }
0x71: {  	_ =	shalt  }
0x72: {  	_ =	shalt  }
0x73: {  	_ =	shalt  }
0x74: {  	_ =	shalt  }
0x75: {  	_ =	shalt  }
0x76: {  	_ =	shalt  }
0x77: {  	_ =	shalt  }
0x78: {  	_ =	shalt  }
0x79: {  	_ =	shalt  }
0x7a: {  	_ =	shalt  }
0x7b: {  	_ =	shalt  }
0x7c: {  	_ =	shalt  }
0x7d: {  	_ =	shalt  }
0x7e: {  	_ =	shalt  }
0x7f: {  	_ =	shalt  }
0x80: {  	_ =	shalt  }
0x81: {  	_ =	shalt  }
0x82: {  	_ =	shalt  }
0x83: {  	_ =	shalt  }
0x84: {  	_ =	shalt  }
0x85: {  	_ =	shalt  }
0x86: {  	_ =	shalt  }
0x87: {  	_ =	shalt  }
.Lfunc_end0:
.L_simem_size_0:
called_computation_lowered:
.L_overlay_start_0:
0x88: {  	s2 =	sld [smem:$0x3FD9]  }
0x89: {  	s3 =	sld [smem:$0x3FFE];
	_ =	sdelay $0x1  }
0x8a: {  	s1 =	srdreg.scid  }
0x8b: {  	s0 =	sand.u32 $0x1, s1  }
0x8c: {  	s16 =	sshll.u32 s0, $0xA;
	s2 =	sadd.s32 s3, s2  }
0x8d: {  	s2 =	sadd.s32 s2, s16  }
0x8e: {  	[smem:$0x3FBF] =	sst s2  }
0x8f: {  	_ = 	snop  }
0x90: {  	(tm) =	ssettm $0x1  }
0x91: {  	s17 =	sld [smem:$0x3FFB];
	_ =	sdelay $0x3  }
0x92: {  	_ =	strace s17  }
0x93: {  	s2 =	sld [smem:$0x3FFC];
	_ =	sdelay $0x3  }
0x94: {  	_ =	strace s2  }
0x95: {  	s2 =	sld [smem:$0x3FFD];
	_ =	sdelay $0x3  }
0x96: {  	_ =	strace s2  }
0x97: {  	_ =	strace $0x8FFFFFFF  }
0x98: {  	s18 =	sld [smem:$0x3FDB];
	_ =	sdelay $0x1  }
0x99: {  	s19 =	simm.s32 $_scs_section_size  }
0x9a: {  	s4 =	simm.s32 $_size__tile_overlayer_lowered;
	s5 =	simm.s32 $_tile_overlayer_lowered  }
0x9b: {  	s22 =	simm.s32 $0x1BFF;
	s21 =	sshll.u32 s5, $0x1;
	s2 =	sadd.s32 s19, s18  }
0x9c: {  	s6 =	simm.s32 $0x0;
	s20 =	sshll.u32 s4, $0x1;
	s4 =	sadd.s32 s21, s2  }
0x9d: {  	[timem:s6], [sflag:s22] =	dma.local [hbm:s4], s20  }
0x9e: {  	_ =	swait.ge [sflag:s22], s20  }
0x9f: {  	s3 =	ssub.s32 $0x0, s20;
	[sflag:s22] =	ssyncset.done $0x0  }
0xa0: {  	[sflag:s22] =	ssyncadd.s32 s3;
	_ =	sdelay $0x1  }
0xa1: {  	s23 =	simm.s32 $0x1B8B  }
0xa2: {  	_ =	swait.ge [sflag:s23], $0x1  }
0xa3: {  	[sflag:s23] =	ssyncset.done $0x0  }
0xa4: {  	s25 =	simm.s32 $0x1B8E;
	s24 =	sld [smem:$0x3FFE];
	[sflag:s23] =	ssyncadd.s32 $0xFFFFFFFF  }
0xa5: {  	s26 =	simm.s32 $execute0_lowered;
	[smem:$0x3FD2] =	sst s25  }
0xa6: {  	s4 =	sshll.u32 s26, $0x1;
	_ =	strace $0x80000046;
	[dreg:$0x1] =	wrdreg $0xFFFFFFFF  }
0xa7: {  	s28 =	simm.s32 $_size_execute0_lowered;
	s2 =	sadd.s32 s2, s4;
	[dreg:$0x0] =	wrdreg $0x0  }
0xa8: {  	s4 =	sshll.u32 s28, $0x1;
	[dreg:$0x2] =	wrdreg s2  }
0xa9: {  	[dreg:$0x3] =	wrdreg s4  }
0xaa: {  	[dreg:$0x4] =	wrdreg $0xC0  }
0xab: {  	_ =	task [dreg:s6], $0x5FFFF  }
0xac: {  	[dreg:$0x1] =	wrdreg $0xFFFFFFFF  }
0xad: {  	[dreg:$0x0] =	wrdreg $0x60  }
0xae: {  	[dreg:$0x2] =	wrdreg s24  }
0xaf: {  	[dreg:$0x3] =	wrdreg $0x0  }
0xb0: {  	[dreg:$0x4] =	wrdreg $0x9  }
0xb1: {  	_ =	task.clear_ibuf [dreg:s6], $0x5FFFF;
	_ =	strace $0x90000046  }
0xb2: {  	s29 =	simm.s32 $0x9;
	_ =	strace $0x80000048  }
0xb3: {  	_ =	swait.ge [sflag:s29], $0x1  }
0xb4: {  	[sflag:s29] =	ssyncadd.s32 $0xFFFFFFFF  }
0xb5: {  	_ =	strace $0x90000048  }
0xb6: {  	_ =	sfence  }
0xb7: {  	s30 =	sld [smem:$0x0];
	_ =	sdelay $0x2  }
0xb8: {  	s31 =	sshll.u32 s1, $0xD;
	s1 =	sshrl.u32 s1, $0x2  }
0xb9: {  	s3 =	sand.u32 $0x4000, s31;
	s1 =	sadd.s32 s1, s30  }
0xba: {  	s0 =	sor.u32 s3, s0;
	s1 =	sshll.u32 s1, $0x11  }
0xbb: {  	s0 =	sor.u32 s1, s0  }
0xbc: {  	s0 =	sadd.s32 $0x8F2B, s0  }
0xbd: {  	[sflag:s0] =	ssyncadd.remote.s32 $0x1  }
0xbe: {  	_ =	sfence.sel $0xFFFF  }
0xbf: {  	[dreg:$0x0] =	wrdreg $0xFFFFFFFF;
	(pc) =	sbr.abs _section_cstart, $3  }
0xc0: {  	[dreg:$0x1] =	wrdreg $0xFFFFFFFF  }
0xc1: {  	_ =	task.clear_ibuf [dreg:s6], $0x2FFFF;
	_ =	strace $0x9FFFFFFF  }
0xc2: {  	(tm) =	ssettm $0x7FFFFFFF  }
0xc3: {  	_ =	shalt  }
tec
execute0_lowered:
.L_overlay_start_1:
0x0: {  	(tag) =	ssettag $0x1  }
0x1: {  	s8 =	rddreg [dreg:$0x0]  }
0x2: {  	s1 =	rddreg [dreg:$0x1]  }
0x3: {  	s0 =	rddreg [dreg:$0x2];
	s2 =	simm.s32 $0x0;
	s3 =	srdreg.scid  }
0x4: {  	s14 =	simm.s32 $0x43C00;
	s16 =	simm.s32 $0x0;
	[smem:$0x7FF] =	sst s2  }
0x5: {  	s7 =	sand.u32 $0x1, s3;
	s9 =	sadd.s32 $0xEC00, s8;
	s3 =	stileid.u32  }
0x6: {  	s4 =	sadd.s32 $0x18C00, s8;
	s5 =	sadd.s32 $0x19400, s8;
	_ =	strace $0x80000047  }
0x7: {  	s6 =	ssub.s32 $0x2, s7;
	s11 =	smul.u32 $0x50000, s3;
	s26 =	sshll.u32 s7, $0x4  }
0x8: {  	s29 =	sshll.u32 s3, $0x6;
	p0 =	seq.s32 s7, $0x1;
	s15 =	smul.u32 $0x2800, s3  }
0x9: {  	s10 =	sshrl.u32 s6, $0x1;
	s12 =	sor.u32 s3, s26;
	s14 =	simm.s32 @!p0 $0x1BC00  }
0xa: {  	s10 =	ssub.s32 s6, s10;
	s28 =	sshrl.u32 s11, $0x2;
	s30 =	smul.u32 $0x2800, s12  }
0xb: {  	s6 =	sor.u32 $0x1C01, s29;
	s12 =	smul.u32 $0x500, s12;
	s31 =	sadd.s32 s14, s8  }
0xc: {  	s14 =	simm.s32 $0x1400;
	s13 =	sadd.s32 s28, s1;
	s11 =	sshrl.u32 s30, $0x3  }
0xd: {  	s7 =	sadd.s32 s9, s12;
	s12 =	simm.s32 $0x1;
	s9 =	sadd.s32 s9, s11  }
0xe: {  	s11 =	sshrl.u32 s13, $0x3;
	s13 =	simm.s32 $0x2800;
	s8 =	sadd.s32 $0x280, s9  }
0xf: {  	s9 =	smax.u32 s10, $0x1;
	s10 =	sadd.s32 s31, s15;
	s15 =	simm.s32 $0x80  }
.LBB2_1:
0x10: {  	[spmem:s11], [sflag:s6] =	dma.local [hbm:s5], $0x2800  }
0x11: {  	_ =	swait.ge [sflag:s12], $0x2800  }
0x12: {  	[sflag:s12] =	ssyncset.done $0x0  }
0x13: {  	[sflag:s12] =	ssyncadd.s32 $0xFFFFD800  }
0x14: {  	[tilespmem:s13], [sflag:$0x1] =	stream.linear.gather [hbm4b:s4+s2], $0x4000, $0x38;
	[tilespmem:$0x6800] =	vst v63  }
0x15: {  	_ =	swait.ge [sflag:s12], $0x4000  }
0x16: {  	[sflag:s12] =	ssyncset.done $0x0  }
0x17: {  	[sflag:s12] =	ssyncadd.s32 $0xFFFFC000  }
0x18: {  	[bflag:$0x0] =	sbarrier.arrive $0xFFFF  }
0x19: {  	[tilespmem:s14], [sflag:$0x1] =	stream.linear.gather [hbm4b:s7+s2], $0x1400, $0x38;
	[tilespmem:$0x6800] =	vst v63  }
0x1a: {  	_ =	swait.ge [sflag:s12], $0x1400  }
0x1b: {  	[sflag:s12] =	ssyncset.done $0x0  }
0x1c: {  	s17 =	simm.s32 $0x1400;
	[sflag:s12] =	ssyncadd.s32 $0xFFFFEC00  }
0x1d: {  	[spmem:s1] =	stream.indirect.scatter.add.f32 [tilespmem:s13], [sflag:$0x1], $0x8, s17, s15, $0xb8;
	[tilespmem:$0x6800] =	vst v63  }
0x1e: {  	s17 =	simm.s32 $0x200;
	_ =	swait.ge [sflag:s12], $0x400  }
.LBB2_2:
0x1f: {  	s18 =	sshra.s32 s17, $0x2;
	[sflag:s12] =	ssyncset.done $0x0;
	p0 =	sne.s32 s17, $0x4E00  }
.Ltmp0:
0x20: {  	s18 =	sadd.s32 $0x1400, s18;
	[sflag:s12] =	ssyncadd.s32 $0xFFFFFC00;
	(pc) =	sbr.rel @p0 .LBB2_2-.Ltmp0, $3  }
0x21: {  	[spmem:s1] =	stream.indirect.scatter.add.f32 [tilespmem:s13], [sflag:$0x1], $0x8, s18, s15, $0xb8;
	[tilespmem:$0x6800] =	vst v63  }
0x22: {  	s17 =	sadd.s32 $0x200, s17;
	_ =	sdelay $0x1  }
0x23: {  	_ =	swait.ge [sflag:s12], $0x400  }
0x24: {  	[sflag:s12] =	ssyncset.done $0x0  }
0x25: {  	s17 =	simm.s32 $0x0;
	[sflag:s12] =	ssyncadd.s32 $0xFFFFFC00  }
0x26: {  	[tilespmem:s14], [sflag:$0x1] =	stream.linear.gather [hbm4b:s8+s17], $0x1400, $0x38;
	[tilespmem:$0x6800] =	vst v63  }
0x27: {  	_ =	swait.ge [sflag:s12], $0x1400  }
0x28: {  	[sflag:s12] =	ssyncset.done $0x0  }
0x29: {  	s31 =	simm.s32 $0x1400;
	[sflag:s12] =	ssyncadd.s32 $0xFFFFEC00  }
0x2a: {  	[spmem:s1] =	stream.indirect.scatter.add.f32 [tilespmem:s13], [sflag:$0x1], $0x8, s31, s15, $0xb8;
	[tilespmem:$0x6800] =	vst v63  }
0x2b: {  	s17 =	simm.s32 $0x200;
	_ =	swait.ge [sflag:s12], $0x400  }
.LBB2_4:
0x2c: {  	s18 =	sshra.s32 s17, $0x2;
	[sflag:s12] =	ssyncset.done $0x0;
	p0 =	sne.s32 s17, $0x4E00  }
.Ltmp1:
0x2d: {  	s18 =	sadd.s32 $0x1400, s18;
	[sflag:s12] =	ssyncadd.s32 $0xFFFFFC00;
	(pc) =	sbr.rel @p0 .LBB2_4-.Ltmp1, $3  }
0x2e: {  	[spmem:s1] =	stream.indirect.scatter.add.f32 [tilespmem:s13], [sflag:$0x1], $0x8, s18, s15, $0xb8;
	[tilespmem:$0x6800] =	vst v63  }
0x2f: {  	s17 =	sadd.s32 $0x200, s17;
	_ =	sdelay $0x1  }
0x30: {  	_ =	swait.ge [sflag:s12], $0x400  }
0x31: {  	[sflag:s12] =	ssyncset.done $0x0;
	s16 =	sadd.s32 $0x1, s16  }
0x32: {  	[sflag:s12] =	ssyncadd.s32 $0xFFFFFC00;
	p0 =	sne.s32 s16, s9  }
.Ltmp2:
0x33: {  	[bflag:$0x0] =	sbarrier.arrive $0xFFFF;
	(pc) =	sbr.rel @p0 .LBB2_1-.Ltmp2, $4  }
0x34: {  	[hbm:s10], [sflag:s6] =	dma.local [spmem:s11], $0x2800  }
0x35: {  	_ =	swait.ge [sflag:s12], $0x2800  }
0x36: {  	[sflag:s12] =	ssyncset.done $0x0  }
0x37: {  	[sflag:s12] =	ssyncadd.s32 $0xFFFFD800  }
0x38: {  	_ =	sfence.sel $0x180000  }
0x39: {  	[bflag:$0x0] =	sbarrier.arrive $0xFFFF  }
0x3a: {  	p0 =	sne.s32 s3, $0x0;
	_ =	strace $0x90000047  }
0x3b: {  	s0 =	sadd.s32 @!p0 $0x100000, s0;
	[bflag:$0x2] =	sbarrier.arrive $0xFFFF  }
0x3c: {  	[sflag:s0] =	ssyncadd.tile.s32 @!p0 $0x1;
	_ =	shalt  }
.Lfunc_end2:
_tile_overlayer_lowered:
.L_overlay_start_2:
0x3d: {  	(tag) =	ssettag $0x2  }
0x3e: {  	s0 =	rddreg [dreg:$0x0];
	s2 =	stileid.u32  }
0x3f: {  	s1 =	rddreg [dreg:$0x1];
	p0 =	sne.s32 s2, $0x0  }
0x40: {  	s3 =	rddreg [dreg:$0x2];
	[bflag:$0x3] =	sbarrier.arrive $0xFFFF;
	s2 =	simm.s32 @!p0 $0x1C01  }
0x41: {  	[timem:s3], [sflag:s2] =	dma.local @!p0 [hbm:s0], s1  }
0x42: {  	s0 =	simm.s32 @!p0 $0x1  }
0x43: {  	_ =	swait.ge @!p0 [sflag:s0], s1  }
0x44: {  	s1 =	ssub.s32 @!p0 $0x0, s1;
	[sflag:s0] =	ssyncset.done @!p0 $0x0  }
0x45: {  	[sflag:s0] =	ssyncadd.s32 @!p0 s1  }
0x46: {  	[bflag:$0x3] =	sbarrier.arrive $0xFFFF  }
0x47: {  	_ =	shalt  }

// kernel: kernel.13.cloned.1.call-start
scs
__scs_entry_jumppad:
0x0: {  	(pc) =	sbr.rel $0x88, $3  }
0x1: {  	(tag) =	ssettag $0x0;
	lr =	simm.s32 $0x1  }
0x2: {  	[smem:$0x3F98] =	sst lr;
	_ =	strace $0xD0000000  }
0x3: {  	_ = 	snop  }
0x4: {  	_ = 	snop  }
0x5: {  	_ = 	snop  }
0x6: {  	_ = 	snop  }
0x7: {  	_ = 	snop  }
__scs_overlays_trampoline_lowered:
0x8: {  	[smem:$0x3FA7] =	sst s0  }
0x9: {  	[smem:$0x3FA8] =	sst s1  }
0xa: {  	[smem:$0x3FA9] =	sst s2  }
0xb: {  	[smem:$0x3FAA] =	sst s3  }
0xc: {  	[smem:$0x3FAB] =	sst s4  }
0xd: {  	[smem:$0x3FAC] =	sst s5  }
0xe: {  	[smem:$0x3FAD] =	sst s6  }
0xf: {  	[smem:$0x3FAE] =	sst s7  }
0x10: {  	[smem:$0x3FAF] =	sst s8  }
0x11: {  	[smem:$0x3FB0] =	sst s9;
	s0 =	simm.s32 @!p0 $0x0  }
0x12: {  	s1 =	sld [smem:$0x3F96];
	s0 =	simm.s32 @p0 $0x1  }
0x13: {  	[smem:$0x3FB1] =	sst s0;
	s0 =	simm.s32 @!p1 $0x0  }
0x14: {  	s2 =	sld [smem:$0x3F95];
	s0 =	simm.s32 @p1 $0x1  }
0x15: {  	[smem:$0x3FB2] =	sst s0;
	s0 =	simm.s32 @!p2 $0x0  }
0x16: {  	s3 =	sld [smem:$0x3FDB];
	s0 =	simm.s32 @p2 $0x1  }
0x17: {  	s4 =	simm.s32 $0x1BF5;
	[smem:$0x3FB4] =	sst s0  }
0x18: {  	s0 =	sld [smem:$0x3F97];
	_ =	swait.ge [sflag:s4], $0x0  }
0x19: {  	s7 =	sld [smem:$0x3F98]  }
0x1a: {  	s8 =	sadd.s32 $0xFFFFE003, lr  }
0x1b: {  	s9 =	sadd.s32 $0xFFFFFEF7, lr;
	s5 =	simm.s32 $0xFFFFFFFF;
	p2 =	slt.u32 s8, $0xFFFFF086  }
0x1c: {  	p1 =	slt.u32 s9, $0xF7A;
	s5 =	simm.s32 @!p2 $0x0  }
0x1d: {  	s5 =	simm.s32 @p1 $0x1;
	p0 =	seq.s32 s7, s2  }
0x1e: {  	s7 =	smul.u32 @!p0 $0xF7A, s2;
	p2 =	seq.s32 @!p0 s5, $0x0  }
0x1f: {  	s9 =	smul.u32 $0xF7A, s1;
	s8 =	simm.s32 @!p0 $0x1BF5;
	p2 =	por !p2, p0  }
0x20: {  	[sflag:s8] =	ssyncset.s32 @!p0 $0xFFFFF086;
	s6 =	sadd.s32 @!p0 s3, s7;
	s7 =	simm.s32 @!p0 $0x108  }
0x21: {  	s3 =	sadd.s32 s3, s9;
	s6 =	sadd.s32 @!p0 $0x88, s6;
	s7 =	simm.s32 @p2 $0x1082  }
0x22: {  	[simem:s7], [sflag:s8] =	dma.local @!p0 [hbm:s6], $0xF7A  }
0x23: {  	s9 =	sor.u32 $0xD0000000, s2;
	s6 =	simm.s32 $0x108;
	_ =	swait.ge @!p0 [sflag:s8], $0x0  }
0x24: {  	s3 =	sadd.s32 $0x88, s3;
	s6 =	simm.s32 @!p1 $0x1082;
	[sflag:s4] =	ssyncset.s32 $0xFFFFF086  }
0x25: {  	[simem:s6], [sflag:s4] =	dma.local [hbm:s3], $0xF7A  }
0x26: {  	[smem:$0x3F98] =	sst s1;
	(tag) =	ssettag s2;
	_ =	strace s9  }
0x27: {  	s1 =	sld [smem:$0x3FA8]  }
0x28: {  	s2 =	sld [smem:$0x3FA9]  }
0x29: {  	s4 =	sld [smem:$0x3FAB]  }
0x2a: {  	p0 =	seq.s32 s5, $0x0;
	s5 =	sld [smem:$0x3FAC]  }
0x2b: {  	s6 =	sld [smem:$0x3FAD]  }
0x2c: {  	s7 =	sld [smem:$0x3FAE]  }
0x2d: {  	s3 =	simm.s32 $0x108;
	s8 =	sld [smem:$0x3FAF]  }
0x2e: {  	s3 =	simm.s32 @!p0 $0x1082;
	s9 =	sld [smem:$0x3FB0]  }
0x2f: {  	lr =	sadd.s32 s0, s3;
	s0 =	sld [smem:$0x3FA7]  }
0x30: {  	s3 =	sld [smem:$0x3FAA]  }
0x31: {  	[smem:$0x3FB3] =	sst s10  }
0x32: {  	s10 =	sld [smem:$0x3FB1];
	_ =	sdelay $0x3  }
0x33: {  	p0 =	seq.s32 s10, $0x1;
	s10 =	sld [smem:$0x3FB3];
	_ =	sdelay $0x3  }
0x34: {  	[smem:$0x3FB3] =	sst s10  }
0x35: {  	s10 =	sld [smem:$0x3FB2];
	_ =	sdelay $0x3  }
0x36: {  	p1 =	seq.s32 s10, $0x1;
	s10 =	sld [smem:$0x3FB3];
	_ =	sdelay $0x3  }
0x37: {  	[smem:$0x3FB3] =	sst s10  }
0x38: {  	s10 =	sld [smem:$0x3FB4]  }
0x39: {  	_ = 	snop;
	(pc) =	sbr.ind lr, $3  }
0x3a: {  	_ = 	snop  }
0x3b: {  	_ = 	snop  }
0x3c: {  	p2 =	seq.s32 s10, $0x1;
	s10 =	sld [smem:$0x3FB3]  }
0x3d: {  	_ =	shalt  }
0x3e: {  	_ =	shalt  }
0x3f: {  	_ =	shalt  }
0x40: {  	_ =	shalt  }
0x41: {  	_ =	shalt  }
0x42: {  	_ =	shalt  }
0x43: {  	_ =	shalt  }
0x44: {  	_ =	shalt  }
0x45: {  	_ =	shalt  }
0x46: {  	_ =	shalt  }
0x47: {  	_ =	shalt  }
0x48: {  	_ =	shalt  }
0x49: {  	_ =	shalt  }
0x4a: {  	_ =	shalt  }
0x4b: {  	_ =	shalt  }
0x4c: {  	_ =	shalt  }
0x4d: {  	_ =	shalt  }
0x4e: {  	_ =	shalt  }
0x4f: {  	_ =	shalt  }
0x50: {  	_ =	shalt  }
0x51: {  	_ =	shalt  }
0x52: {  	_ =	shalt  }
0x53: {  	_ =	shalt  }
0x54: {  	_ =	shalt  }
0x55: {  	_ =	shalt  }
0x56: {  	_ =	shalt  }
0x57: {  	_ =	shalt  }
0x58: {  	_ =	shalt  }
0x59: {  	_ =	shalt  }
0x5a: {  	_ =	shalt  }
0x5b: {  	_ =	shalt  }
0x5c: {  	_ =	shalt  }
0x5d: {  	_ =	shalt  }
0x5e: {  	_ =	shalt  }
0x5f: {  	_ =	shalt  }
0x60: {  	_ =	shalt  }
0x61: {  	_ =	shalt  }
0x62: {  	_ =	shalt  }
0x63: {  	_ =	shalt  }
0x64: {  	_ =	shalt  }
0x65: {  	_ =	shalt  }
0x66: {  	_ =	shalt  }
0x67: {  	_ =	shalt  }
0x68: {  	_ =	shalt  }
0x69: {  	_ =	shalt  }
0x6a: {  	_ =	shalt  }
0x6b: {  	_ =	shalt  }
0x6c: {  	_ =	shalt  }
0x6d: {  	_ =	shalt  }
0x6e: {  	_ =	shalt  }
0x6f: {  	_ =	shalt  }
0x70: {  	_ =	shalt  }
0x71: {  	_ =	shalt  }
0x72: {  	_ =	shalt  }
0x73: {  	_ =	shalt  }
0x74: {  	_ =	shalt  }
0x75: {  	_ =	shalt  }
0x76: {  	_ =	shalt  }
0x77: {  	_ =	shalt  }
0x78: {  	_ =	shalt  }
0x79: {  	_ =	shalt  }
0x7a: {  	_ =	shalt  }
0x7b: {  	_ =	shalt  }
0x7c: {  	_ =	shalt  }
0x7d: {  	_ =	shalt  }
0x7e: {  	_ =	shalt  }
0x7f: {  	_ =	shalt  }
0x80: {  	_ =	shalt  }
0x81: {  	_ =	shalt  }
0x82: {  	_ =	shalt  }
0x83: {  	_ =	shalt  }
0x84: {  	_ =	shalt  }
0x85: {  	_ =	shalt  }
0x86: {  	_ =	shalt  }
0x87: {  	_ =	shalt  }
.Lfunc_end0:
.L_simem_size_0:
called_computation.1_lowered:
.L_overlay_start_0:
0x88: {  	s2 =	sld [smem:$0x3FD9]  }
0x89: {  	s3 =	sld [smem:$0x3FFE];
	_ =	sdelay $0x1  }
0x8a: {  	s1 =	srdreg.scid  }
0x8b: {  	s0 =	sand.u32 $0x1, s1  }
0x8c: {  	s16 =	sshll.u32 s0, $0xA;
	s2 =	sadd.s32 s3, s2  }
0x8d: {  	s2 =	sadd.s32 s2, s16  }
0x8e: {  	[smem:$0x3FBF] =	sst s2  }
0x8f: {  	_ = 	snop  }
0x90: {  	(tm) =	ssettm $0x1  }
0x91: {  	s17 =	sld [smem:$0x3FFB];
	_ =	sdelay $0x3  }
0x92: {  	_ =	strace s17  }
0x93: {  	s2 =	sld [smem:$0x3FFC];
	_ =	sdelay $0x3  }
0x94: {  	_ =	strace s2  }
0x95: {  	s2 =	sld [smem:$0x3FFD];
	_ =	sdelay $0x3  }
0x96: {  	_ =	strace s2  }
0x97: {  	_ =	strace $0x8FFFFFFF  }
0x98: {  	s18 =	sld [smem:$0x3FDB];
	_ =	sdelay $0x1  }
0x99: {  	s19 =	simm.s32 $_scs_section_size  }
0x9a: {  	s4 =	simm.s32 $_size__tile_overlayer_lowered;
	s5 =	simm.s32 $_tile_overlayer_lowered  }
0x9b: {  	s22 =	simm.s32 $0x1BFF;
	s21 =	sshll.u32 s5, $0x1;
	s2 =	sadd.s32 s19, s18  }
0x9c: {  	s6 =	simm.s32 $0x0;
	s20 =	sshll.u32 s4, $0x1;
	s4 =	sadd.s32 s21, s2  }
0x9d: {  	[timem:s6], [sflag:s22] =	dma.local [hbm:s4], s20  }
0x9e: {  	_ =	swait.ge [sflag:s22], s20  }
0x9f: {  	s3 =	ssub.s32 $0x0, s20;
	[sflag:s22] =	ssyncset.done $0x0  }
0xa0: {  	[sflag:s22] =	ssyncadd.s32 s3;
	_ =	sdelay $0x1  }
0xa1: {  	s23 =	simm.s32 $0x1B8B  }
0xa2: {  	_ =	swait.ge [sflag:s23], $0x1  }
0xa3: {  	[sflag:s23] =	ssyncset.done $0x0  }
0xa4: {  	s25 =	simm.s32 $0x1B8E;
	s24 =	sld [smem:$0x3FFE];
	[sflag:s23] =	ssyncadd.s32 $0xFFFFFFFF  }
0xa5: {  	s26 =	simm.s32 $execute0_lowered;
	[smem:$0x3FD2] =	sst s25  }
0xa6: {  	s4 =	sshll.u32 s26, $0x1;
	_ =	strace $0x80000049;
	[dreg:$0x1] =	wrdreg $0xFFFFFFFF  }
0xa7: {  	s28 =	simm.s32 $_size_execute0_lowered;
	s2 =	sadd.s32 s2, s4;
	[dreg:$0x0] =	wrdreg $0x0  }
0xa8: {  	s4 =	sshll.u32 s28, $0x1;
	[dreg:$0x2] =	wrdreg s2  }
0xa9: {  	[dreg:$0x3] =	wrdreg s4  }
0xaa: {  	[dreg:$0x4] =	wrdreg $0xC0  }
0xab: {  	_ =	task [dreg:s6], $0x5FFFF  }
0xac: {  	[dreg:$0x1] =	wrdreg $0xFFFFFFFF  }
0xad: {  	[dreg:$0x0] =	wrdreg $0x60  }
0xae: {  	[dreg:$0x2] =	wrdreg s24  }
0xaf: {  	[dreg:$0x3] =	wrdreg $0x0  }
0xb0: {  	[dreg:$0x4] =	wrdreg $0x9  }
0xb1: {  	_ =	task.clear_ibuf [dreg:s6], $0x5FFFF;
	_ =	strace $0x90000049  }
0xb2: {  	s29 =	simm.s32 $0x9;
	_ =	strace $0x8000004B  }
0xb3: {  	_ =	swait.ge [sflag:s29], $0x1  }
0xb4: {  	[sflag:s29] =	ssyncadd.s32 $0xFFFFFFFF  }
0xb5: {  	_ =	strace $0x9000004B  }
0xb6: {  	_ =	sfence  }
0xb7: {  	s30 =	sld [smem:$0x0];
	_ =	sdelay $0x2  }
0xb8: {  	s31 =	sshll.u32 s1, $0xD;
	s1 =	sshrl.u32 s1, $0x2  }
0xb9: {  	s3 =	sand.u32 $0x4000, s31;
	s1 =	sadd.s32 s1, s30  }
0xba: {  	s0 =	sor.u32 s3, s0;
	s1 =	sshll.u32 s1, $0x11  }
0xbb: {  	s0 =	sor.u32 s1, s0  }
0xbc: {  	s0 =	sadd.s32 $0x8F2B, s0  }
0xbd: {  	[sflag:s0] =	ssyncadd.remote.s32 $0x1  }
0xbe: {  	_ =	sfence.sel $0xFFFF  }
0xbf: {  	[dreg:$0x0] =	wrdreg $0xFFFFFFFF;
	(pc) =	sbr.abs _section_cstart, $3  }
0xc0: {  	[dreg:$0x1] =	wrdreg $0xFFFFFFFF  }
0xc1: {  	_ =	task.clear_ibuf [dreg:s6], $0x2FFFF;
	_ =	strace $0x9FFFFFFF  }
0xc2: {  	(tm) =	ssettm $0x7FFFFFFF  }
0xc3: {  	_ =	shalt  }
tec
execute0_lowered:
.L_overlay_start_1:
0x0: {  	(tag) =	ssettag $0x1  }
0x1: {  	s13 =	rddreg [dreg:$0x0]  }
0x2: {  	s1 =	rddreg [dreg:$0x1];
	s3 =	simm.s32 $0x0  }
0x3: {  	s4 =	srdreg.scid;
	s0 =	stileid.u32;
	s18 =	simm.s32 $0xBBC00  }
0x4: {  	s19 =	simm.s32 $0x15400;
	s20 =	simm.s32 $0x80;
	s21 =	simm.s32 $0x1A800  }
0x5: {  	s22 =	simm.s32 $0x1;
	s23 =	simm.s32 $0x2;
	s24 =	simm.s32 $0x15380  }
0x6: {  	s25 =	simm.s32 $0x16700;
	s26 =	simm.s32 $0x16780;
	s28 =	simm.s32 $0x0  }
0x7: {  	[smem:$0x7FF] =	sst s3;
	s10 =	sand.u32 $0x1, s4;
	s5 =	smul.u32 $0x50000, s0  }
0x8: {  	s4 =	sadd.s32 $0x6BC00, s13;
	s14 =	sadd.s32 $0x4C00, s13;
	s15 =	sadd.s32 $0xEC00, s13  }
0x9: {  	s17 =	smul.u32 $0x2800, s0;
	_ =	strace $0x8000004A;
	s6 =	ssub.s32 $0x2, s10  }
0xa: {  	s31 =	sshll.u32 s10, $0x4;
	p0 =	seq.s32 s10, $0x1;
	s7 =	sshrl.u32 s6, $0x1  }
0xb: {  	s5 =	sshrl.u32 s5, $0x2;
	s12 =	sor.u32 s0, s31;
	s18 =	simm.s32 @!p0 $0x93C00  }
0xc: {  	s11 =	ssub.s32 s6, s7;
	s5 =	sadd.s32 s5, s1;
	s16 =	smul.u32 $0x500, s12  }
0xd: {  	s18 =	sadd.s32 s18, s13;
	s6 =	sadd.s32 $0x4000, s5;
	s7 =	sadd.s32 $0x8000, s5  }
0xe: {  	s8 =	sadd.s32 $0xC000, s5;
	s9 =	sadd.s32 $0x10000, s5;
	s10 =	smax.u32 s11, $0x1  }
0xf: {  	s11 =	sadd.s32 s14, s16;
	s12 =	sadd.s32 s15, s16;
	s16 =	sadd.s32 $0x280, s16  }
0x10: {  	s13 =	sadd.s32 s14, s16;
	s14 =	sadd.s32 s15, s16;
	s15 =	sadd.s32 s18, s17  }
0x11: {  	v0 =	vimm.f32 $0.0e+00;
	s16 =	simm.s32 $0x16800;
	s17 =	simm.s32 $0x3;
	s18 =	simm.s32 $0x14000  }
.LBB2_1:
0x12: {  	s29 =	sand.u32 $0xFE00, s3  }
0x13: {  	s30 =	sand.u32 $0x70, s3;
	s31 =	sshrl.u32 s29, $0x2  }
0x14: {  	s29 =	simm.s32 $0x40;
	s31 =	sor.u32 s30, s31;
	s30 =	simm.s32 $0x0  }
.LBB2_2:
0x15: {  	p0 =	sne.s32 s29, $0xFFC0  }
0x16: {  	[tilespmem:s31+$0x16800] =	vst v0;
	s30 =	sadd.s32 $0x10, s30;
	s31 =	smov.u32 s29;
	s29 =	sadd.s32 $0x40, s29  }
.Ltmp0:
0x17: {  	(pc) =	sbr.rel @p0 .LBB2_2-.Ltmp0, $4  }
0x18: {  	_ = 	snop  }
0x19: {  	s31 =	sand.u32 $0xFE00, s31  }
0x1a: {  	s0 =	sand.u32 $0x70, s30;
	s31 =	sshrl.u32 s31, $0x2  }
0x1b: {  	s31 =	sor.u32 s0, s31  }
0x1c: {  	[tilespmem:s31+$0x16800] =	vst v0  }
0x1d: {  	[spmem:s5] =	stream.linear.scatter [tilespmem:s16], [sflag:$0x3], $0x4000, $0x38;
	[tilespmem:$0x1E800] =	vst v63  }
0x1e: {  	_ =	swait.ge [sflag:s17], $0x4000  }
0x1f: {  	[sflag:s17] =	ssyncset.done $0x0  }
0x20: {  	[sflag:s17] =	ssyncadd.s32 $0xFFFFC000  }
0x21: {  	[spmem:s6] =	stream.linear.scatter [tilespmem:s16], [sflag:$0x3], $0x4000, $0x38;
	[tilespmem:$0x1E800] =	vst v63  }
0x22: {  	_ =	swait.ge [sflag:s17], $0x4000  }
0x23: {  	[sflag:s17] =	ssyncset.done $0x0  }
0x24: {  	[sflag:s17] =	ssyncadd.s32 $0xFFFFC000  }
0x25: {  	[spmem:s7] =	stream.linear.scatter [tilespmem:s16], [sflag:$0x3], $0x4000, $0x38;
	[tilespmem:$0x1E800] =	vst v63  }
0x26: {  	_ =	swait.ge [sflag:s17], $0x4000  }
0x27: {  	[sflag:s17] =	ssyncset.done $0x0  }
0x28: {  	[sflag:s17] =	ssyncadd.s32 $0xFFFFC000  }
0x29: {  	[spmem:s8] =	stream.linear.scatter [tilespmem:s16], [sflag:$0x3], $0x4000, $0x38;
	[tilespmem:$0x1E800] =	vst v63  }
0x2a: {  	_ =	swait.ge [sflag:s17], $0x4000  }
0x2b: {  	[sflag:s17] =	ssyncset.done $0x0  }
0x2c: {  	[sflag:s17] =	ssyncadd.s32 $0xFFFFC000  }
0x2d: {  	[spmem:s9] =	stream.linear.scatter [tilespmem:s16], [sflag:$0x3], $0x4000, $0x38;
	[tilespmem:$0x1E800] =	vst v63  }
0x2e: {  	_ =	swait.ge [sflag:s17], $0x4000  }
0x2f: {  	[sflag:s17] =	ssyncset.done $0x0  }
0x30: {  	[sflag:s17] =	ssyncadd.s32 $0xFFFFC000  }
0x31: {  	s0 =	simm.s32 $0x0;
	[bflag:$0x0] =	sbarrier.arrive $0xFFFF  }
0x32: {  	[tilespmem:s18], [sflag:$0x3] =	stream.linear.gather [hbm4b:s11+s0], $0x1400, $0x38;
	[tilespmem:$0x1E800] =	vst v63  }
0x33: {  	_ =	swait.ge [sflag:s17], $0x1400  }
0x34: {  	[sflag:s17] =	ssyncset.done $0x0  }
0x35: {  	[sflag:s17] =	ssyncadd.s32 $0xFFFFEC00  }
0x36: {  	[tilespmem:s19], [sflag:$0x3] =	stream.linear.gather [hbm4b:s12+s0], $0x1400, $0x38;
	[tilespmem:$0x1E800] =	vst v63  }
0x37: {  	_ =	swait.ge [sflag:s17], $0x1400  }
0x38: {  	[sflag:s17] =	ssyncset.done $0x0  }
0x39: {  	[sflag:s17] =	ssyncadd.s32 $0xFFFFEC00  }
0x3a: {  	[tilespmem:s16], [sflag:$0x1] =	stream.indirect.gather [hbm4b:s4+s20], $0x80, s18, s20, $0xb8;
	[tilespmem:$0x1E800] =	vst v63  }
0x3b: {  	s2 =	simm.s32 $0x14080  }
0x3c: {  	[tilespmem:s21], [sflag:$0x2] =	stream.indirect.gather [hbm4b:s4+s20], $0x80, s2, s20, $0xb8;
	[tilespmem:$0x1E800] =	vst v63  }
0x3d: {  	_ =	swait.ge [sflag:s22], $0x4000  }
0x3e: {  	[sflag:s22] =	ssyncset.done $0x0  }
0x3f: {  	s31 =	simm.s32 $0x15400;
	[sflag:s22] =	ssyncadd.s32 $0xFFFFC000  }
0x40: {  	[spmem:s1] =	stream.indirect.scatter.add.f32 [tilespmem:s16], [sflag:$0x3], $0x80, s31, s20, $0xb8;
	[tilespmem:$0x1E800] =	vst v63  }
0x41: {  	_ =	swait.ge [sflag:s17], $0x4000  }
0x42: {  	[sflag:s17] =	ssyncset.done $0x0  }
0x43: {  	s2 =	simm.s32 $0x14100;
	[sflag:s17] =	ssyncadd.s32 $0xFFFFC000  }
0x44: {  	[tilespmem:s16], [sflag:$0x1] =	stream.indirect.gather [hbm4b:s4+s20], $0x80, s2, s20, $0xb8;
	[tilespmem:$0x1E800] =	vst v63  }
0x45: {  	_ =	swait.ge [sflag:s23], $0x4000  }
0x46: {  	[sflag:s23] =	ssyncset.done $0x0  }
0x47: {  	s31 =	simm.s32 $0x15480;
	[sflag:s23] =	ssyncadd.s32 $0xFFFFC000  }
0x48: {  	[spmem:s1] =	stream.indirect.scatter.add.f32 [tilespmem:s21], [sflag:$0x3], $0x80, s31, s20, $0xb8;
	[tilespmem:$0x1E800] =	vst v63  }
0x49: {  	_ =	swait.ge [sflag:s17], $0x4000  }
0x4a: {  	s30 =	simm.s32 $0x800;
	s29 =	simm.s32 $0x100;
	[sflag:s17] =	ssyncset.done $0x0  }
.LBB2_4:
0x4b: {  	s0 =	sadd.s32 $0x14080, s29  }
0x4c: {  	[sflag:s17] =	ssyncadd.s32 $0xFFFFC000;
	s31 =	smov.u32 s30;
	s2 =	sadd.s32 $0x400, s30  }
0x4d: {  	[tilespmem:s21], [sflag:$0x2] =	stream.indirect.gather [hbm4b:s4+s20], $0x80, s0, s20, $0xb8;
	[tilespmem:$0x1E800] =	vst v63  }
0x4e: {  	p0 =	sne.s32 s30, $0x4800;
	_ =	swait.ge [sflag:s22], $0x4000  }
0x4f: {  	[sflag:s22] =	ssyncset.done $0x0  }
0x50: {  	s0 =	sadd.s32 $0x15400, s29;
	[sflag:s22] =	ssyncadd.s32 $0xFFFFC000  }
0x51: {  	[spmem:s1] =	stream.indirect.scatter.add.f32 [tilespmem:s16], [sflag:$0x3], $0x80, s0, s20, $0xb8;
	[tilespmem:$0x1E800] =	vst v63  }
0x52: {  	_ =	swait.ge [sflag:s17], $0x4000  }
0x53: {  	[sflag:s17] =	ssyncset.done $0x0  }
0x54: {  	s0 =	sadd.s32 $0x14100, s29;
	[sflag:s17] =	ssyncadd.s32 $0xFFFFC000  }
0x55: {  	[tilespmem:s16], [sflag:$0x1] =	stream.indirect.gather [hbm4b:s4+s20], $0x80, s0, s20, $0xb8;
	[tilespmem:$0x1E800] =	vst v63  }
0x56: {  	_ =	swait.ge [sflag:s23], $0x4000  }
.Ltmp1:
0x57: {  	[sflag:s23] =	ssyncset.done $0x0;
	(pc) =	sbr.rel @p0 .LBB2_4-.Ltmp1, $4  }
0x58: {  	s0 =	sadd.s32 $0x15480, s29;
	[sflag:s23] =	ssyncadd.s32 $0xFFFFC000  }
0x59: {  	[spmem:s1] =	stream.indirect.scatter.add.f32 [tilespmem:s21], [sflag:$0x3], $0x80, s0, s20, $0xb8;
	[tilespmem:$0x1E800] =	vst v63  }
0x5a: {  	_ =	swait.ge [sflag:s17], $0x4000  }
0x5b: {  	s30 =	smov.u32 s2;
	s29 =	sshra.s32 s31, $0x2;
	[sflag:s17] =	ssyncset.done $0x0  }
0x5c: {  	s0 =	sadd.s32 $0x14080, s29;
	[sflag:s17] =	ssyncadd.s32 $0xFFFFC000  }
0x5d: {  	[tilespmem:s21], [sflag:$0x2] =	stream.indirect.gather [hbm4b:s4+s20], $0x80, s0, s20, $0xb8;
	[tilespmem:$0x1E800] =	vst v63  }
0x5e: {  	_ =	swait.ge [sflag:s22], $0x4000  }
0x5f: {  	[sflag:s22] =	ssyncset.done $0x0  }
0x60: {  	s2 =	sadd.s32 $0x15400, s29;
	[sflag:s22] =	ssyncadd.s32 $0xFFFFC000  }
0x61: {  	[spmem:s1] =	stream.indirect.scatter.add.f32 [tilespmem:s16], [sflag:$0x3], $0x80, s2, s20, $0xb8;
	[tilespmem:$0x1E800] =	vst v63  }
0x62: {  	_ =	swait.ge [sflag:s17], $0x4000  }
0x63: {  	[sflag:s17] =	ssyncset.done $0x0  }
0x64: {  	s31 =	sadd.s32 $0x14100, s29;
	[sflag:s17] =	ssyncadd.s32 $0xFFFFC000  }
0x65: {  	[tilespmem:s16], [sflag:$0x1] =	stream.indirect.gather [hbm4b:s4+s20], $0x80, s31, s20, $0xb8;
	[tilespmem:$0x1E800] =	vst v63  }
0x66: {  	_ =	swait.ge [sflag:s23], $0x4000  }
0x67: {  	[sflag:s23] =	ssyncset.done $0x0  }
0x68: {  	s2 =	sadd.s32 $0x15480, s29;
	[sflag:s23] =	ssyncadd.s32 $0xFFFFC000  }
0x69: {  	[spmem:s1] =	stream.indirect.scatter.add.f32 [tilespmem:s21], [sflag:$0x3], $0x80, s2, s20, $0xb8;
	[tilespmem:$0x1E800] =	vst v63  }
0x6a: {  	_ =	swait.ge [sflag:s17], $0x4000  }
0x6b: {  	[sflag:s17] =	ssyncset.done $0x0  }
0x6c: {  	[sflag:s17] =	ssyncadd.s32 $0xFFFFC000  }
0x6d: {  	[tilespmem:s21], [sflag:$0x2] =	stream.indirect.gather [hbm4b:s4+s20], $0x80, s24, s20, $0xb8;
	[tilespmem:$0x1E800] =	vst v63  }
0x6e: {  	_ =	swait.ge [sflag:s22], $0x4000  }
0x6f: {  	[sflag:s22] =	ssyncset.done $0x0  }
0x70: {  	[sflag:s22] =	ssyncadd.s32 $0xFFFFC000  }
0x71: {  	[spmem:s1] =	stream.indirect.scatter.add.f32 [tilespmem:s16], [sflag:$0x3], $0x80, s25, s20, $0xb8;
	[tilespmem:$0x1E800] =	vst v63  }
0x72: {  	_ =	swait.ge [sflag:s17], $0x4000  }
0x73: {  	[sflag:s17] =	ssyncset.done $0x0  }
0x74: {  	[sflag:s17] =	ssyncadd.s32 $0xFFFFC000  }
0x75: {  	_ =	swait.ge [sflag:s23], $0x4000  }
0x76: {  	[sflag:s23] =	ssyncset.done $0x0  }
0x77: {  	[sflag:s23] =	ssyncadd.s32 $0xFFFFC000  }
0x78: {  	[spmem:s1] =	stream.indirect.scatter.add.f32 [tilespmem:s21], [sflag:$0x3], $0x80, s26, s20, $0xb8;
	[tilespmem:$0x1E800] =	vst v63  }
0x79: {  	_ =	swait.ge [sflag:s17], $0x4000  }
0x7a: {  	[sflag:s17] =	ssyncset.done $0x0  }
0x7b: {  	s31 =	simm.s32 $0x0;
	[sflag:s17] =	ssyncadd.s32 $0xFFFFC000  }
0x7c: {  	[tilespmem:s18], [sflag:$0x3] =	stream.linear.gather [hbm4b:s13+s31], $0x1400, $0x38;
	[tilespmem:$0x1E800] =	vst v63  }
0x7d: {  	_ =	swait.ge [sflag:s17], $0x1400  }
0x7e: {  	[sflag:s17] =	ssyncset.done $0x0  }
0x7f: {  	[sflag:s17] =	ssyncadd.s32 $0xFFFFEC00  }
0x80: {  	[tilespmem:s19], [sflag:$0x3] =	stream.linear.gather [hbm4b:s14+s31], $0x1400, $0x38;
	[tilespmem:$0x1E800] =	vst v63  }
0x81: {  	_ =	swait.ge [sflag:s17], $0x1400  }
0x82: {  	[sflag:s17] =	ssyncset.done $0x0  }
0x83: {  	[sflag:s17] =	ssyncadd.s32 $0xFFFFEC00  }
0x84: {  	[tilespmem:s16], [sflag:$0x1] =	stream.indirect.gather [hbm4b:s4+s20], $0x80, s18, s20, $0xb8;
	[tilespmem:$0x1E800] =	vst v63  }
0x85: {  	s2 =	simm.s32 $0x14080  }
0x86: {  	[tilespmem:s21], [sflag:$0x2] =	stream.indirect.gather [hbm4b:s4+s20], $0x80, s2, s20, $0xb8;
	[tilespmem:$0x1E800] =	vst v63  }
0x87: {  	_ =	swait.ge [sflag:s22], $0x4000  }
0x88: {  	[sflag:s22] =	ssyncset.done $0x0  }
0x89: {  	s31 =	simm.s32 $0x15400;
	[sflag:s22] =	ssyncadd.s32 $0xFFFFC000  }
0x8a: {  	[spmem:s1] =	stream.indirect.scatter.add.f32 [tilespmem:s16], [sflag:$0x3], $0x80, s31, s20, $0xb8;
	[tilespmem:$0x1E800] =	vst v63  }
0x8b: {  	_ =	swait.ge [sflag:s17], $0x4000  }
0x8c: {  	[sflag:s17] =	ssyncset.done $0x0  }
0x8d: {  	s2 =	simm.s32 $0x14100;
	[sflag:s17] =	ssyncadd.s32 $0xFFFFC000  }
0x8e: {  	[tilespmem:s16], [sflag:$0x1] =	stream.indirect.gather [hbm4b:s4+s20], $0x80, s2, s20, $0xb8;
	[tilespmem:$0x1E800] =	vst v63  }
0x8f: {  	_ =	swait.ge [sflag:s23], $0x4000  }
0x90: {  	[sflag:s23] =	ssyncset.done $0x0  }
0x91: {  	s31 =	simm.s32 $0x15480;
	[sflag:s23] =	ssyncadd.s32 $0xFFFFC000  }
0x92: {  	[spmem:s1] =	stream.indirect.scatter.add.f32 [tilespmem:s21], [sflag:$0x3], $0x80, s31, s20, $0xb8;
	[tilespmem:$0x1E800] =	vst v63  }
0x93: {  	_ =	swait.ge [sflag:s17], $0x4000  }
0x94: {  	s30 =	simm.s32 $0x800;
	s29 =	simm.s32 $0x100;
	[sflag:s17] =	ssyncset.done $0x0  }
.LBB2_6:
0x95: {  	s0 =	sadd.s32 $0x14080, s29  }
0x96: {  	[sflag:s17] =	ssyncadd.s32 $0xFFFFC000;
	s2 =	smov.u32 s30;
	s31 =	sadd.s32 $0x400, s30  }
0x97: {  	[tilespmem:s21], [sflag:$0x2] =	stream.indirect.gather [hbm4b:s4+s20], $0x80, s0, s20, $0xb8;
	[tilespmem:$0x1E800] =	vst v63  }
0x98: {  	p0 =	sne.s32 s30, $0x4800;
	_ =	swait.ge [sflag:s22], $0x4000  }
0x99: {  	[sflag:s22] =	ssyncset.done $0x0  }
0x9a: {  	s0 =	sadd.s32 $0x15400, s29;
	[sflag:s22] =	ssyncadd.s32 $0xFFFFC000  }
0x9b: {  	[spmem:s1] =	stream.indirect.scatter.add.f32 [tilespmem:s16], [sflag:$0x3], $0x80, s0, s20, $0xb8;
	[tilespmem:$0x1E800] =	vst v63  }
0x9c: {  	_ =	swait.ge [sflag:s17], $0x4000  }
0x9d: {  	[sflag:s17] =	ssyncset.done $0x0  }
0x9e: {  	s0 =	sadd.s32 $0x14100, s29;
	[sflag:s17] =	ssyncadd.s32 $0xFFFFC000  }
0x9f: {  	[tilespmem:s16], [sflag:$0x1] =	stream.indirect.gather [hbm4b:s4+s20], $0x80, s0, s20, $0xb8;
	[tilespmem:$0x1E800] =	vst v63  }
0xa0: {  	_ =	swait.ge [sflag:s23], $0x4000  }
.Ltmp2:
0xa1: {  	[sflag:s23] =	ssyncset.done $0x0;
	(pc) =	sbr.rel @p0 .LBB2_6-.Ltmp2, $4  }
0xa2: {  	s0 =	sadd.s32 $0x15480, s29;
	[sflag:s23] =	ssyncadd.s32 $0xFFFFC000  }
0xa3: {  	[spmem:s1] =	stream.indirect.scatter.add.f32 [tilespmem:s21], [sflag:$0x3], $0x80, s0, s20, $0xb8;
	[tilespmem:$0x1E800] =	vst v63  }
0xa4: {  	_ =	swait.ge [sflag:s17], $0x4000  }
0xa5: {  	s30 =	smov.u32 s31;
	s29 =	sshra.s32 s2, $0x2;
	[sflag:s17] =	ssyncset.done $0x0  }
0xa6: {  	s0 =	sadd.s32 $0x14080, s29;
	[sflag:s17] =	ssyncadd.s32 $0xFFFFC000  }
0xa7: {  	[tilespmem:s21], [sflag:$0x2] =	stream.indirect.gather [hbm4b:s4+s20], $0x80, s0, s20, $0xb8;
	[tilespmem:$0x1E800] =	vst v63  }
0xa8: {  	_ =	swait.ge [sflag:s22], $0x4000  }
0xa9: {  	[sflag:s22] =	ssyncset.done $0x0  }
0xaa: {  	s31 =	sadd.s32 $0x15400, s29;
	[sflag:s22] =	ssyncadd.s32 $0xFFFFC000  }
0xab: {  	[spmem:s1] =	stream.indirect.scatter.add.f32 [tilespmem:s16], [sflag:$0x3], $0x80, s31, s20, $0xb8;
	[tilespmem:$0x1E800] =	vst v63  }
0xac: {  	_ =	swait.ge [sflag:s17], $0x4000  }
0xad: {  	[sflag:s17] =	ssyncset.done $0x0  }
0xae: {  	s2 =	sadd.s32 $0x14100, s29;
	[sflag:s17] =	ssyncadd.s32 $0xFFFFC000  }
0xaf: {  	[tilespmem:s16], [sflag:$0x1] =	stream.indirect.gather [hbm4b:s4+s20], $0x80, s2, s20, $0xb8;
	[tilespmem:$0x1E800] =	vst v63  }
0xb0: {  	_ =	swait.ge [sflag:s23], $0x4000  }
0xb1: {  	[sflag:s23] =	ssyncset.done $0x0  }
0xb2: {  	s30 =	sadd.s32 $0x15480, s29;
	[sflag:s23] =	ssyncadd.s32 $0xFFFFC000  }
0xb3: {  	[spmem:s1] =	stream.indirect.scatter.add.f32 [tilespmem:s21], [sflag:$0x3], $0x80, s30, s20, $0xb8;
	[tilespmem:$0x1E800] =	vst v63  }
0xb4: {  	_ =	swait.ge [sflag:s17], $0x4000  }
0xb5: {  	[sflag:s17] =	ssyncset.done $0x0  }
0xb6: {  	[sflag:s17] =	ssyncadd.s32 $0xFFFFC000  }
0xb7: {  	[tilespmem:s21], [sflag:$0x2] =	stream.indirect.gather [hbm4b:s4+s20], $0x80, s24, s20, $0xb8;
	[tilespmem:$0x1E800] =	vst v63  }
0xb8: {  	_ =	swait.ge [sflag:s22], $0x4000  }
0xb9: {  	[sflag:s22] =	ssyncset.done $0x0  }
0xba: {  	[sflag:s22] =	ssyncadd.s32 $0xFFFFC000  }
0xbb: {  	[spmem:s1] =	stream.indirect.scatter.add.f32 [tilespmem:s16], [sflag:$0x3], $0x80, s25, s20, $0xb8;
	[tilespmem:$0x1E800] =	vst v63  }
0xbc: {  	_ =	swait.ge [sflag:s17], $0x4000  }
0xbd: {  	[sflag:s17] =	ssyncset.done $0x0  }
0xbe: {  	[sflag:s17] =	ssyncadd.s32 $0xFFFFC000  }
0xbf: {  	_ =	swait.ge [sflag:s23], $0x4000  }
0xc0: {  	[sflag:s23] =	ssyncset.done $0x0  }
0xc1: {  	[sflag:s23] =	ssyncadd.s32 $0xFFFFC000  }
0xc2: {  	[spmem:s1] =	stream.indirect.scatter.add.f32 [tilespmem:s21], [sflag:$0x3], $0x80, s26, s20, $0xb8;
	[tilespmem:$0x1E800] =	vst v63  }
0xc3: {  	s31 =	stileid.u32;
	_ =	swait.ge [sflag:s17], $0x4000  }
0xc4: {  	s28 =	sadd.s32 $0x1, s28;
	s0 =	sshll.u32 s31, $0x6;
	[sflag:s17] =	ssyncset.done $0x0  }
0xc5: {  	p0 =	sne.s32 s28, s10;
	s0 =	sor.u32 $0x1C03, s0;
	[sflag:s17] =	ssyncadd.s32 $0xFFFFC000  }
.Ltmp3:
0xc6: {  	s2 =	sshrl.u32 s5, $0x3;
	[bflag:$0x0] =	sbarrier.arrive $0xFFFF;
	(pc) =	sbr.rel @p0 .LBB2_1-.Ltmp3, $4  }
0xc7: {  	[hbm:s15], [sflag:s0] =	dma.local [spmem:s2], $0x2800  }
0xc8: {  	_ =	swait.ge [sflag:s17], $0x2800  }
0xc9: {  	[sflag:s17] =	ssyncset.done $0x0  }
0xca: {  	[sflag:s17] =	ssyncadd.s32 $0xFFFFD800  }
0xcb: {  	_ =	sfence.sel $0x180000  }
0xcc: {  	[bflag:$0x0] =	sbarrier.arrive $0xFFFF  }
0xcd: {  	_ =	strace $0x9000004A  }
0xce: {  	s0 =	stileid.u32;
	[bflag:$0x2] =	sbarrier.arrive $0xFFFF  }
0xcf: {  	p0 =	sne.s32 s0, $0x0;
	s0 =	rddreg [dreg:$0x2]  }
0xd0: {  	s0 =	sadd.s32 @!p0 $0x100000, s0  }
0xd1: {  	[sflag:s0] =	ssyncadd.tile.s32 @!p0 $0x1;
	_ =	shalt  }
.Lfunc_end2:
_tile_overlayer_lowered:
.L_overlay_start_2:
0xd2: {  	(tag) =	ssettag $0x2  }
0xd3: {  	s0 =	rddreg [dreg:$0x0];
	s2 =	stileid.u32  }
0xd4: {  	s1 =	rddreg [dreg:$0x1];
	p0 =	sne.s32 s2, $0x0  }
0xd5: {  	s3 =	rddreg [dreg:$0x2];
	[bflag:$0x3] =	sbarrier.arrive $0xFFFF;
	s2 =	simm.s32 @!p0 $0x1C03  }
0xd6: {  	[timem:s3], [sflag:s2] =	dma.local @!p0 [hbm:s0], s1  }
0xd7: {  	s0 =	simm.s32 @!p0 $0x3  }
0xd8: {  	_ =	swait.ge @!p0 [sflag:s0], s1  }
0xd9: {  	s1 =	ssub.s32 @!p0 $0x0, s1;
	[sflag:s0] =	ssyncset.done @!p0 $0x0  }
0xda: {  	[sflag:s0] =	ssyncadd.s32 @!p0 s1  }
0xdb: {  	[bflag:$0x3] =	sbarrier.arrive $0xFFFF  }
0xdc: {  	_ =	shalt  }

// kernel: kernel.16.cloned.1.call-start
scs
__scs_entry_jumppad:
0x0: {  	(pc) =	sbr.rel $0x88, $3  }
0x1: {  	(tag) =	ssettag $0x0;
	lr =	simm.s32 $0x1  }
0x2: {  	[smem:$0x3F98] =	sst lr;
	_ =	strace $0xD0000000  }
0x3: {  	_ = 	snop  }
0x4: {  	_ = 	snop  }
0x5: {  	_ = 	snop  }
0x6: {  	_ = 	snop  }
0x7: {  	_ = 	snop  }
__scs_overlays_trampoline_lowered:
0x8: {  	[smem:$0x3FA7] =	sst s0  }
0x9: {  	[smem:$0x3FA8] =	sst s1  }
0xa: {  	[smem:$0x3FA9] =	sst s2  }
0xb: {  	[smem:$0x3FAA] =	sst s3  }
0xc: {  	[smem:$0x3FAB] =	sst s4  }
0xd: {  	[smem:$0x3FAC] =	sst s5  }
0xe: {  	[smem:$0x3FAD] =	sst s6  }
0xf: {  	[smem:$0x3FAE] =	sst s7  }
0x10: {  	[smem:$0x3FAF] =	sst s8  }
0x11: {  	[smem:$0x3FB0] =	sst s9;
	s0 =	simm.s32 @!p0 $0x0  }
0x12: {  	s1 =	sld [smem:$0x3F96];
	s0 =	simm.s32 @p0 $0x1  }
0x13: {  	[smem:$0x3FB1] =	sst s0;
	s0 =	simm.s32 @!p1 $0x0  }
0x14: {  	s2 =	sld [smem:$0x3F95];
	s0 =	simm.s32 @p1 $0x1  }
0x15: {  	[smem:$0x3FB2] =	sst s0;
	s0 =	simm.s32 @!p2 $0x0  }
0x16: {  	s3 =	sld [smem:$0x3FDB];
	s0 =	simm.s32 @p2 $0x1  }
0x17: {  	s4 =	simm.s32 $0x1BF5;
	[smem:$0x3FB4] =	sst s0  }
0x18: {  	s0 =	sld [smem:$0x3F97];
	_ =	swait.ge [sflag:s4], $0x0  }
0x19: {  	s7 =	sld [smem:$0x3F98]  }
0x1a: {  	s8 =	sadd.s32 $0xFFFFE003, lr  }
0x1b: {  	s9 =	sadd.s32 $0xFFFFFEF7, lr;
	s5 =	simm.s32 $0xFFFFFFFF;
	p2 =	slt.u32 s8, $0xFFFFF086  }
0x1c: {  	p1 =	slt.u32 s9, $0xF7A;
	s5 =	simm.s32 @!p2 $0x0  }
0x1d: {  	s5 =	simm.s32 @p1 $0x1;
	p0 =	seq.s32 s7, s2  }
0x1e: {  	s7 =	smul.u32 @!p0 $0xF7A, s2;
	p2 =	seq.s32 @!p0 s5, $0x0  }
0x1f: {  	s9 =	smul.u32 $0xF7A, s1;
	s8 =	simm.s32 @!p0 $0x1BF5;
	p2 =	por !p2, p0  }
0x20: {  	[sflag:s8] =	ssyncset.s32 @!p0 $0xFFFFF086;
	s6 =	sadd.s32 @!p0 s3, s7;
	s7 =	simm.s32 @!p0 $0x108  }
0x21: {  	s3 =	sadd.s32 s3, s9;
	s6 =	sadd.s32 @!p0 $0x88, s6;
	s7 =	simm.s32 @p2 $0x1082  }
0x22: {  	[simem:s7], [sflag:s8] =	dma.local @!p0 [hbm:s6], $0xF7A  }
0x23: {  	s9 =	sor.u32 $0xD0000000, s2;
	s6 =	simm.s32 $0x108;
	_ =	swait.ge @!p0 [sflag:s8], $0x0  }
0x24: {  	s3 =	sadd.s32 $0x88, s3;
	s6 =	simm.s32 @!p1 $0x1082;
	[sflag:s4] =	ssyncset.s32 $0xFFFFF086  }
0x25: {  	[simem:s6], [sflag:s4] =	dma.local [hbm:s3], $0xF7A  }
0x26: {  	[smem:$0x3F98] =	sst s1;
	(tag) =	ssettag s2;
	_ =	strace s9  }
0x27: {  	s1 =	sld [smem:$0x3FA8]  }
0x28: {  	s2 =	sld [smem:$0x3FA9]  }
0x29: {  	s4 =	sld [smem:$0x3FAB]  }
0x2a: {  	p0 =	seq.s32 s5, $0x0;
	s5 =	sld [smem:$0x3FAC]  }
0x2b: {  	s6 =	sld [smem:$0x3FAD]  }
0x2c: {  	s7 =	sld [smem:$0x3FAE]  }
0x2d: {  	s3 =	simm.s32 $0x108;
	s8 =	sld [smem:$0x3FAF]  }
0x2e: {  	s3 =	simm.s32 @!p0 $0x1082;
	s9 =	sld [smem:$0x3FB0]  }
0x2f: {  	lr =	sadd.s32 s0, s3;
	s0 =	sld [smem:$0x3FA7]  }
0x30: {  	s3 =	sld [smem:$0x3FAA]  }
0x31: {  	[smem:$0x3FB3] =	sst s10  }
0x32: {  	s10 =	sld [smem:$0x3FB1];
	_ =	sdelay $0x3  }
0x33: {  	p0 =	seq.s32 s10, $0x1;
	s10 =	sld [smem:$0x3FB3];
	_ =	sdelay $0x3  }
0x34: {  	[smem:$0x3FB3] =	sst s10  }
0x35: {  	s10 =	sld [smem:$0x3FB2];
	_ =	sdelay $0x3  }
0x36: {  	p1 =	seq.s32 s10, $0x1;
	s10 =	sld [smem:$0x3FB3];
	_ =	sdelay $0x3  }
0x37: {  	[smem:$0x3FB3] =	sst s10  }
0x38: {  	s10 =	sld [smem:$0x3FB4]  }
0x39: {  	_ = 	snop;
	(pc) =	sbr.ind lr, $3  }
0x3a: {  	_ = 	snop  }
0x3b: {  	_ = 	snop  }
0x3c: {  	p2 =	seq.s32 s10, $0x1;
	s10 =	sld [smem:$0x3FB3]  }
0x3d: {  	_ =	shalt  }
0x3e: {  	_ =	shalt  }
0x3f: {  	_ =	shalt  }
0x40: {  	_ =	shalt  }
0x41: {  	_ =	shalt  }
0x42: {  	_ =	shalt  }
0x43: {  	_ =	shalt  }
0x44: {  	_ =	shalt  }
0x45: {  	_ =	shalt  }
0x46: {  	_ =	shalt  }
0x47: {  	_ =	shalt  }
0x48: {  	_ =	shalt  }
0x49: {  	_ =	shalt  }
0x4a: {  	_ =	shalt  }
0x4b: {  	_ =	shalt  }
0x4c: {  	_ =	shalt  }
0x4d: {  	_ =	shalt  }
0x4e: {  	_ =	shalt  }
0x4f: {  	_ =	shalt  }
0x50: {  	_ =	shalt  }
0x51: {  	_ =	shalt  }
0x52: {  	_ =	shalt  }
0x53: {  	_ =	shalt  }
0x54: {  	_ =	shalt  }
0x55: {  	_ =	shalt  }
0x56: {  	_ =	shalt  }
0x57: {  	_ =	shalt  }
0x58: {  	_ =	shalt  }
0x59: {  	_ =	shalt  }
0x5a: {  	_ =	shalt  }
0x5b: {  	_ =	shalt  }
0x5c: {  	_ =	shalt  }
0x5d: {  	_ =	shalt  }
0x5e: {  	_ =	shalt  }
0x5f: {  	_ =	shalt  }
0x60: {  	_ =	shalt  }
0x61: {  	_ =	shalt  }
0x62: {  	_ =	shalt  }
0x63: {  	_ =	shalt  }
0x64: {  	_ =	shalt  }
0x65: {  	_ =	shalt  }
0x66: {  	_ =	shalt  }
0x67: {  	_ =	shalt  }
0x68: {  	_ =	shalt  }
0x69: {  	_ =	shalt  }
0x6a: {  	_ =	shalt  }
0x6b: {  	_ =	shalt  }
0x6c: {  	_ =	shalt  }
0x6d: {  	_ =	shalt  }
0x6e: {  	_ =	shalt  }
0x6f: {  	_ =	shalt  }
0x70: {  	_ =	shalt  }
0x71: {  	_ =	shalt  }
0x72: {  	_ =	shalt  }
0x73: {  	_ =	shalt  }
0x74: {  	_ =	shalt  }
0x75: {  	_ =	shalt  }
0x76: {  	_ =	shalt  }
0x77: {  	_ =	shalt  }
0x78: {  	_ =	shalt  }
0x79: {  	_ =	shalt  }
0x7a: {  	_ =	shalt  }
0x7b: {  	_ =	shalt  }
0x7c: {  	_ =	shalt  }
0x7d: {  	_ =	shalt  }
0x7e: {  	_ =	shalt  }
0x7f: {  	_ =	shalt  }
0x80: {  	_ =	shalt  }
0x81: {  	_ =	shalt  }
0x82: {  	_ =	shalt  }
0x83: {  	_ =	shalt  }
0x84: {  	_ =	shalt  }
0x85: {  	_ =	shalt  }
0x86: {  	_ =	shalt  }
0x87: {  	_ =	shalt  }
.Lfunc_end0:
.L_simem_size_0:
called_computation.2_lowered:
.L_overlay_start_0:
0x88: {  	s2 =	sld [smem:$0x3FD9]  }
0x89: {  	s3 =	sld [smem:$0x3FFE];
	_ =	sdelay $0x1  }
0x8a: {  	s1 =	srdreg.scid  }
0x8b: {  	s0 =	sand.u32 $0x1, s1  }
0x8c: {  	s16 =	sshll.u32 s0, $0xA;
	s2 =	sadd.s32 s3, s2  }
0x8d: {  	s2 =	sadd.s32 s2, s16  }
0x8e: {  	[smem:$0x3FBF] =	sst s2  }
0x8f: {  	_ = 	snop  }
0x90: {  	(tm) =	ssettm $0x1  }
0x91: {  	s17 =	sld [smem:$0x3FFB];
	_ =	sdelay $0x3  }
0x92: {  	_ =	strace s17  }
0x93: {  	s2 =	sld [smem:$0x3FFC];
	_ =	sdelay $0x3  }
0x94: {  	_ =	strace s2  }
0x95: {  	s2 =	sld [smem:$0x3FFD];
	_ =	sdelay $0x3  }
0x96: {  	_ =	strace s2  }
0x97: {  	_ =	strace $0x8FFFFFFF  }
0x98: {  	s18 =	sld [smem:$0x3FDB];
	_ =	sdelay $0x1  }
0x99: {  	s19 =	simm.s32 $_scs_section_size  }
0x9a: {  	s4 =	simm.s32 $_size__tile_overlayer_lowered;
	s5 =	simm.s32 $_tile_overlayer_lowered  }
0x9b: {  	s22 =	simm.s32 $0x1BFF;
	s21 =	sshll.u32 s5, $0x1;
	s2 =	sadd.s32 s19, s18  }
0x9c: {  	s6 =	simm.s32 $0x0;
	s20 =	sshll.u32 s4, $0x1;
	s4 =	sadd.s32 s21, s2  }
0x9d: {  	[timem:s6], [sflag:s22] =	dma.local [hbm:s4], s20  }
0x9e: {  	_ =	swait.ge [sflag:s22], s20  }
0x9f: {  	s3 =	ssub.s32 $0x0, s20;
	[sflag:s22] =	ssyncset.done $0x0  }
0xa0: {  	[sflag:s22] =	ssyncadd.s32 s3;
	_ =	sdelay $0x1  }
0xa1: {  	s23 =	simm.s32 $0x1B8B  }
0xa2: {  	_ =	swait.ge [sflag:s23], $0x1  }
0xa3: {  	[sflag:s23] =	ssyncset.done $0x0  }
0xa4: {  	s25 =	simm.s32 $0x1B8E;
	s24 =	sld [smem:$0x3FFE];
	[sflag:s23] =	ssyncadd.s32 $0xFFFFFFFF  }
0xa5: {  	s26 =	simm.s32 $execute0_lowered;
	[smem:$0x3FD2] =	sst s25  }
0xa6: {  	s4 =	sshll.u32 s26, $0x1;
	_ =	strace $0x8000004C;
	[dreg:$0x1] =	wrdreg $0xFFFFFFFF  }
0xa7: {  	s28 =	simm.s32 $_size_execute0_lowered;
	s2 =	sadd.s32 s2, s4;
	[dreg:$0x0] =	wrdreg $0x0  }
0xa8: {  	s4 =	sshll.u32 s28, $0x1;
	[dreg:$0x2] =	wrdreg s2  }
0xa9: {  	[dreg:$0x3] =	wrdreg s4  }
0xaa: {  	[dreg:$0x4] =	wrdreg $0xC0  }
0xab: {  	_ =	task [dreg:s6], $0x5FFFF  }
0xac: {  	[dreg:$0x1] =	wrdreg $0xFFFFFFFF  }
0xad: {  	[dreg:$0x0] =	wrdreg $0x60  }
0xae: {  	[dreg:$0x2] =	wrdreg s24  }
0xaf: {  	[dreg:$0x3] =	wrdreg $0x0  }
0xb0: {  	[dreg:$0x4] =	wrdreg $0x9  }
0xb1: {  	_ =	task.clear_ibuf [dreg:s6], $0x5FFFF;
	_ =	strace $0x9000004C  }
0xb2: {  	s29 =	simm.s32 $0x9;
	_ =	strace $0x8000004E  }
0xb3: {  	_ =	swait.ge [sflag:s29], $0x1  }
0xb4: {  	[sflag:s29] =	ssyncadd.s32 $0xFFFFFFFF  }
0xb5: {  	_ =	strace $0x9000004E  }
0xb6: {  	_ =	sfence  }
0xb7: {  	s30 =	sld [smem:$0x0];
	_ =	sdelay $0x2  }
0xb8: {  	s31 =	sshll.u32 s1, $0xD;
	s1 =	sshrl.u32 s1, $0x2  }
0xb9: {  	s3 =	sand.u32 $0x4000, s31;
	s1 =	sadd.s32 s1, s30  }
0xba: {  	s0 =	sor.u32 s3, s0;
	s1 =	sshll.u32 s1, $0x11  }
0xbb: {  	s0 =	sor.u32 s1, s0  }
0xbc: {  	s0 =	sadd.s32 $0x8F2B, s0  }
0xbd: {  	[sflag:s0] =	ssyncadd.remote.s32 $0x1  }
0xbe: {  	_ =	sfence.sel $0xFFFF  }
0xbf: {  	[dreg:$0x0] =	wrdreg $0xFFFFFFFF;
	(pc) =	sbr.abs _section_cstart, $3  }
0xc0: {  	[dreg:$0x1] =	wrdreg $0xFFFFFFFF  }
0xc1: {  	_ =	task.clear_ibuf [dreg:s6], $0x2FFFF;
	_ =	strace $0x9FFFFFFF  }
0xc2: {  	(tm) =	ssettm $0x7FFFFFFF  }
0xc3: {  	_ =	shalt  }
tec
execute0_lowered:
.L_overlay_start_1:
0x0: {  	(tag) =	ssettag $0x1  }
0x1: {  	s13 =	rddreg [dreg:$0x0]  }
0x2: {  	s1 =	rddreg [dreg:$0x1];
	s3 =	simm.s32 $0x0  }
0x3: {  	s4 =	srdreg.scid;
	s0 =	stileid.u32;
	s18 =	simm.s32 $0xBBC00  }
0x4: {  	s19 =	simm.s32 $0x15400;
	s20 =	simm.s32 $0x80;
	s21 =	simm.s32 $0x1A800  }
0x5: {  	s22 =	simm.s32 $0x1;
	s23 =	simm.s32 $0x2;
	s24 =	simm.s32 $0x15380  }
0x6: {  	s25 =	simm.s32 $0x16700;
	s26 =	simm.s32 $0x16780;
	s28 =	simm.s32 $0x0  }
0x7: {  	[smem:$0x7FF] =	sst s3;
	s10 =	sand.u32 $0x1, s4;
	s5 =	smul.u32 $0x50000, s0  }
0x8: {  	s4 =	sadd.s32 $0x6BC00, s13;
	s14 =	sadd.s32 $0x4C00, s13;
	s15 =	sadd.s32 $0xEC00, s13  }
0x9: {  	s17 =	smul.u32 $0x2800, s0;
	_ =	strace $0x8000004D;
	s6 =	ssub.s32 $0x2, s10  }
0xa: {  	s31 =	sshll.u32 s10, $0x4;
	p0 =	seq.s32 s10, $0x1;
	s7 =	sshrl.u32 s6, $0x1  }
0xb: {  	s5 =	sshrl.u32 s5, $0x2;
	s12 =	sor.u32 s0, s31;
	s18 =	simm.s32 @!p0 $0x93C00  }
0xc: {  	s11 =	ssub.s32 s6, s7;
	s5 =	sadd.s32 s5, s1;
	s16 =	smul.u32 $0x500, s12  }
0xd: {  	s18 =	sadd.s32 s18, s13;
	s6 =	sadd.s32 $0x4000, s5;
	s7 =	sadd.s32 $0x8000, s5  }
0xe: {  	s8 =	sadd.s32 $0xC000, s5;
	s9 =	sadd.s32 $0x10000, s5;
	s10 =	smax.u32 s11, $0x1  }
0xf: {  	s11 =	sadd.s32 s14, s16;
	s12 =	sadd.s32 s15, s16;
	s16 =	sadd.s32 $0x280, s16  }
0x10: {  	s13 =	sadd.s32 s14, s16;
	s14 =	sadd.s32 s15, s16;
	s15 =	sadd.s32 s18, s17  }
0x11: {  	v0 =	vimm.f32 $0.0e+00;
	s16 =	simm.s32 $0x16800;
	s17 =	simm.s32 $0x3;
	s18 =	simm.s32 $0x14000  }
.LBB2_1:
0x12: {  	s29 =	sand.u32 $0xFE00, s3  }
0x13: {  	s30 =	sand.u32 $0x70, s3;
	s31 =	sshrl.u32 s29, $0x2  }
0x14: {  	s29 =	simm.s32 $0x40;
	s31 =	sor.u32 s30, s31;
	s30 =	simm.s32 $0x0  }
.LBB2_2:
0x15: {  	p0 =	sne.s32 s29, $0xFFC0  }
0x16: {  	[tilespmem:s31+$0x16800] =	vst v0;
	s30 =	sadd.s32 $0x10, s30;
	s31 =	smov.u32 s29;
	s29 =	sadd.s32 $0x40, s29  }
.Ltmp0:
0x17: {  	(pc) =	sbr.rel @p0 .LBB2_2-.Ltmp0, $4  }
0x18: {  	_ = 	snop  }
0x19: {  	s31 =	sand.u32 $0xFE00, s31  }
0x1a: {  	s0 =	sand.u32 $0x70, s30;
	s31 =	sshrl.u32 s31, $0x2  }
0x1b: {  	s31 =	sor.u32 s0, s31  }
0x1c: {  	[tilespmem:s31+$0x16800] =	vst v0  }
0x1d: {  	[spmem:s5] =	stream.linear.scatter [tilespmem:s16], [sflag:$0x3], $0x4000, $0x38;
	[tilespmem:$0x1E800] =	vst v63  }
0x1e: {  	_ =	swait.ge [sflag:s17], $0x4000  }
0x1f: {  	[sflag:s17] =	ssyncset.done $0x0  }
0x20: {  	[sflag:s17] =	ssyncadd.s32 $0xFFFFC000  }
0x21: {  	[spmem:s6] =	stream.linear.scatter [tilespmem:s16], [sflag:$0x3], $0x4000, $0x38;
	[tilespmem:$0x1E800] =	vst v63  }
0x22: {  	_ =	swait.ge [sflag:s17], $0x4000  }
0x23: {  	[sflag:s17] =	ssyncset.done $0x0  }
0x24: {  	[sflag:s17] =	ssyncadd.s32 $0xFFFFC000  }
0x25: {  	[spmem:s7] =	stream.linear.scatter [tilespmem:s16], [sflag:$0x3], $0x4000, $0x38;
	[tilespmem:$0x1E800] =	vst v63  }
0x26: {  	_ =	swait.ge [sflag:s17], $0x4000  }
0x27: {  	[sflag:s17] =	ssyncset.done $0x0  }
0x28: {  	[sflag:s17] =	ssyncadd.s32 $0xFFFFC000  }
0x29: {  	[spmem:s8] =	stream.linear.scatter [tilespmem:s16], [sflag:$0x3], $0x4000, $0x38;
	[tilespmem:$0x1E800] =	vst v63  }
0x2a: {  	_ =	swait.ge [sflag:s17], $0x4000  }
0x2b: {  	[sflag:s17] =	ssyncset.done $0x0  }
0x2c: {  	[sflag:s17] =	ssyncadd.s32 $0xFFFFC000  }
0x2d: {  	[spmem:s9] =	stream.linear.scatter [tilespmem:s16], [sflag:$0x3], $0x4000, $0x38;
	[tilespmem:$0x1E800] =	vst v63  }
0x2e: {  	_ =	swait.ge [sflag:s17], $0x4000  }
0x2f: {  	[sflag:s17] =	ssyncset.done $0x0  }
0x30: {  	[sflag:s17] =	ssyncadd.s32 $0xFFFFC000  }
0x31: {  	s0 =	simm.s32 $0x0;
	[bflag:$0x0] =	sbarrier.arrive $0xFFFF  }
0x32: {  	[tilespmem:s18], [sflag:$0x3] =	stream.linear.gather [hbm4b:s11+s0], $0x1400, $0x38;
	[tilespmem:$0x1E800] =	vst v63  }
0x33: {  	_ =	swait.ge [sflag:s17], $0x1400  }
0x34: {  	[sflag:s17] =	ssyncset.done $0x0  }
0x35: {  	[sflag:s17] =	ssyncadd.s32 $0xFFFFEC00  }
0x36: {  	[tilespmem:s19], [sflag:$0x3] =	stream.linear.gather [hbm4b:s12+s0], $0x1400, $0x38;
	[tilespmem:$0x1E800] =	vst v63  }
0x37: {  	_ =	swait.ge [sflag:s17], $0x1400  }
0x38: {  	[sflag:s17] =	ssyncset.done $0x0  }
0x39: {  	[sflag:s17] =	ssyncadd.s32 $0xFFFFEC00  }
0x3a: {  	[tilespmem:s16], [sflag:$0x1] =	stream.indirect.gather [hbm4b:s4+s20], $0x80, s18, s20, $0xb8;
	[tilespmem:$0x1E800] =	vst v63  }
0x3b: {  	s2 =	simm.s32 $0x14080  }
0x3c: {  	[tilespmem:s21], [sflag:$0x2] =	stream.indirect.gather [hbm4b:s4+s20], $0x80, s2, s20, $0xb8;
	[tilespmem:$0x1E800] =	vst v63  }
0x3d: {  	_ =	swait.ge [sflag:s22], $0x4000  }
0x3e: {  	[sflag:s22] =	ssyncset.done $0x0  }
0x3f: {  	s31 =	simm.s32 $0x15400;
	[sflag:s22] =	ssyncadd.s32 $0xFFFFC000  }
0x40: {  	[spmem:s1] =	stream.indirect.scatter.add.f32 [tilespmem:s16], [sflag:$0x3], $0x80, s31, s20, $0xb8;
	[tilespmem:$0x1E800] =	vst v63  }
0x41: {  	_ =	swait.ge [sflag:s17], $0x4000  }
0x42: {  	[sflag:s17] =	ssyncset.done $0x0  }
0x43: {  	s2 =	simm.s32 $0x14100;
	[sflag:s17] =	ssyncadd.s32 $0xFFFFC000  }
0x44: {  	[tilespmem:s16], [sflag:$0x1] =	stream.indirect.gather [hbm4b:s4+s20], $0x80, s2, s20, $0xb8;
	[tilespmem:$0x1E800] =	vst v63  }
0x45: {  	_ =	swait.ge [sflag:s23], $0x4000  }
0x46: {  	[sflag:s23] =	ssyncset.done $0x0  }
0x47: {  	s31 =	simm.s32 $0x15480;
	[sflag:s23] =	ssyncadd.s32 $0xFFFFC000  }
0x48: {  	[spmem:s1] =	stream.indirect.scatter.add.f32 [tilespmem:s21], [sflag:$0x3], $0x80, s31, s20, $0xb8;
	[tilespmem:$0x1E800] =	vst v63  }
0x49: {  	_ =	swait.ge [sflag:s17], $0x4000  }
0x4a: {  	s30 =	simm.s32 $0x800;
	s29 =	simm.s32 $0x100;
	[sflag:s17] =	ssyncset.done $0x0  }
.LBB2_4:
0x4b: {  	s0 =	sadd.s32 $0x14080, s29  }
0x4c: {  	[sflag:s17] =	ssyncadd.s32 $0xFFFFC000;
	s31 =	smov.u32 s30;
	s2 =	sadd.s32 $0x400, s30  }
0x4d: {  	[tilespmem:s21], [sflag:$0x2] =	stream.indirect.gather [hbm4b:s4+s20], $0x80, s0, s20, $0xb8;
	[tilespmem:$0x1E800] =	vst v63  }
0x4e: {  	p0 =	sne.s32 s30, $0x4800;
	_ =	swait.ge [sflag:s22], $0x4000  }
0x4f: {  	[sflag:s22] =	ssyncset.done $0x0  }
0x50: {  	s0 =	sadd.s32 $0x15400, s29;
	[sflag:s22] =	ssyncadd.s32 $0xFFFFC000  }
0x51: {  	[spmem:s1] =	stream.indirect.scatter.add.f32 [tilespmem:s16], [sflag:$0x3], $0x80, s0, s20, $0xb8;
	[tilespmem:$0x1E800] =	vst v63  }
0x52: {  	_ =	swait.ge [sflag:s17], $0x4000  }
0x53: {  	[sflag:s17] =	ssyncset.done $0x0  }
0x54: {  	s0 =	sadd.s32 $0x14100, s29;
	[sflag:s17] =	ssyncadd.s32 $0xFFFFC000  }
0x55: {  	[tilespmem:s16], [sflag:$0x1] =	stream.indirect.gather [hbm4b:s4+s20], $0x80, s0, s20, $0xb8;
	[tilespmem:$0x1E800] =	vst v63  }
0x56: {  	_ =	swait.ge [sflag:s23], $0x4000  }
.Ltmp1:
0x57: {  	[sflag:s23] =	ssyncset.done $0x0;
	(pc) =	sbr.rel @p0 .LBB2_4-.Ltmp1, $4  }
0x58: {  	s0 =	sadd.s32 $0x15480, s29;
	[sflag:s23] =	ssyncadd.s32 $0xFFFFC000  }
0x59: {  	[spmem:s1] =	stream.indirect.scatter.add.f32 [tilespmem:s21], [sflag:$0x3], $0x80, s0, s20, $0xb8;
	[tilespmem:$0x1E800] =	vst v63  }
0x5a: {  	_ =	swait.ge [sflag:s17], $0x4000  }
0x5b: {  	s30 =	smov.u32 s2;
	s29 =	sshra.s32 s31, $0x2;
	[sflag:s17] =	ssyncset.done $0x0  }
0x5c: {  	s0 =	sadd.s32 $0x14080, s29;
	[sflag:s17] =	ssyncadd.s32 $0xFFFFC000  }
0x5d: {  	[tilespmem:s21], [sflag:$0x2] =	stream.indirect.gather [hbm4b:s4+s20], $0x80, s0, s20, $0xb8;
	[tilespmem:$0x1E800] =	vst v63  }
0x5e: {  	_ =	swait.ge [sflag:s22], $0x4000  }
0x5f: {  	[sflag:s22] =	ssyncset.done $0x0  }
0x60: {  	s2 =	sadd.s32 $0x15400, s29;
	[sflag:s22] =	ssyncadd.s32 $0xFFFFC000  }
0x61: {  	[spmem:s1] =	stream.indirect.scatter.add.f32 [tilespmem:s16], [sflag:$0x3], $0x80, s2, s20, $0xb8;
	[tilespmem:$0x1E800] =	vst v63  }
0x62: {  	_ =	swait.ge [sflag:s17], $0x4000  }
0x63: {  	[sflag:s17] =	ssyncset.done $0x0  }
0x64: {  	s31 =	sadd.s32 $0x14100, s29;
	[sflag:s17] =	ssyncadd.s32 $0xFFFFC000  }
0x65: {  	[tilespmem:s16], [sflag:$0x1] =	stream.indirect.gather [hbm4b:s4+s20], $0x80, s31, s20, $0xb8;
	[tilespmem:$0x1E800] =	vst v63  }
0x66: {  	_ =	swait.ge [sflag:s23], $0x4000  }
0x67: {  	[sflag:s23] =	ssyncset.done $0x0  }
0x68: {  	s2 =	sadd.s32 $0x15480, s29;
	[sflag:s23] =	ssyncadd.s32 $0xFFFFC000  }
0x69: {  	[spmem:s1] =	stream.indirect.scatter.add.f32 [tilespmem:s21], [sflag:$0x3], $0x80, s2, s20, $0xb8;
	[tilespmem:$0x1E800] =	vst v63  }
0x6a: {  	_ =	swait.ge [sflag:s17], $0x4000  }
0x6b: {  	[sflag:s17] =	ssyncset.done $0x0  }
0x6c: {  	[sflag:s17] =	ssyncadd.s32 $0xFFFFC000  }
0x6d: {  	[tilespmem:s21], [sflag:$0x2] =	stream.indirect.gather [hbm4b:s4+s20], $0x80, s24, s20, $0xb8;
	[tilespmem:$0x1E800] =	vst v63  }
0x6e: {  	_ =	swait.ge [sflag:s22], $0x4000  }
0x6f: {  	[sflag:s22] =	ssyncset.done $0x0  }
0x70: {  	[sflag:s22] =	ssyncadd.s32 $0xFFFFC000  }
0x71: {  	[spmem:s1] =	stream.indirect.scatter.add.f32 [tilespmem:s16], [sflag:$0x3], $0x80, s25, s20, $0xb8;
	[tilespmem:$0x1E800] =	vst v63  }
0x72: {  	_ =	swait.ge [sflag:s17], $0x4000  }
0x73: {  	[sflag:s17] =	ssyncset.done $0x0  }
0x74: {  	[sflag:s17] =	ssyncadd.s32 $0xFFFFC000  }
0x75: {  	_ =	swait.ge [sflag:s23], $0x4000  }
0x76: {  	[sflag:s23] =	ssyncset.done $0x0  }
0x77: {  	[sflag:s23] =	ssyncadd.s32 $0xFFFFC000  }
0x78: {  	[spmem:s1] =	stream.indirect.scatter.add.f32 [tilespmem:s21], [sflag:$0x3], $0x80, s26, s20, $0xb8;
	[tilespmem:$0x1E800] =	vst v63  }
0x79: {  	_ =	swait.ge [sflag:s17], $0x4000  }
0x7a: {  	[sflag:s17] =	ssyncset.done $0x0  }
0x7b: {  	s31 =	simm.s32 $0x0;
	[sflag:s17] =	ssyncadd.s32 $0xFFFFC000  }
0x7c: {  	[tilespmem:s18], [sflag:$0x3] =	stream.linear.gather [hbm4b:s13+s31], $0x1400, $0x38;
	[tilespmem:$0x1E800] =	vst v63  }
0x7d: {  	_ =	swait.ge [sflag:s17], $0x1400  }
0x7e: {  	[sflag:s17] =	ssyncset.done $0x0  }
0x7f: {  	[sflag:s17] =	ssyncadd.s32 $0xFFFFEC00  }
0x80: {  	[tilespmem:s19], [sflag:$0x3] =	stream.linear.gather [hbm4b:s14+s31], $0x1400, $0x38;
	[tilespmem:$0x1E800] =	vst v63  }
0x81: {  	_ =	swait.ge [sflag:s17], $0x1400  }
0x82: {  	[sflag:s17] =	ssyncset.done $0x0  }
0x83: {  	[sflag:s17] =	ssyncadd.s32 $0xFFFFEC00  }
0x84: {  	[tilespmem:s16], [sflag:$0x1] =	stream.indirect.gather [hbm4b:s4+s20], $0x80, s18, s20, $0xb8;
	[tilespmem:$0x1E800] =	vst v63  }
0x85: {  	s2 =	simm.s32 $0x14080  }
0x86: {  	[tilespmem:s21], [sflag:$0x2] =	stream.indirect.gather [hbm4b:s4+s20], $0x80, s2, s20, $0xb8;
	[tilespmem:$0x1E800] =	vst v63  }
0x87: {  	_ =	swait.ge [sflag:s22], $0x4000  }
0x88: {  	[sflag:s22] =	ssyncset.done $0x0  }
0x89: {  	s31 =	simm.s32 $0x15400;
	[sflag:s22] =	ssyncadd.s32 $0xFFFFC000  }
0x8a: {  	[spmem:s1] =	stream.indirect.scatter.add.f32 [tilespmem:s16], [sflag:$0x3], $0x80, s31, s20, $0xb8;
	[tilespmem:$0x1E800] =	vst v63  }
0x8b: {  	_ =	swait.ge [sflag:s17], $0x4000  }
0x8c: {  	[sflag:s17] =	ssyncset.done $0x0  }
0x8d: {  	s2 =	simm.s32 $0x14100;
	[sflag:s17] =	ssyncadd.s32 $0xFFFFC000  }
0x8e: {  	[tilespmem:s16], [sflag:$0x1] =	stream.indirect.gather [hbm4b:s4+s20], $0x80, s2, s20, $0xb8;
	[tilespmem:$0x1E800] =	vst v63  }
0x8f: {  	_ =	swait.ge [sflag:s23], $0x4000  }
0x90: {  	[sflag:s23] =	ssyncset.done $0x0  }
0x91: {  	s31 =	simm.s32 $0x15480;
	[sflag:s23] =	ssyncadd.s32 $0xFFFFC000  }
0x92: {  	[spmem:s1] =	stream.indirect.scatter.add.f32 [tilespmem:s21], [sflag:$0x3], $0x80, s31, s20, $0xb8;
	[tilespmem:$0x1E800] =	vst v63  }
0x93: {  	_ =	swait.ge [sflag:s17], $0x4000  }
0x94: {  	s30 =	simm.s32 $0x800;
	s29 =	simm.s32 $0x100;
	[sflag:s17] =	ssyncset.done $0x0  }
.LBB2_6:
0x95: {  	s0 =	sadd.s32 $0x14080, s29  }
0x96: {  	[sflag:s17] =	ssyncadd.s32 $0xFFFFC000;
	s2 =	smov.u32 s30;
	s31 =	sadd.s32 $0x400, s30  }
0x97: {  	[tilespmem:s21], [sflag:$0x2] =	stream.indirect.gather [hbm4b:s4+s20], $0x80, s0, s20, $0xb8;
	[tilespmem:$0x1E800] =	vst v63  }
0x98: {  	p0 =	sne.s32 s30, $0x4800;
	_ =	swait.ge [sflag:s22], $0x4000  }
0x99: {  	[sflag:s22] =	ssyncset.done $0x0  }
0x9a: {  	s0 =	sadd.s32 $0x15400, s29;
	[sflag:s22] =	ssyncadd.s32 $0xFFFFC000  }
0x9b: {  	[spmem:s1] =	stream.indirect.scatter.add.f32 [tilespmem:s16], [sflag:$0x3], $0x80, s0, s20, $0xb8;
	[tilespmem:$0x1E800] =	vst v63  }
0x9c: {  	_ =	swait.ge [sflag:s17], $0x4000  }
0x9d: {  	[sflag:s17] =	ssyncset.done $0x0  }
0x9e: {  	s0 =	sadd.s32 $0x14100, s29;
	[sflag:s17] =	ssyncadd.s32 $0xFFFFC000  }
0x9f: {  	[tilespmem:s16], [sflag:$0x1] =	stream.indirect.gather [hbm4b:s4+s20], $0x80, s0, s20, $0xb8;
	[tilespmem:$0x1E800] =	vst v63  }
0xa0: {  	_ =	swait.ge [sflag:s23], $0x4000  }
.Ltmp2:
0xa1: {  	[sflag:s23] =	ssyncset.done $0x0;
	(pc) =	sbr.rel @p0 .LBB2_6-.Ltmp2, $4  }
0xa2: {  	s0 =	sadd.s32 $0x15480, s29;
	[sflag:s23] =	ssyncadd.s32 $0xFFFFC000  }
0xa3: {  	[spmem:s1] =	stream.indirect.scatter.add.f32 [tilespmem:s21], [sflag:$0x3], $0x80, s0, s20, $0xb8;
	[tilespmem:$0x1E800] =	vst v63  }
0xa4: {  	_ =	swait.ge [sflag:s17], $0x4000  }
0xa5: {  	s30 =	smov.u32 s31;
	s29 =	sshra.s32 s2, $0x2;
	[sflag:s17] =	ssyncset.done $0x0  }
0xa6: {  	s0 =	sadd.s32 $0x14080, s29;
	[sflag:s17] =	ssyncadd.s32 $0xFFFFC000  }
0xa7: {  	[tilespmem:s21], [sflag:$0x2] =	stream.indirect.gather [hbm4b:s4+s20], $0x80, s0, s20, $0xb8;
	[tilespmem:$0x1E800] =	vst v63  }
0xa8: {  	_ =	swait.ge [sflag:s22], $0x4000  }
0xa9: {  	[sflag:s22] =	ssyncset.done $0x0  }
0xaa: {  	s31 =	sadd.s32 $0x15400, s29;
	[sflag:s22] =	ssyncadd.s32 $0xFFFFC000  }
0xab: {  	[spmem:s1] =	stream.indirect.scatter.add.f32 [tilespmem:s16], [sflag:$0x3], $0x80, s31, s20, $0xb8;
	[tilespmem:$0x1E800] =	vst v63  }
0xac: {  	_ =	swait.ge [sflag:s17], $0x4000  }
0xad: {  	[sflag:s17] =	ssyncset.done $0x0  }
0xae: {  	s2 =	sadd.s32 $0x14100, s29;
	[sflag:s17] =	ssyncadd.s32 $0xFFFFC000  }
0xaf: {  	[tilespmem:s16], [sflag:$0x1] =	stream.indirect.gather [hbm4b:s4+s20], $0x80, s2, s20, $0xb8;
	[tilespmem:$0x1E800] =	vst v63  }
0xb0: {  	_ =	swait.ge [sflag:s23], $0x4000  }
0xb1: {  	[sflag:s23] =	ssyncset.done $0x0  }
0xb2: {  	s30 =	sadd.s32 $0x15480, s29;
	[sflag:s23] =	ssyncadd.s32 $0xFFFFC000  }
0xb3: {  	[spmem:s1] =	stream.indirect.scatter.add.f32 [tilespmem:s21], [sflag:$0x3], $0x80, s30, s20, $0xb8;
	[tilespmem:$0x1E800] =	vst v63  }
0xb4: {  	_ =	swait.ge [sflag:s17], $0x4000  }
0xb5: {  	[sflag:s17] =	ssyncset.done $0x0  }
0xb6: {  	[sflag:s17] =	ssyncadd.s32 $0xFFFFC000  }
0xb7: {  	[tilespmem:s21], [sflag:$0x2] =	stream.indirect.gather [hbm4b:s4+s20], $0x80, s24, s20, $0xb8;
	[tilespmem:$0x1E800] =	vst v63  }
0xb8: {  	_ =	swait.ge [sflag:s22], $0x4000  }
0xb9: {  	[sflag:s22] =	ssyncset.done $0x0  }
0xba: {  	[sflag:s22] =	ssyncadd.s32 $0xFFFFC000  }
0xbb: {  	[spmem:s1] =	stream.indirect.scatter.add.f32 [tilespmem:s16], [sflag:$0x3], $0x80, s25, s20, $0xb8;
	[tilespmem:$0x1E800] =	vst v63  }
0xbc: {  	_ =	swait.ge [sflag:s17], $0x4000  }
0xbd: {  	[sflag:s17] =	ssyncset.done $0x0  }
0xbe: {  	[sflag:s17] =	ssyncadd.s32 $0xFFFFC000  }
0xbf: {  	_ =	swait.ge [sflag:s23], $0x4000  }
0xc0: {  	[sflag:s23] =	ssyncset.done $0x0  }
0xc1: {  	[sflag:s23] =	ssyncadd.s32 $0xFFFFC000  }
0xc2: {  	[spmem:s1] =	stream.indirect.scatter.add.f32 [tilespmem:s21], [sflag:$0x3], $0x80, s26, s20, $0xb8;
	[tilespmem:$0x1E800] =	vst v63  }
0xc3: {  	s31 =	stileid.u32;
	_ =	swait.ge [sflag:s17], $0x4000  }
0xc4: {  	s28 =	sadd.s32 $0x1, s28;
	s0 =	sshll.u32 s31, $0x6;
	[sflag:s17] =	ssyncset.done $0x0  }
0xc5: {  	p0 =	sne.s32 s28, s10;
	s0 =	sor.u32 $0x1C03, s0;
	[sflag:s17] =	ssyncadd.s32 $0xFFFFC000  }
.Ltmp3:
0xc6: {  	s2 =	sshrl.u32 s5, $0x3;
	[bflag:$0x0] =	sbarrier.arrive $0xFFFF;
	(pc) =	sbr.rel @p0 .LBB2_1-.Ltmp3, $4  }
0xc7: {  	[hbm:s15], [sflag:s0] =	dma.local [spmem:s2], $0x2800  }
0xc8: {  	_ =	swait.ge [sflag:s17], $0x2800  }
0xc9: {  	[sflag:s17] =	ssyncset.done $0x0  }
0xca: {  	[sflag:s17] =	ssyncadd.s32 $0xFFFFD800  }
0xcb: {  	_ =	sfence.sel $0x180000  }
0xcc: {  	[bflag:$0x0] =	sbarrier.arrive $0xFFFF  }
0xcd: {  	_ =	strace $0x9000004D  }
0xce: {  	s0 =	stileid.u32;
	[bflag:$0x2] =	sbarrier.arrive $0xFFFF  }
0xcf: {  	p0 =	sne.s32 s0, $0x0;
	s0 =	rddreg [dreg:$0x2]  }
0xd0: {  	s0 =	sadd.s32 @!p0 $0x100000, s0  }
0xd1: {  	[sflag:s0] =	ssyncadd.tile.s32 @!p0 $0x1;
	_ =	shalt  }
.Lfunc_end2:
_tile_overlayer_lowered:
.L_overlay_start_2:
0xd2: {  	(tag) =	ssettag $0x2  }
0xd3: {  	s0 =	rddreg [dreg:$0x0];
	s2 =	stileid.u32  }
0xd4: {  	s1 =	rddreg [dreg:$0x1];
	p0 =	sne.s32 s2, $0x0  }
0xd5: {  	s3 =	rddreg [dreg:$0x2];
	[bflag:$0x3] =	sbarrier.arrive $0xFFFF;
	s2 =	simm.s32 @!p0 $0x1C03  }
0xd6: {  	[timem:s3], [sflag:s2] =	dma.local @!p0 [hbm:s0], s1  }
0xd7: {  	s0 =	simm.s32 @!p0 $0x3  }
0xd8: {  	_ =	swait.ge @!p0 [sflag:s0], s1  }
0xd9: {  	s1 =	ssub.s32 @!p0 $0x0, s1;
	[sflag:s0] =	ssyncset.done @!p0 $0x0  }
0xda: {  	[sflag:s0] =	ssyncadd.s32 @!p0 s1  }
0xdb: {  	[bflag:$0x3] =	sbarrier.arrive $0xFFFF  }
0xdc: {  	_ =	shalt  }

// kernel: kernel.19.cloned.1.call-start
scs
__scs_entry_jumppad:
0x0: {  	(pc) =	sbr.rel $0x88, $3  }
0x1: {  	(tag) =	ssettag $0x0;
	lr =	simm.s32 $0x1  }
0x2: {  	[smem:$0x3F98] =	sst lr;
	_ =	strace $0xD0000000  }
0x3: {  	_ = 	snop  }
0x4: {  	_ = 	snop  }
0x5: {  	_ = 	snop  }
0x6: {  	_ = 	snop  }
0x7: {  	_ = 	snop  }
__scs_overlays_trampoline_lowered:
0x8: {  	[smem:$0x3FA7] =	sst s0  }
0x9: {  	[smem:$0x3FA8] =	sst s1  }
0xa: {  	[smem:$0x3FA9] =	sst s2  }
0xb: {  	[smem:$0x3FAA] =	sst s3  }
0xc: {  	[smem:$0x3FAB] =	sst s4  }
0xd: {  	[smem:$0x3FAC] =	sst s5  }
0xe: {  	[smem:$0x3FAD] =	sst s6  }
0xf: {  	[smem:$0x3FAE] =	sst s7  }
0x10: {  	[smem:$0x3FAF] =	sst s8  }
0x11: {  	[smem:$0x3FB0] =	sst s9;
	s0 =	simm.s32 @!p0 $0x0  }
0x12: {  	s1 =	sld [smem:$0x3F96];
	s0 =	simm.s32 @p0 $0x1  }
0x13: {  	[smem:$0x3FB1] =	sst s0;
	s0 =	simm.s32 @!p1 $0x0  }
0x14: {  	s2 =	sld [smem:$0x3F95];
	s0 =	simm.s32 @p1 $0x1  }
0x15: {  	[smem:$0x3FB2] =	sst s0;
	s0 =	simm.s32 @!p2 $0x0  }
0x16: {  	s3 =	sld [smem:$0x3FDB];
	s0 =	simm.s32 @p2 $0x1  }
0x17: {  	s4 =	simm.s32 $0x1BF5;
	[smem:$0x3FB4] =	sst s0  }
0x18: {  	s0 =	sld [smem:$0x3F97];
	_ =	swait.ge [sflag:s4], $0x0  }
0x19: {  	s7 =	sld [smem:$0x3F98]  }
0x1a: {  	s8 =	sadd.s32 $0xFFFFE003, lr  }
0x1b: {  	s9 =	sadd.s32 $0xFFFFFEF7, lr;
	s5 =	simm.s32 $0xFFFFFFFF;
	p2 =	slt.u32 s8, $0xFFFFF086  }
0x1c: {  	p1 =	slt.u32 s9, $0xF7A;
	s5 =	simm.s32 @!p2 $0x0  }
0x1d: {  	s5 =	simm.s32 @p1 $0x1;
	p0 =	seq.s32 s7, s2  }
0x1e: {  	s7 =	smul.u32 @!p0 $0xF7A, s2;
	p2 =	seq.s32 @!p0 s5, $0x0  }
0x1f: {  	s9 =	smul.u32 $0xF7A, s1;
	s8 =	simm.s32 @!p0 $0x1BF5;
	p2 =	por !p2, p0  }
0x20: {  	[sflag:s8] =	ssyncset.s32 @!p0 $0xFFFFF086;
	s6 =	sadd.s32 @!p0 s3, s7;
	s7 =	simm.s32 @!p0 $0x108  }
0x21: {  	s3 =	sadd.s32 s3, s9;
	s6 =	sadd.s32 @!p0 $0x88, s6;
	s7 =	simm.s32 @p2 $0x1082  }
0x22: {  	[simem:s7], [sflag:s8] =	dma.local @!p0 [hbm:s6], $0xF7A  }
0x23: {  	s9 =	sor.u32 $0xD0000000, s2;
	s6 =	simm.s32 $0x108;
	_ =	swait.ge @!p0 [sflag:s8], $0x0  }
0x24: {  	s3 =	sadd.s32 $0x88, s3;
	s6 =	simm.s32 @!p1 $0x1082;
	[sflag:s4] =	ssyncset.s32 $0xFFFFF086  }
0x25: {  	[simem:s6], [sflag:s4] =	dma.local [hbm:s3], $0xF7A  }
0x26: {  	[smem:$0x3F98] =	sst s1;
	(tag) =	ssettag s2;
	_ =	strace s9  }
0x27: {  	s1 =	sld [smem:$0x3FA8]  }
0x28: {  	s2 =	sld [smem:$0x3FA9]  }
0x29: {  	s4 =	sld [smem:$0x3FAB]  }
0x2a: {  	p0 =	seq.s32 s5, $0x0;
	s5 =	sld [smem:$0x3FAC]  }
0x2b: {  	s6 =	sld [smem:$0x3FAD]  }
0x2c: {  	s7 =	sld [smem:$0x3FAE]  }
0x2d: {  	s3 =	simm.s32 $0x108;
	s8 =	sld [smem:$0x3FAF]  }
0x2e: {  	s3 =	simm.s32 @!p0 $0x1082;
	s9 =	sld [smem:$0x3FB0]  }
0x2f: {  	lr =	sadd.s32 s0, s3;
	s0 =	sld [smem:$0x3FA7]  }
0x30: {  	s3 =	sld [smem:$0x3FAA]  }
0x31: {  	[smem:$0x3FB3] =	sst s10  }
0x32: {  	s10 =	sld [smem:$0x3FB1];
	_ =	sdelay $0x3  }
0x33: {  	p0 =	seq.s32 s10, $0x1;
	s10 =	sld [smem:$0x3FB3];
	_ =	sdelay $0x3  }
0x34: {  	[smem:$0x3FB3] =	sst s10  }
0x35: {  	s10 =	sld [smem:$0x3FB2];
	_ =	sdelay $0x3  }
0x36: {  	p1 =	seq.s32 s10, $0x1;
	s10 =	sld [smem:$0x3FB3];
	_ =	sdelay $0x3  }
0x37: {  	[smem:$0x3FB3] =	sst s10  }
0x38: {  	s10 =	sld [smem:$0x3FB4]  }
0x39: {  	_ = 	snop;
	(pc) =	sbr.ind lr, $3  }
0x3a: {  	_ = 	snop  }
0x3b: {  	_ = 	snop  }
0x3c: {  	p2 =	seq.s32 s10, $0x1;
	s10 =	sld [smem:$0x3FB3]  }
0x3d: {  	_ =	shalt  }
0x3e: {  	_ =	shalt  }
0x3f: {  	_ =	shalt  }
0x40: {  	_ =	shalt  }
0x41: {  	_ =	shalt  }
0x42: {  	_ =	shalt  }
0x43: {  	_ =	shalt  }
0x44: {  	_ =	shalt  }
0x45: {  	_ =	shalt  }
0x46: {  	_ =	shalt  }
0x47: {  	_ =	shalt  }
0x48: {  	_ =	shalt  }
0x49: {  	_ =	shalt  }
0x4a: {  	_ =	shalt  }
0x4b: {  	_ =	shalt  }
0x4c: {  	_ =	shalt  }
0x4d: {  	_ =	shalt  }
0x4e: {  	_ =	shalt  }
0x4f: {  	_ =	shalt  }
0x50: {  	_ =	shalt  }
0x51: {  	_ =	shalt  }
0x52: {  	_ =	shalt  }
0x53: {  	_ =	shalt  }
0x54: {  	_ =	shalt  }
0x55: {  	_ =	shalt  }
0x56: {  	_ =	shalt  }
0x57: {  	_ =	shalt  }
0x58: {  	_ =	shalt  }
0x59: {  	_ =	shalt  }
0x5a: {  	_ =	shalt  }
0x5b: {  	_ =	shalt  }
0x5c: {  	_ =	shalt  }
0x5d: {  	_ =	shalt  }
0x5e: {  	_ =	shalt  }
0x5f: {  	_ =	shalt  }
0x60: {  	_ =	shalt  }
0x61: {  	_ =	shalt  }
0x62: {  	_ =	shalt  }
0x63: {  	_ =	shalt  }
0x64: {  	_ =	shalt  }
0x65: {  	_ =	shalt  }
0x66: {  	_ =	shalt  }
0x67: {  	_ =	shalt  }
0x68: {  	_ =	shalt  }
0x69: {  	_ =	shalt  }
0x6a: {  	_ =	shalt  }
0x6b: {  	_ =	shalt  }
0x6c: {  	_ =	shalt  }
0x6d: {  	_ =	shalt  }
0x6e: {  	_ =	shalt  }
0x6f: {  	_ =	shalt  }
0x70: {  	_ =	shalt  }
0x71: {  	_ =	shalt  }
0x72: {  	_ =	shalt  }
0x73: {  	_ =	shalt  }
0x74: {  	_ =	shalt  }
0x75: {  	_ =	shalt  }
0x76: {  	_ =	shalt  }
0x77: {  	_ =	shalt  }
0x78: {  	_ =	shalt  }
0x79: {  	_ =	shalt  }
0x7a: {  	_ =	shalt  }
0x7b: {  	_ =	shalt  }
0x7c: {  	_ =	shalt  }
0x7d: {  	_ =	shalt  }
0x7e: {  	_ =	shalt  }
0x7f: {  	_ =	shalt  }
0x80: {  	_ =	shalt  }
0x81: {  	_ =	shalt  }
0x82: {  	_ =	shalt  }
0x83: {  	_ =	shalt  }
0x84: {  	_ =	shalt  }
0x85: {  	_ =	shalt  }
0x86: {  	_ =	shalt  }
0x87: {  	_ =	shalt  }
.Lfunc_end0:
.L_simem_size_0:
called_computation.3_lowered:
.L_overlay_start_0:
0x88: {  	s2 =	sld [smem:$0x3FD9]  }
0x89: {  	s3 =	sld [smem:$0x3FFE];
	_ =	sdelay $0x1  }
0x8a: {  	s1 =	srdreg.scid  }
0x8b: {  	s0 =	sand.u32 $0x1, s1  }
0x8c: {  	s16 =	sshll.u32 s0, $0xA;
	s2 =	sadd.s32 s3, s2  }
0x8d: {  	s2 =	sadd.s32 s2, s16  }
0x8e: {  	[smem:$0x3FBF] =	sst s2  }
0x8f: {  	_ = 	snop  }
0x90: {  	(tm) =	ssettm $0x1  }
0x91: {  	s17 =	sld [smem:$0x3FFB];
	_ =	sdelay $0x3  }
0x92: {  	_ =	strace s17  }
0x93: {  	s2 =	sld [smem:$0x3FFC];
	_ =	sdelay $0x3  }
0x94: {  	_ =	strace s2  }
0x95: {  	s2 =	sld [smem:$0x3FFD];
	_ =	sdelay $0x3  }
0x96: {  	_ =	strace s2  }
0x97: {  	_ =	strace $0x8FFFFFFF  }
0x98: {  	s18 =	sld [smem:$0x3FDB];
	_ =	sdelay $0x1  }
0x99: {  	s19 =	simm.s32 $_scs_section_size  }
0x9a: {  	s4 =	simm.s32 $_size__tile_overlayer_lowered;
	s5 =	simm.s32 $_tile_overlayer_lowered  }
0x9b: {  	s22 =	simm.s32 $0x1BFF;
	s21 =	sshll.u32 s5, $0x1;
	s2 =	sadd.s32 s19, s18  }
0x9c: {  	s6 =	simm.s32 $0x0;
	s20 =	sshll.u32 s4, $0x1;
	s4 =	sadd.s32 s21, s2  }
0x9d: {  	[timem:s6], [sflag:s22] =	dma.local [hbm:s4], s20  }
0x9e: {  	_ =	swait.ge [sflag:s22], s20  }
0x9f: {  	s3 =	ssub.s32 $0x0, s20;
	[sflag:s22] =	ssyncset.done $0x0  }
0xa0: {  	[sflag:s22] =	ssyncadd.s32 s3;
	_ =	sdelay $0x1  }
0xa1: {  	s23 =	simm.s32 $0x1B8B  }
0xa2: {  	_ =	swait.ge [sflag:s23], $0x1  }
0xa3: {  	[sflag:s23] =	ssyncset.done $0x0  }
0xa4: {  	s25 =	simm.s32 $0x1B8E;
	s24 =	sld [smem:$0x3FFE];
	[sflag:s23] =	ssyncadd.s32 $0xFFFFFFFF  }
0xa5: {  	s26 =	simm.s32 $execute0_lowered;
	[smem:$0x3FD2] =	sst s25  }
0xa6: {  	s4 =	sshll.u32 s26, $0x1;
	_ =	strace $0x8000004F;
	[dreg:$0x1] =	wrdreg $0xFFFFFFFF  }
0xa7: {  	s28 =	simm.s32 $_size_execute0_lowered;
	s2 =	sadd.s32 s2, s4;
	[dreg:$0x0] =	wrdreg $0x0  }
0xa8: {  	s4 =	sshll.u32 s28, $0x1;
	[dreg:$0x2] =	wrdreg s2  }
0xa9: {  	[dreg:$0x3] =	wrdreg s4  }
0xaa: {  	[dreg:$0x4] =	wrdreg $0xC0  }
0xab: {  	_ =	task [dreg:s6], $0x5FFFF  }
0xac: {  	[dreg:$0x1] =	wrdreg $0xFFFFFFFF  }
0xad: {  	[dreg:$0x0] =	wrdreg $0x60  }
0xae: {  	[dreg:$0x2] =	wrdreg s24  }
0xaf: {  	[dreg:$0x3] =	wrdreg $0x0  }
0xb0: {  	[dreg:$0x4] =	wrdreg $0x9  }
0xb1: {  	_ =	task.clear_ibuf [dreg:s6], $0x5FFFF;
	_ =	strace $0x9000004F  }
0xb2: {  	s29 =	simm.s32 $0x9;
	_ =	strace $0x80000051  }
0xb3: {  	_ =	swait.ge [sflag:s29], $0x1  }
0xb4: {  	[sflag:s29] =	ssyncadd.s32 $0xFFFFFFFF  }
0xb5: {  	_ =	strace $0x90000051  }
0xb6: {  	_ =	sfence  }
0xb7: {  	s30 =	sld [smem:$0x0];
	_ =	sdelay $0x2  }
0xb8: {  	s31 =	sshll.u32 s1, $0xD;
	s1 =	sshrl.u32 s1, $0x2  }
0xb9: {  	s3 =	sand.u32 $0x4000, s31;
	s1 =	sadd.s32 s1, s30  }
0xba: {  	s0 =	sor.u32 s3, s0;
	s1 =	sshll.u32 s1, $0x11  }
0xbb: {  	s0 =	sor.u32 s1, s0  }
0xbc: {  	s0 =	sadd.s32 $0x8F2B, s0  }
0xbd: {  	[sflag:s0] =	ssyncadd.remote.s32 $0x1  }
0xbe: {  	_ =	sfence.sel $0xFFFF  }
0xbf: {  	[dreg:$0x0] =	wrdreg $0xFFFFFFFF;
	(pc) =	sbr.abs _section_cstart, $3  }
0xc0: {  	[dreg:$0x1] =	wrdreg $0xFFFFFFFF  }
0xc1: {  	_ =	task.clear_ibuf [dreg:s6], $0x2FFFF;
	_ =	strace $0x9FFFFFFF  }
0xc2: {  	(tm) =	ssettm $0x7FFFFFFF  }
0xc3: {  	_ =	shalt  }
tec
execute0_lowered:
.L_overlay_start_1:
0x0: {  	(tag) =	ssettag $0x1  }
0x1: {  	s0 =	srdreg.scid  }
0x2: {  	s5 =	rddreg [dreg:$0x0];
	s25 =	stileid.u32  }
0x3: {  	s1 =	rddreg [dreg:$0x1];
	s2 =	simm.s32 $0x0;
	s11 =	simm.s32 $0x1  }
0x4: {  	s12 =	simm.s32 $0x440;
	s13 =	simm.s32 $0x40;
	s14 =	simm.s32 $0x80  }
0x5: {  	s15 =	simm.s32 $0xC0;
	s16 =	simm.s32 $0x4440;
	s17 =	simm.s32 $0x140  }
0x6: {  	s18 =	simm.s32 $0x8440;
	s20 =	simm.s32 $0xC440;
	s21 =	simm.s32 $0x240  }
0x7: {  	s22 =	simm.s32 $0x10440;
	s8 =	sand.u32 $0x1, s0;
	[smem:$0x7FF] =	sst s2  }
0x8: {  	p0 =	seq.s32 s25, $0x0;
	p3 =	sgt.u32 s25, $0x7;
	s0 =	sshll.u32 s8, $0x3  }
0x9: {  	s9 =	ssub.s32 $0x2, s8;
	p1 =	seq.s32 s8, $0x1;
	s19 =	sor.u32 s8, s25  }
0xa: {  	s3 =	sadd.s32 s25, s0;
	s0 =	rddreg [dreg:$0x2];
	_ =	strace $0x80000050  }
0xb: {  	s10 =	sshrl.u32 s9, $0x1;
	p0 =	por !p0, !p1;
	p2 =	sne.s32 s19, $0x0  }
0xc: {  	s19 =	simm.s32 $0x1C0;
	s4 =	smul.u32 $0x2800, s3;
	s3 =	sshll.u32 s3, $0x7  }
0xd: {  	s9 =	ssub.s32 s9, s10;
	p1 =	por !p0, !p0;
	p0 =	sne.s32 s25, $0x0  }
.Ltmp0:
0xe: {  	s10 =	simm.s32 $0x1C01;
	s23 =	sshll.u32 @!p2 s25, $0x6;
	(pc) =	sbr.rel .LBB2_1-.Ltmp0, $4  }
0xf: {  	s24 =	sshrl.u32 @!p2 s1, $0x3;
	s7 =	sadd.s32 s3, s5;
	s3 =	sadd.s32 $0x19400, s5  }
0x10: {  	s8 =	smax.u32 s9, $0x1;
	s9 =	sshrl.u32 s1, $0x3;
	s23 =	sor.u32 @!p2 $0x1C01, s23  }
0x11: {  	s25 =	sshrl.u32 @p1 s1, $0x3;
	s6 =	sadd.s32 s4, s5;
	s4 =	sadd.s32 $0x4C00, s5  }
0x12: {  	s5 =	sadd.s32 $0x5400, s5;
	s7 =	sadd.s32 $0x18C00, s7;
	s6 =	sadd.s32 $0x1BC00, s6  }
.LBB2_2:
0x13: {  	[spmem:s9], [sflag:s10] =	dma.local [hbm:s3], $0x800  }
0x14: {  	_ =	swait.ge [sflag:s11], $0x800  }
0x15: {  	[sflag:s11] =	ssyncset.done $0x0  }
0x16: {  	[sflag:s11] =	ssyncadd.s32 $0xFFFFF800  }
0x17: {  	[bflag:$0x0] =	sbarrier.arrive $0xFFFF  }
.LBB2_4:
0x18: {  	[tilespmem:s12], [sflag:$0x1] =	stream.linear.gather [hbm4b:s6+s2], $0x14000, $0x38;
	[tilespmem:$0x14440] =	vst v63  }
0x19: {  	_ =	swait.ge [sflag:s11], $0x14000  }
0x1a: {  	[sflag:s11] =	ssyncset.done $0x0  }
0x1b: {  	[sflag:s11] =	ssyncadd.s32 $0xFFFEC000  }
0x1c: {  	[tilespmem:s13], [sflag:$0x1] =	stream.linear.gather [hbm4b:s7+s2], $0x280, $0x38;
	[tilespmem:$0x14440] =	vst v63  }
0x1d: {  	_ =	swait.ge [sflag:s11], $0x280  }
0x1e: {  	[sflag:s11] =	ssyncset.done $0x0  }
0x1f: {  	[sflag:s11] =	ssyncadd.s32 $0xFFFFFD80  }
0x20: {  	[spmem:s1] =	stream.indirect.scatter.add.f32 [tilespmem:s12], [sflag:$0x1], $0x8, s13, s14, $0xb8;
	[tilespmem:$0x14440] =	vst v63  }
0x21: {  	_ =	swait.ge [sflag:s11], $0x400  }
0x22: {  	[sflag:s11] =	ssyncset.done $0x0  }
0x23: {  	[sflag:s11] =	ssyncadd.s32 $0xFFFFFC00  }
0x24: {  	[spmem:s1] =	stream.indirect.scatter.add.f32 [tilespmem:s16], [sflag:$0x1], $0x8, s15, s14, $0xb8;
	[tilespmem:$0x14440] =	vst v63  }
0x25: {  	_ =	swait.ge [sflag:s11], $0x400  }
0x26: {  	[sflag:s11] =	ssyncset.done $0x0  }
0x27: {  	[sflag:s11] =	ssyncadd.s32 $0xFFFFFC00  }
0x28: {  	[spmem:s1] =	stream.indirect.scatter.add.f32 [tilespmem:s18], [sflag:$0x1], $0x8, s17, s14, $0xb8;
	[tilespmem:$0x14440] =	vst v63  }
0x29: {  	_ =	swait.ge [sflag:s11], $0x400  }
0x2a: {  	[sflag:s11] =	ssyncset.done $0x0  }
0x2b: {  	[sflag:s11] =	ssyncadd.s32 $0xFFFFFC00  }
0x2c: {  	[spmem:s1] =	stream.indirect.scatter.add.f32 [tilespmem:s20], [sflag:$0x1], $0x8, s19, s14, $0xb8;
	[tilespmem:$0x14440] =	vst v63  }
0x2d: {  	_ =	swait.ge [sflag:s11], $0x400  }
0x2e: {  	[sflag:s11] =	ssyncset.done $0x0  }
0x2f: {  	[sflag:s11] =	ssyncadd.s32 $0xFFFFFC00  }
0x30: {  	[spmem:s1] =	stream.indirect.scatter.add.f32 [tilespmem:s22], [sflag:$0x1], $0x8, s21, s14, $0xb8;
	[tilespmem:$0x14440] =	vst v63  }
0x31: {  	_ =	swait.ge [sflag:s11], $0x400  }
0x32: {  	[sflag:s11] =	ssyncset.done $0x0  }
0x33: {  	[sflag:s11] =	ssyncadd.s32 $0xFFFFFC00  }
.LBB2_5:
0x34: {  	[bflag:$0x0] =	sbarrier.arrive $0xFFFF;
	s26 =	simm.s32 @!p2 $0x1  }
0x35: {  	[hbm:s4], [sflag:s23] =	dma.local @!p2 [spmem:s24], $0x800  }
0x36: {  	_ =	swait.ge @!p2 [sflag:s26], $0x800  }
0x37: {  	s8 =	sadd.s32 $0xFFFFFFFF, s8;
	[sflag:s26] =	ssyncset.done @!p2 $0x0  }
0x38: {  	p4 =	sne.s32 s8, $0x0;
	[sflag:s26] =	ssyncadd.s32 @!p2 $0xFFFFF800;
	s26 =	simm.s32 @p1 $0x1C01  }
0x39: {  	[hbm:s5], [sflag:s26] =	dma.local @p1 [spmem:s25], $0x800  }
.Ltmp1:
0x3a: {  	_ = 	snop;
	(pc) =	sbr.rel @!p4 .LBB2_6-.Ltmp1, $4  }
0x3b: {  	s26 =	simm.s32 @p1 $0x1  }
0x3c: {  	_ =	swait.ge @p1 [sflag:s26], $0x800  }
0x3d: {  	[sflag:s26] =	ssyncset.done @p1 $0x0  }
0x3e: {  	[sflag:s26] =	ssyncadd.s32 @p1 $0xFFFFF800  }
.LBB2_1:
.Ltmp2:
0x3f: {  	(pc) =	sbr.rel @!p0 .LBB2_2-.Ltmp2, $1  }
0x40: {  	_ =	sdelay $0x3  }
.Ltmp3:
0x41: {  	(pc) =	sbr.rel @p3 .LBB2_5-.Ltmp3, $4  }
.Ltmp4:
0x42: {  	(pc) =	sbr.rel @!p3 .LBB2_4-.Ltmp4, $4  }
0x43: {  	_ = 	snop  }
0x44: {  	[bflag:$0x0] =	sbarrier.arrive $0xFFFF  }
0x45: {  	_ = 	snop  }
0x46: {  	_ = 	snop  }
.LBB2_6:
0x47: {  	_ =	sfence.sel $0x180000  }
0x48: {  	[bflag:$0x0] =	sbarrier.arrive $0xFFFF  }
0x49: {  	_ =	strace $0x90000050  }
0x4a: {  	s0 =	sadd.s32 @!p0 $0x100000, s0;
	[bflag:$0x2] =	sbarrier.arrive $0xFFFF  }
0x4b: {  	[sflag:s0] =	ssyncadd.tile.s32 @!p0 $0x1;
	_ =	shalt  }
.Lfunc_end2:
_tile_overlayer_lowered:
.L_overlay_start_2:
0x4c: {  	(tag) =	ssettag $0x2  }
0x4d: {  	s0 =	rddreg [dreg:$0x0];
	s2 =	stileid.u32  }
0x4e: {  	s1 =	rddreg [dreg:$0x1];
	p0 =	sne.s32 s2, $0x0  }
0x4f: {  	s3 =	rddreg [dreg:$0x2];
	[bflag:$0x3] =	sbarrier.arrive $0xFFFF;
	s2 =	simm.s32 @!p0 $0x1C01  }
0x50: {  	[timem:s3], [sflag:s2] =	dma.local @!p0 [hbm:s0], s1  }
0x51: {  	s0 =	simm.s32 @!p0 $0x1  }
0x52: {  	_ =	swait.ge @!p0 [sflag:s0], s1  }
0x53: {  	s1 =	ssub.s32 @!p0 $0x0, s1;
	[sflag:s0] =	ssyncset.done @!p0 $0x0  }
0x54: {  	[sflag:s0] =	ssyncadd.s32 @!p0 s1  }
0x55: {  	[bflag:$0x3] =	sbarrier.arrive $0xFFFF  }
0x56: {  	_ =	shalt  }

</sc_bundles>
